<compile_context>
chip_gen: v7x
topology: tpu7x:2x2x1
jax: 0.10.2.dev20260603
libtpu: 0.0.44.dev20260713+nightly
codegen_flags: <defaults>
</compile_context>

<pallas_src>
import functools

import jax
import jax.numpy as jnp
from jax import lax
from jax.experimental import pallas as pl
from jax.experimental.pallas import tpu as pltpu
from jax.experimental.pallas import tpu_sc as plsc

N_NODES = 10000
N_EDGES = 320000
NC = 2
NS = 16
NW = NC * NS
EPW = N_EDGES // NW
K = 80
NCHUNK = EPW // K
NPAD = 10112
RPT = NPAD // NS


def _zero_rows(buf, nrows, ncol16):
    def body(r, _):
        for j in range(ncol16):
            buf[r, pl.ds(j * 16, 16)] = jnp.zeros((16,), jnp.float32)
        return 0
    lax.fori_loop(0, nrows, body, 0)


def _copy_slab(src_buf, dst_ref, base, kc=K):
    for kk in range(RPT // kc):
        pltpu.sync_copy(src_buf, dst_ref.at[pl.ds(base + kk * kc, kc)])
    rem = RPT % kc
    if rem:
        pltpu.sync_copy(src_buf.at[pl.ds(0, rem)],
                        dst_ref.at[pl.ds(base + RPT - rem, rem)])


def _sc_degree(dst3):
    mesh = plsc.VectorSubcoreMesh(core_axis_name="c", subcore_axis_name="s")

    @functools.partial(
        pl.kernel,
        out_type=jax.ShapeDtypeStruct((NC, NPAD, 16), jnp.float32),
        mesh=mesh,
        compiler_params=pltpu.CompilerParams(use_tc_tiling_on_sc=False),
        scratch_types=[
            pltpu.VMEM((NCHUNK, K), jnp.int32),
            pltpu.VMEM((K, 16), jnp.float32),
            pltpu.VMEM_SHARED((NPAD, 16), jnp.float32),
            pltpu.SemaphoreType.DMA,
        ],
    )
    def deg_kernel(dst_hbm, out_hbm, idx_v, buf_v, acc_sh, sem):
        c = lax.axis_index("c")
        s = lax.axis_index("s")
        wid = c * NS + s
        tbase = s * RPT
        _zero_rows(buf_v, K, 1)
        _copy_slab(buf_v, acc_sh, tbase)

        def ones_row(r, _):
            buf_v[r, :] = jnp.ones((16,), jnp.float32)
            return 0
        lax.fori_loop(0, K, ones_row, 0)
        pltpu.sync_copy(dst_hbm.at[wid], idx_v)
        plsc.subcore_barrier()

        def chunk(i, _):
            pltpu.async_copy(buf_v, acc_sh.at[idx_v.at[i]], sem, add=True)
            return 0
        lax.fori_loop(0, NCHUNK, chunk, 0)

        def drain(i, _):
            pltpu.make_async_copy(buf_v, acc_sh.at[idx_v.at[i]], sem).wait()
            return 0
        lax.fori_loop(0, NCHUNK, drain, 0)
        plsc.subcore_barrier()
        pltpu.sync_copy(acc_sh.at[pl.ds(tbase, RPT)],
                        out_hbm.at[c, pl.ds(tbase, RPT)])

    return deg_kernel(dst3)


def _sc_aggregate(src3, dst3, y, d, kc, nbuf, dd):
    mesh = plsc.VectorSubcoreMesh(core_axis_name="c", subcore_axis_name="s")
    staged = d < 128
    nchunk = EPW // kc
    scratch = (
        [pltpu.VMEM((nchunk, kc), jnp.int32),
         pltpu.VMEM((nchunk, kc), jnp.int32)]
        + [pltpu.VMEM((kc, d), jnp.float32) for _ in range(nbuf)]
        + ([pltpu.VMEM_SHARED((NPAD, d), jnp.float32)] if staged else [])
        + [pltpu.VMEM_SHARED((NPAD, d), jnp.float32)]
        + [pltpu.SemaphoreType.DMA for _ in range(2 * nbuf)]
    )

    @functools.partial(
        pl.kernel,
        out_type=jax.ShapeDtypeStruct((NC, NPAD, d), jnp.float32),
        mesh=mesh,
        compiler_params=pltpu.CompilerParams(use_tc_tiling_on_sc=False),
        scratch_types=scratch,
    )
    def agg_kernel(src_hbm, dst_hbm, y_hbm, out_hbm, src_v, dst_v, *rest):
        bufs = rest[:nbuf]
        rest = rest[nbuf:]
        if staged:
            y_sh = rest[0]
            rest = rest[1:]
        acc_sh = rest[0]
        gsem = rest[1:1 + nbuf]
        ssem = rest[1 + nbuf:1 + 2 * nbuf]
        c = lax.axis_index("c")
        s = lax.axis_index("s")
        wid = c * NS + s
        tbase = s * RPT
        _zero_rows(bufs[0], kc, d // 16)
        _copy_slab(bufs[0], acc_sh, tbase, kc)
        pltpu.sync_copy(src_hbm.at[wid], src_v)
        pltpu.sync_copy(dst_hbm.at[wid], dst_v)
        if staged:
            ty = jnp.minimum(tbase, N_NODES - RPT)
            pltpu.sync_copy(y_hbm.at[pl.ds(ty, RPT)],
                            y_sh.at[pl.ds(ty, RPT)])
            table = y_sh
        else:
            table = y_hbm
        plsc.subcore_barrier()

        def gather(b, i):
            pltpu.async_copy(table.at[src_v.at[i]], bufs[b], gsem[b])

        def gather_wait(b, i):
            pltpu.make_async_copy(table.at[src_v.at[i]], bufs[b],
                                  gsem[b]).wait()

        def scat(b, i):
            pltpu.async_copy(bufs[b], acc_sh.at[dst_v.at[i]], ssem[b],
                             add=True)

        def scat_wait(b, i):
            pltpu.make_async_copy(bufs[b], acc_sh.at[dst_v.at[i]],
                                  ssem[b]).wait()

        nvisit = nchunk + dd
        nstep = (nvisit + nbuf - 1) // nbuf

        def step(g, _):
            for b in range(nbuf):
                i = g * nbuf + b

                @pl.when(jnp.logical_and(i >= nbuf, i < nchunk))
                def _():
                    scat_wait(b, i - nbuf)

                @pl.when(i < nchunk)
                def _():
                    gather(b, i)

                j = i - dd
                bj = (b - dd) % nbuf

                @pl.when(jnp.logical_and(j >= 0, j < nchunk))
                def _():
                    gather_wait(bj, j)
                    scat(bj, j)
            return 0
        lax.fori_loop(0, nstep, step, 0)
        for j in range(nchunk - nbuf, nchunk):
            scat_wait(j % nbuf, j)
        plsc.subcore_barrier()
        pltpu.sync_copy(acc_sh.at[pl.ds(tbase, RPT)],
                        out_hbm.at[c, pl.ds(tbase, RPT)])

    return agg_kernel(src3, dst3, y)


def _dinv_block(dp0, dp1):
    return lax.rsqrt(dp0[:, 0:1] + dp1[:, 0:1] + 1.0)


def _tc_matmul(x, W1, bm=1000):
    m, din = x.shape
    h = W1.shape[1]

    def body(x_ref, w_ref, y_ref):
        y_ref[...] = jnp.dot(x_ref[...], w_ref[...],
                             preferred_element_type=jnp.float32)

    return pl.pallas_call(
        body,
        grid=(m // bm,),
        in_specs=[
            pl.BlockSpec((bm, din), lambda i: (i, 0)),
            pl.BlockSpec((din, h), lambda i: (0, 0)),
        ],
        out_specs=pl.BlockSpec((bm, h), lambda i: (i, 0)),
        out_shape=jax.ShapeDtypeStruct((m, h), jnp.float32),
    )(x, W1)


def _tc_scale(xw, degP, bm=1000):
    m, h = xw.shape

    def body(x_ref, dp_ref, y_ref):
        dinv = _dinv_block(dp_ref[0], dp_ref[1])
        y_ref[...] = x_ref[...] * dinv

    return pl.pallas_call(
        body,
        grid=(m // bm,),
        in_specs=[
            pl.BlockSpec((bm, h), lambda i: (i, 0)),
            pl.BlockSpec((2, bm, 16), lambda i: (0, i, 0)),
        ],
        out_specs=pl.BlockSpec((bm, h), lambda i: (i, 0)),
        out_shape=jax.ShapeDtypeStruct((m, h), jnp.float32),
    )(xw, degP)


def _tc_layer1_post(z, y1, degP, W2, b1, a, bm=1000):
    m, h = y1.shape
    h2 = W2.shape[1]

    def body(z0_ref, z1_ref, y1_ref, dp_ref, w_ref, b_ref, a_ref, y2_ref):
        dinv = _dinv_block(dp_ref[0], dp_ref[1])
        sv = (z0_ref[0] + z1_ref[0] + y1_ref[...]) * dinv + b_ref[...]
        h1 = jnp.where(sv >= 0.0, sv, sv * a_ref[...])
        y2_ref[...] = jnp.dot(h1, w_ref[...],
                              preferred_element_type=jnp.float32) * dinv

    return pl.pallas_call(
        body,
        grid=(m // bm,),
        in_specs=[
            pl.BlockSpec((1, bm, h), lambda i: (0, i, 0)),
            pl.BlockSpec((1, bm, h), lambda i: (1, i, 0)),
            pl.BlockSpec((bm, h), lambda i: (i, 0)),
            pl.BlockSpec((2, bm, 16), lambda i: (0, i, 0)),
            pl.BlockSpec((h, h2), lambda i: (0, 0)),
            pl.BlockSpec((1, h), lambda i: (0, 0)),
            pl.BlockSpec((1, 1), lambda i: (0, 0)),
        ],
        out_specs=pl.BlockSpec((bm, h2), lambda i: (i, 0)),
        out_shape=jax.ShapeDtypeStruct((m, h2), jnp.float32),
    )(z, z, y1, degP, W2, b1.reshape(1, h), a.reshape(1, 1))


def _tc_layer2_post(z, y2, degP, b2, fcW, fcb, a, bm=1000):
    m, h2 = y2.shape
    od = fcW.shape[1]

    def body(z0_ref, z1_ref, y2_ref, dp_ref, b_ref, w_ref, fb_ref, a_ref,
             f_ref, l_ref):
        dinv = _dinv_block(dp_ref[0], dp_ref[1])
        tv = (z0_ref[0] + z1_ref[0] + y2_ref[...]) * dinv + b_ref[...]
        f2 = jnp.where(tv >= 0.0, tv, tv * a_ref[...])
        f_ref[...] = f2
        l_ref[...] = jnp.dot(f2, w_ref[...],
                             preferred_element_type=jnp.float32) + fb_ref[...]

    return pl.pallas_call(
        body,
        grid=(m // bm,),
        in_specs=[
            pl.BlockSpec((1, bm, h2), lambda i: (0, i, 0)),
            pl.BlockSpec((1, bm, h2), lambda i: (1, i, 0)),
            pl.BlockSpec((bm, h2), lambda i: (i, 0)),
            pl.BlockSpec((2, bm, 16), lambda i: (0, i, 0)),
            pl.BlockSpec((1, h2), lambda i: (0, 0)),
            pl.BlockSpec((h2, od), lambda i: (0, 0)),
            pl.BlockSpec((1, od), lambda i: (0, 0)),
            pl.BlockSpec((1, 1), lambda i: (0, 0)),
        ],
        out_specs=[
            pl.BlockSpec((bm, h2), lambda i: (i, 0)),
            pl.BlockSpec((bm, od), lambda i: (i, 0)),
        ],
        out_shape=[
            jax.ShapeDtypeStruct((m, h2), jnp.float32),
            jax.ShapeDtypeStruct((m, od), jnp.float32),
        ],
    )(z, z, y2, degP, b2.reshape(1, h2), fcW, fcb.reshape(1, od),
      a.reshape(1, 1))


def kernel(x, edge_index, W1, b1, W2, b2, fcW, fcb, a):
    src = edge_index[0].astype(jnp.int32)
    dst = edge_index[1].astype(jnp.int32)
    src80 = src.reshape(NW, NCHUNK, K)
    dst80 = dst.reshape(NW, NCHUNK, K)
    src40 = src.reshape(NW, EPW // 40, 40)
    dst40 = dst.reshape(NW, EPW // 40, 40)

    xw = _tc_matmul(x, W1)
    degP = _sc_degree(dst80)
    y1 = _tc_scale(xw, degP)
    z1 = _sc_aggregate(src40, dst40, y1, 128, kc=40, nbuf=5, dd=2)
    y2 = _tc_layer1_post(z1, y1, degP, W2, b1, a)
    z2 = _sc_aggregate(src40, dst40, y2, 16, kc=40, nbuf=4, dd=2)
    feat2, logits = _tc_layer2_post(z2, y2, degP, b2, fcW, fcb, a)
    return (feat2, logits)

# --- scband reference (transcript-rebuilt; emitter-appended) ---
"""Pipeline reference for scband-gcnclassifier-4174708212139 (READ-ONLY COPY).

The authoritative reference and input builder live on the scoring server;
editing this copy changes nothing except your own understanding.
"""

import jax, jax.numpy as jnp
import numpy as np

N_NODES = 10000
IN_DIM = 128
H1 = 128
H2 = 16
OUT_DIM = 40
N_EDGES = 320000


def gcn_conv(x, src, dst, W, b, num_nodes):
    # PyG GCNConv: linear -> add self-loops -> sym-normalized aggregation -> bias
    xw = x @ W
    loop = jnp.arange(num_nodes, dtype=src.dtype)
    src_f = jnp.concatenate([src, loop])
    dst_f = jnp.concatenate([dst, loop])
    ones = jnp.ones(src_f.shape[0], dtype=xw.dtype)
    deg = jax.ops.segment_sum(ones, dst_f, num_segments=num_nodes)
    dinv = jnp.where(deg > 0, deg ** -0.5, 0.0)
    norm = dinv[src_f] * dinv[dst_f]
    msg = xw[src_f] * norm[:, None]
    out = jax.ops.segment_sum(msg, dst_f, num_segments=num_nodes)
    return out + b


def prelu(x, a):
    return jnp.where(x >= 0, x, a * x)


def setup_inputs(seed: int = 0) -> dict:
    key = jax.random.key(seed)
    ks = jax.random.split(key, 10)
    x = jax.random.normal(ks[0], (N_NODES, IN_DIM), dtype=jnp.float32)
    edge_index = jax.random.randint(ks[1], (2, N_EDGES), 0, N_NODES, dtype=jnp.int64)
    W1 = jax.random.normal(ks[2], (IN_DIM, H1), dtype=jnp.float32) * (1.0 / np.sqrt(IN_DIM))
    b1 = jnp.zeros((H1,), dtype=jnp.float32)
    W2 = jax.random.normal(ks[3], (H1, H2), dtype=jnp.float32) * (1.0 / np.sqrt(H1))
    b2 = jnp.zeros((H2,), dtype=jnp.float32)
    fcW = jax.random.normal(ks[4], (H2, OUT_DIM), dtype=jnp.float32) * (1.0 / np.sqrt(H2))
    fcb = jnp.zeros((OUT_DIM,), dtype=jnp.float32)
    a = jnp.float32(0.25)
    return {"x": x, "edge_index": edge_index, "W1": W1, "b1": b1, "W2": W2, "b2": b2, "fcW": fcW, "fcb": fcb, "a": a}


def reference(x, edge_index, W1, b1, W2, b2, fcW, fcb, a):
    num_nodes = x.shape[0]
    src = edge_index[0]
    dst = edge_index[1]
    # dropout is identity in eval/deterministic mode
    feat1 = prelu(gcn_conv(x, src, dst, W1, b1, num_nodes), a)
    feat2 = prelu(gcn_conv(feat1, src, dst, W2, b2, num_nodes), a)
    logits = feat2 @ fcW + fcb
    return (feat2, logits)

if __name__ == "__main__":
    import jax
    _d = setup_inputs()
    print(jax.jit(kernel)(*tuple(_d.values())))

</pallas_src>

<mosaic_0001>
#map = affine_map<(d0, d1) -> (0, 0, 0)>
#map1 = affine_map<(d0, d1) -> (0, 0)>
module attributes {stable_mosaic.version = 14 : i64} {
  func.func @agg_kernel(%arg0: i32, %arg1: i32, %arg2: memref<32x250x40xi32, #tpu.memory_space<hbm>>, %arg3: memref<32x250x40xi32, #tpu.memory_space<hbm>>, %arg4: memref<10000x16xf32, #tpu.memory_space<hbm>>, %arg5: memref<2x10112x16xf32, #tpu.memory_space<hbm>>, %arg6: memref<250x40xi32, #tpu.memory_space<vmem>>, %arg7: memref<250x40xi32, #tpu.memory_space<vmem>>, %arg8: memref<40x16xf32, #tpu.memory_space<vmem>>, %arg9: memref<40x16xf32, #tpu.memory_space<vmem>>, %arg10: memref<40x16xf32, #tpu.memory_space<vmem>>, %arg11: memref<40x16xf32, #tpu.memory_space<vmem>>, %arg12: memref<10112x16xf32, #tpu.memory_space<vmem_shared>>, %arg13: memref<10112x16xf32, #tpu.memory_space<vmem_shared>>, %arg14: memref<!tpu.dma_semaphore, #tpu.memory_space<semaphore_mem>>, %arg15: memref<!tpu.dma_semaphore, #tpu.memory_space<semaphore_mem>>, %arg16: memref<!tpu.dma_semaphore, #tpu.memory_space<semaphore_mem>>, %arg17: memref<!tpu.dma_semaphore, #tpu.memory_space<semaphore_mem>>, %arg18: memref<!tpu.dma_semaphore, #tpu.memory_space<semaphore_mem>>, %arg19: memref<!tpu.dma_semaphore, #tpu.memory_space<semaphore_mem>>, %arg20: memref<!tpu.dma_semaphore, #tpu.memory_space<semaphore_mem>>, %arg21: memref<!tpu.dma_semaphore, #tpu.memory_space<semaphore_mem>>) attributes {dimension_semantics = [#tpu.dimension_semantics<core_parallel>, #tpu.dimension_semantics<subcore_parallel>], iteration_bounds = array<i64: 2, 16>, scalar_prefetch = 0 : i64, scratch_operands = 16 : i64, tpu.core_type = #tpu.core_type<sc_vector_subcore>, window_params = [{transform_indices = #map}, {transform_indices = #map}, {transform_indices = #map1}, {transform_indices = #map}]} {
    %mul3A = arith.constant 16 : i32
    %mul3A_0 = arith.muli %arg0, %mul3A : i32
    %add3A = arith.addi %mul3A_0, %arg1 : i32
    %mul3A_1 = arith.constant 632 : i32
    %mul3A_2 = arith.muli %arg1, %mul3A_1 : i32
    %scan3A = arith.constant 0 : i32
    %scan3A_3 = arith.constant 0 : i32
    %scan3A_4 = arith.constant 40 : i32
    %scan3A_5 = arith.addi %scan3A_3, %scan3A_4 : i32
    %scan3A_6 = arith.constant 1 : i32
    %scan3A_7 = scf.for %scan3A_78 = %scan3A_3 to %scan3A_5 step %scan3A_6 iter_args(%scan3A_79 = %scan3A) -> (i32)  : i32 {
      %broadcast_in_dim3A = arith.constant 0.000000e+00 : f32
      %broadcast_in_dim3A_80 = vector.broadcast %broadcast_in_dim3A : f32 to vector<16xf32>
      %swap3A = arith.index_cast %scan3A_78 : i32 to index
      %swap3A_81 = arith.constant 0 : index
      %swap3A_82 = tpu.vector_load %arg8[%swap3A, %swap3A_81] {strides = array<i32>} : memref<40x16xf32, #tpu.memory_space<vmem>>, vector<1x16xf32>,
      %swap3A_83 = vector.shape_cast %swap3A_82 : vector<1x16xf32> to vector<16xf32>
      %swap3A_84 = vector.shape_cast %broadcast_in_dim3A_80 : vector<16xf32> to vector<1x16xf32>
      tpu.vector_store %arg8[%swap3A, %swap3A_81], %swap3A_84 {strides = array<i32>} : memref<40x16xf32, #tpu.memory_space<vmem>>, vector<1x16xf32>,
      %scan3A_85 = arith.constant 0 : i32
      scf.yield %scan3A_85 : i32
    }
    %scan3A_8 = arith.constant 40 : i32
    %add3A_9 = arith.constant 0 : i32
    %add3A_10 = arith.addi %mul3A_2, %add3A_9 : i32
    "tpu.region"() ({
      %run_scoped3A = tpu.sem_alloc : memref<!tpu.dma_semaphore, #tpu.memory_space<semaphore_mem>>
      %dma_start3A = arith.constant 0 : i32
      %dma_start3A_78 = tpu.memref_slice %arg13[%add3A_10, %dma_start3A] : memref<10112x16xf32, #tpu.memory_space<vmem_shared>> -> memref<40x16xf32, #tpu.memory_space<vmem_shared>>
      %dma_start3A_79 = arith.constant 0 : i32
      %dma_start3A_80 = tpu.memref_slice %arg13[%add3A_10, %dma_start3A_79] : memref<10112x16xf32, #tpu.memory_space<vmem_shared>> -> memref<40x16xf32, #tpu.memory_space<vmem_shared>>
      tpu.enqueue_dma source(%arg8 : memref<40x16xf32, #tpu.memory_space<vmem>>) target(%dma_start3A_80 : memref<40x16xf32, #tpu.memory_space<vmem_shared>>) target_semaphore(%run_scoped3A : memref<!tpu.dma_semaphore, #tpu.memory_space<semaphore_mem>>)
      %dma_wait3A_81 = arith.constant 0 : i32
      %dma_wait3A_82 = tpu.memref_slice %arg13[%add3A_10, %dma_wait3A_81] : memref<10112x16xf32, #tpu.memory_space<vmem_shared>> -> memref<40x16xf32, #tpu.memory_space<vmem_shared>>
      %dma_wait3A_83 = arith.constant 0 : i32
      %dma_wait3A_84 = tpu.memref_slice %arg13[%add3A_10, %dma_wait3A_83] : memref<10112x16xf32, #tpu.memory_space<vmem_shared>> -> memref<40x16xf32, #tpu.memory_space<vmem_shared>>
      tpu.wait_dma2 semaphore(%run_scoped3A : memref<!tpu.dma_semaphore, #tpu.memory_space<semaphore_mem>>) src(%arg8 : memref<40x16xf32, #tpu.memory_space<vmem>>) dst(%dma_wait3A_84 : memref<40x16xf32, #tpu.memory_space<vmem_shared>>)
      tpu.yield
    }) : () -> ()
    %add3A_11 = arith.constant 40 : i32
    %add3A_12 = arith.addi %mul3A_2, %add3A_11 : i32
    "tpu.region"() ({
      %run_scoped3A = tpu.sem_alloc : memref<!tpu.dma_semaphore, #tpu.memory_space<semaphore_mem>>
      %dma_start3A = arith.constant 0 : i32
      %dma_start3A_78 = tpu.memref_slice %arg13[%add3A_12, %dma_start3A] : memref<10112x16xf32, #tpu.memory_space<vmem_shared>> -> memref<40x16xf32, #tpu.memory_space<vmem_shared>>
      %dma_start3A_79 = arith.constant 0 : i32
      %dma_start3A_80 = tpu.memref_slice %arg13[%add3A_12, %dma_start3A_79] : memref<10112x16xf32, #tpu.memory_space<vmem_shared>> -> memref<40x16xf32, #tpu.memory_space<vmem_shared>>
      tpu.enqueue_dma source(%arg8 : memref<40x16xf32, #tpu.memory_space<vmem>>) target(%dma_start3A_80 : memref<40x16xf32, #tpu.memory_space<vmem_shared>>) target_semaphore(%run_scoped3A : memref<!tpu.dma_semaphore, #tpu.memory_space<semaphore_mem>>)
      %dma_wait3A_81 = arith.constant 0 : i32
      %dma_wait3A_82 = tpu.memref_slice %arg13[%add3A_12, %dma_wait3A_81] : memref<10112x16xf32, #tpu.memory_space<vmem_shared>> -> memref<40x16xf32, #tpu.memory_space<vmem_shared>>
      %dma_wait3A_83 = arith.constant 0 : i32
      %dma_wait3A_84 = tpu.memref_slice %arg13[%add3A_12, %dma_wait3A_83] : memref<10112x16xf32, #tpu.memory_space<vmem_shared>> -> memref<40x16xf32, #tpu.memory_space<vmem_shared>>
      tpu.wait_dma2 semaphore(%run_scoped3A : memref<!tpu.dma_semaphore, #tpu.memory_space<semaphore_mem>>) src(%arg8 : memref<40x16xf32, #tpu.memory_space<vmem>>) dst(%dma_wait3A_84 : memref<40x16xf32, #tpu.memory_space<vmem_shared>>)
      tpu.yield
    }) : () -> ()
    %add3A_13 = arith.constant 80 : i32
    %add3A_14 = arith.addi %mul3A_2, %add3A_13 : i32
    "tpu.region"() ({
      %run_scoped3A = tpu.sem_alloc : memref<!tpu.dma_semaphore, #tpu.memory_space<semaphore_mem>>
      %dma_start3A = arith.constant 0 : i32
      %dma_start3A_78 = tpu.memref_slice %arg13[%add3A_14, %dma_start3A] : memref<10112x16xf32, #tpu.memory_space<vmem_shared>> -> memref<40x16xf32, #tpu.memory_space<vmem_shared>>
      %dma_start3A_79 = arith.constant 0 : i32
      %dma_start3A_80 = tpu.memref_slice %arg13[%add3A_14, %dma_start3A_79] : memref<10112x16xf32, #tpu.memory_space<vmem_shared>> -> memref<40x16xf32, #tpu.memory_space<vmem_shared>>
      tpu.enqueue_dma source(%arg8 : memref<40x16xf32, #tpu.memory_space<vmem>>) target(%dma_start3A_80 : memref<40x16xf32, #tpu.memory_space<vmem_shared>>) target_semaphore(%run_scoped3A : memref<!tpu.dma_semaphore, #tpu.memory_space<semaphore_mem>>)
      %dma_wait3A_81 = arith.constant 0 : i32
      %dma_wait3A_82 = tpu.memref_slice %arg13[%add3A_14, %dma_wait3A_81] : memref<10112x16xf32, #tpu.memory_space<vmem_shared>> -> memref<40x16xf32, #tpu.memory_space<vmem_shared>>
      %dma_wait3A_83 = arith.constant 0 : i32
      %dma_wait3A_84 = tpu.memref_slice %arg13[%add3A_14, %dma_wait3A_83] : memref<10112x16xf32, #tpu.memory_space<vmem_shared>> -> memref<40x16xf32, #tpu.memory_space<vmem_shared>>
      tpu.wait_dma2 semaphore(%run_scoped3A : memref<!tpu.dma_semaphore, #tpu.memory_space<semaphore_mem>>) src(%arg8 : memref<40x16xf32, #tpu.memory_space<vmem>>) dst(%dma_wait3A_84 : memref<40x16xf32, #tpu.memory_space<vmem_shared>>)
      tpu.yield
    }) : () -> ()
    %add3A_15 = arith.constant 120 : i32
    %add3A_16 = arith.addi %mul3A_2, %add3A_15 : i32
    "tpu.region"() ({
      %run_scoped3A = tpu.sem_alloc : memref<!tpu.dma_semaphore, #tpu.memory_space<semaphore_mem>>
      %dma_start3A = arith.constant 0 : i32
      %dma_start3A_78 = tpu.memref_slice %arg13[%add3A_16, %dma_start3A] : memref<10112x16xf32, #tpu.memory_space<vmem_shared>> -> memref<40x16xf32, #tpu.memory_space<vmem_shared>>
      %dma_start3A_79 = arith.constant 0 : i32
      %dma_start3A_80 = tpu.memref_slice %arg13[%add3A_16, %dma_start3A_79] : memref<10112x16xf32, #tpu.memory_space<vmem_shared>> -> memref<40x16xf32, #tpu.memory_space<vmem_shared>>
      tpu.enqueue_dma source(%arg8 : memref<40x16xf32, #tpu.memory_space<vmem>>) target(%dma_start3A_80 : memref<40x16xf32, #tpu.memory_space<vmem_shared>>) target_semaphore(%run_scoped3A : memref<!tpu.dma_semaphore, #tpu.memory_space<semaphore_mem>>)
      %dma_wait3A_81 = arith.constant 0 : i32
      %dma_wait3A_82 = tpu.memref_slice %arg13[%add3A_16, %dma_wait3A_81] : memref<10112x16xf32, #tpu.memory_space<vmem_shared>> -> memref<40x16xf32, #tpu.memory_space<vmem_shared>>
      %dma_wait3A_83 = arith.constant 0 : i32
      %dma_wait3A_84 = tpu.memref_slice %arg13[%add3A_16, %dma_wait3A_83] : memref<10112x16xf32, #tpu.memory_space<vmem_shared>> -> memref<40x16xf32, #tpu.memory_space<vmem_shared>>
      tpu.wait_dma2 semaphore(%run_scoped3A : memref<!tpu.dma_semaphore, #tpu.memory_space<semaphore_mem>>) src(%arg8 : memref<40x16xf32, #tpu.memory_space<vmem>>) dst(%dma_wait3A_84 : memref<40x16xf32, #tpu.memory_space<vmem_shared>>)
      tpu.yield
    }) : () -> ()
    %add3A_17 = arith.constant 160 : i32
    %add3A_18 = arith.addi %mul3A_2, %add3A_17 : i32
    "tpu.region"() ({
      %run_scoped3A = tpu.sem_alloc : memref<!tpu.dma_semaphore, #tpu.memory_space<semaphore_mem>>
      %dma_start3A = arith.constant 0 : i32
      %dma_start3A_78 = tpu.memref_slice %arg13[%add3A_18, %dma_start3A] : memref<10112x16xf32, #tpu.memory_space<vmem_shared>> -> memref<40x16xf32, #tpu.memory_space<vmem_shared>>
      %dma_start3A_79 = arith.constant 0 : i32
      %dma_start3A_80 = tpu.memref_slice %arg13[%add3A_18, %dma_start3A_79] : memref<10112x16xf32, #tpu.memory_space<vmem_shared>> -> memref<40x16xf32, #tpu.memory_space<vmem_shared>>
      tpu.enqueue_dma source(%arg8 : memref<40x16xf32, #tpu.memory_space<vmem>>) target(%dma_start3A_80 : memref<40x16xf32, #tpu.memory_space<vmem_shared>>) target_semaphore(%run_scoped3A : memref<!tpu.dma_semaphore, #tpu.memory_space<semaphore_mem>>)
      %dma_wait3A_81 = arith.constant 0 : i32
      %dma_wait3A_82 = tpu.memref_slice %arg13[%add3A_18, %dma_wait3A_81] : memref<10112x16xf32, #tpu.memory_space<vmem_shared>> -> memref<40x16xf32, #tpu.memory_space<vmem_shared>>
      %dma_wait3A_83 = arith.constant 0 : i32
      %dma_wait3A_84 = tpu.memref_slice %arg13[%add3A_18, %dma_wait3A_83] : memref<10112x16xf32, #tpu.memory_space<vmem_shared>> -> memref<40x16xf32, #tpu.memory_space<vmem_shared>>
      tpu.wait_dma2 semaphore(%run_scoped3A : memref<!tpu.dma_semaphore, #tpu.memory_space<semaphore_mem>>) src(%arg8 : memref<40x16xf32, #tpu.memory_space<vmem>>) dst(%dma_wait3A_84 : memref<40x16xf32, #tpu.memory_space<vmem_shared>>)
      tpu.yield
    }) : () -> ()
    %add3A_19 = arith.constant 200 : i32
    %add3A_20 = arith.addi %mul3A_2, %add3A_19 : i32
    "tpu.region"() ({
      %run_scoped3A = tpu.sem_alloc : memref<!tpu.dma_semaphore, #tpu.memory_space<semaphore_mem>>
      %dma_start3A = arith.constant 0 : i32
      %dma_start3A_78 = tpu.memref_slice %arg13[%add3A_20, %dma_start3A] : memref<10112x16xf32, #tpu.memory_space<vmem_shared>> -> memref<40x16xf32, #tpu.memory_space<vmem_shared>>
      %dma_start3A_79 = arith.constant 0 : i32
      %dma_start3A_80 = tpu.memref_slice %arg13[%add3A_20, %dma_start3A_79] : memref<10112x16xf32, #tpu.memory_space<vmem_shared>> -> memref<40x16xf32, #tpu.memory_space<vmem_shared>>
      tpu.enqueue_dma source(%arg8 : memref<40x16xf32, #tpu.memory_space<vmem>>) target(%dma_start3A_80 : memref<40x16xf32, #tpu.memory_space<vmem_shared>>) target_semaphore(%run_scoped3A : memref<!tpu.dma_semaphore, #tpu.memory_space<semaphore_mem>>)
      %dma_wait3A_81 = arith.constant 0 : i32
      %dma_wait3A_82 = tpu.memref_slice %arg13[%add3A_20, %dma_wait3A_81] : memref<10112x16xf32, #tpu.memory_space<vmem_shared>> -> memref<40x16xf32, #tpu.memory_space<vmem_shared>>
      %dma_wait3A_83 = arith.constant 0 : i32
      %dma_wait3A_84 = tpu.memref_slice %arg13[%add3A_20, %dma_wait3A_83] : memref<10112x16xf32, #tpu.memory_space<vmem_shared>> -> memref<40x16xf32, #tpu.memory_space<vmem_shared>>
      tpu.wait_dma2 semaphore(%run_scoped3A : memref<!tpu.dma_semaphore, #tpu.memory_space<semaphore_mem>>) src(%arg8 : memref<40x16xf32, #tpu.memory_space<vmem>>) dst(%dma_wait3A_84 : memref<40x16xf32, #tpu.memory_space<vmem_shared>>)
      tpu.yield
    }) : () -> ()
    %add3A_21 = arith.constant 240 : i32
    %add3A_22 = arith.addi %mul3A_2, %add3A_21 : i32
    "tpu.region"() ({
      %run_scoped3A = tpu.sem_alloc : memref<!tpu.dma_semaphore, #tpu.memory_space<semaphore_mem>>
      %dma_start3A = arith.constant 0 : i32
      %dma_start3A_78 = tpu.memref_slice %arg13[%add3A_22, %dma_start3A] : memref<10112x16xf32, #tpu.memory_space<vmem_shared>> -> memref<40x16xf32, #tpu.memory_space<vmem_shared>>
      %dma_start3A_79 = arith.constant 0 : i32
      %dma_start3A_80 = tpu.memref_slice %arg13[%add3A_22, %dma_start3A_79] : memref<10112x16xf32, #tpu.memory_space<vmem_shared>> -> memref<40x16xf32, #tpu.memory_space<vmem_shared>>
      tpu.enqueue_dma source(%arg8 : memref<40x16xf32, #tpu.memory_space<vmem>>) target(%dma_start3A_80 : memref<40x16xf32, #tpu.memory_space<vmem_shared>>) target_semaphore(%run_scoped3A : memref<!tpu.dma_semaphore, #tpu.memory_space<semaphore_mem>>)
      %dma_wait3A_81 = arith.constant 0 : i32
      %dma_wait3A_82 = tpu.memref_slice %arg13[%add3A_22, %dma_wait3A_81] : memref<10112x16xf32, #tpu.memory_space<vmem_shared>> -> memref<40x16xf32, #tpu.memory_space<vmem_shared>>
      %dma_wait3A_83 = arith.constant 0 : i32
      %dma_wait3A_84 = tpu.memref_slice %arg13[%add3A_22, %dma_wait3A_83] : memref<10112x16xf32, #tpu.memory_space<vmem_shared>> -> memref<40x16xf32, #tpu.memory_space<vmem_shared>>
      tpu.wait_dma2 semaphore(%run_scoped3A : memref<!tpu.dma_semaphore, #tpu.memory_space<semaphore_mem>>) src(%arg8 : memref<40x16xf32, #tpu.memory_space<vmem>>) dst(%dma_wait3A_84 : memref<40x16xf32, #tpu.memory_space<vmem_shared>>)
      tpu.yield
    }) : () -> ()
    %add3A_23 = arith.constant 280 : i32
    %add3A_24 = arith.addi %mul3A_2, %add3A_23 : i32
    "tpu.region"() ({
      %run_scoped3A = tpu.sem_alloc : memref<!tpu.dma_semaphore, #tpu.memory_space<semaphore_mem>>
      %dma_start3A = arith.constant 0 : i32
      %dma_start3A_78 = tpu.memref_slice %arg13[%add3A_24, %dma_start3A] : memref<10112x16xf32, #tpu.memory_space<vmem_shared>> -> memref<40x16xf32, #tpu.memory_space<vmem_shared>>
      %dma_start3A_79 = arith.constant 0 : i32
      %dma_start3A_80 = tpu.memref_slice %arg13[%add3A_24, %dma_start3A_79] : memref<10112x16xf32, #tpu.memory_space<vmem_shared>> -> memref<40x16xf32, #tpu.memory_space<vmem_shared>>
      tpu.enqueue_dma source(%arg8 : memref<40x16xf32, #tpu.memory_space<vmem>>) target(%dma_start3A_80 : memref<40x16xf32, #tpu.memory_space<vmem_shared>>) target_semaphore(%run_scoped3A : memref<!tpu.dma_semaphore, #tpu.memory_space<semaphore_mem>>)
      %dma_wait3A_81 = arith.constant 0 : i32
      %dma_wait3A_82 = tpu.memref_slice %arg13[%add3A_24, %dma_wait3A_81] : memref<10112x16xf32, #tpu.memory_space<vmem_shared>> -> memref<40x16xf32, #tpu.memory_space<vmem_shared>>
      %dma_wait3A_83 = arith.constant 0 : i32
      %dma_wait3A_84 = tpu.memref_slice %arg13[%add3A_24, %dma_wait3A_83] : memref<10112x16xf32, #tpu.memory_space<vmem_shared>> -> memref<40x16xf32, #tpu.memory_space<vmem_shared>>
      tpu.wait_dma2 semaphore(%run_scoped3A : memref<!tpu.dma_semaphore, #tpu.memory_space<semaphore_mem>>) src(%arg8 : memref<40x16xf32, #tpu.memory_space<vmem>>) dst(%dma_wait3A_84 : memref<40x16xf32, #tpu.memory_space<vmem_shared>>)
      tpu.yield
    }) : () -> ()
    %add3A_25 = arith.constant 320 : i32
    %add3A_26 = arith.addi %mul3A_2, %add3A_25 : i32
    "tpu.region"() ({
      %run_scoped3A = tpu.sem_alloc : memref<!tpu.dma_semaphore, #tpu.memory_space<semaphore_mem>>
      %dma_start3A = arith.constant 0 : i32
      %dma_start3A_78 = tpu.memref_slice %arg13[%add3A_26, %dma_start3A] : memref<10112x16xf32, #tpu.memory_space<vmem_shared>> -> memref<40x16xf32, #tpu.memory_space<vmem_shared>>
      %dma_start3A_79 = arith.constant 0 : i32
      %dma_start3A_80 = tpu.memref_slice %arg13[%add3A_26, %dma_start3A_79] : memref<10112x16xf32, #tpu.memory_space<vmem_shared>> -> memref<40x16xf32, #tpu.memory_space<vmem_shared>>
      tpu.enqueue_dma source(%arg8 : memref<40x16xf32, #tpu.memory_space<vmem>>) target(%dma_start3A_80 : memref<40x16xf32, #tpu.memory_space<vmem_shared>>) target_semaphore(%run_scoped3A : memref<!tpu.dma_semaphore, #tpu.memory_space<semaphore_mem>>)
      %dma_wait3A_81 = arith.constant 0 : i32
      %dma_wait3A_82 = tpu.memref_slice %arg13[%add3A_26, %dma_wait3A_81] : memref<10112x16xf32, #tpu.memory_space<vmem_shared>> -> memref<40x16xf32, #tpu.memory_space<vmem_shared>>
      %dma_wait3A_83 = arith.constant 0 : i32
      %dma_wait3A_84 = tpu.memref_slice %arg13[%add3A_26, %dma_wait3A_83] : memref<10112x16xf32, #tpu.memory_space<vmem_shared>> -> memref<40x16xf32, #tpu.memory_space<vmem_shared>>
      tpu.wait_dma2 semaphore(%run_scoped3A : memref<!tpu.dma_semaphore, #tpu.memory_space<semaphore_mem>>) src(%arg8 : memref<40x16xf32, #tpu.memory_space<vmem>>) dst(%dma_wait3A_84 : memref<40x16xf32, #tpu.memory_space<vmem_shared>>)
      tpu.yield
    }) : () -> ()
    %add3A_27 = arith.constant 360 : i32
    %add3A_28 = arith.addi %mul3A_2, %add3A_27 : i32
    "tpu.region"() ({
      %run_scoped3A = tpu.sem_alloc : memref<!tpu.dma_semaphore, #tpu.memory_space<semaphore_mem>>
      %dma_start3A = arith.constant 0 : i32
      %dma_start3A_78 = tpu.memref_slice %arg13[%add3A_28, %dma_start3A] : memref<10112x16xf32, #tpu.memory_space<vmem_shared>> -> memref<40x16xf32, #tpu.memory_space<vmem_shared>>
      %dma_start3A_79 = arith.constant 0 : i32
      %dma_start3A_80 = tpu.memref_slice %arg13[%add3A_28, %dma_start3A_79] : memref<10112x16xf32, #tpu.memory_space<vmem_shared>> -> memref<40x16xf32, #tpu.memory_space<vmem_shared>>
      tpu.enqueue_dma source(%arg8 : memref<40x16xf32, #tpu.memory_space<vmem>>) target(%dma_start3A_80 : memref<40x16xf32, #tpu.memory_space<vmem_shared>>) target_semaphore(%run_scoped3A : memref<!tpu.dma_semaphore, #tpu.memory_space<semaphore_mem>>)
      %dma_wait3A_81 = arith.constant 0 : i32
      %dma_wait3A_82 = tpu.memref_slice %arg13[%add3A_28, %dma_wait3A_81] : memref<10112x16xf32, #tpu.memory_space<vmem_shared>> -> memref<40x16xf32, #tpu.memory_space<vmem_shared>>
      %dma_wait3A_83 = arith.constant 0 : i32
      %dma_wait3A_84 = tpu.memref_slice %arg13[%add3A_28, %dma_wait3A_83] : memref<10112x16xf32, #tpu.memory_space<vmem_shared>> -> memref<40x16xf32, #tpu.memory_space<vmem_shared>>
      tpu.wait_dma2 semaphore(%run_scoped3A : memref<!tpu.dma_semaphore, #tpu.memory_space<semaphore_mem>>) src(%arg8 : memref<40x16xf32, #tpu.memory_space<vmem>>) dst(%dma_wait3A_84 : memref<40x16xf32, #tpu.memory_space<vmem_shared>>)
      tpu.yield
    }) : () -> ()
    %add3A_29 = arith.constant 400 : i32
    %add3A_30 = arith.addi %mul3A_2, %add3A_29 : i32
    "tpu.region"() ({
      %run_scoped3A = tpu.sem_alloc : memref<!tpu.dma_semaphore, #tpu.memory_space<semaphore_mem>>
      %dma_start3A = arith.constant 0 : i32
      %dma_start3A_78 = tpu.memref_slice %arg13[%add3A_30, %dma_start3A] : memref<10112x16xf32, #tpu.memory_space<vmem_shared>> -> memref<40x16xf32, #tpu.memory_space<vmem_shared>>
      %dma_start3A_79 = arith.constant 0 : i32
      %dma_start3A_80 = tpu.memref_slice %arg13[%add3A_30, %dma_start3A_79] : memref<10112x16xf32, #tpu.memory_space<vmem_shared>> -> memref<40x16xf32, #tpu.memory_space<vmem_shared>>
      tpu.enqueue_dma source(%arg8 : memref<40x16xf32, #tpu.memory_space<vmem>>) target(%dma_start3A_80 : memref<40x16xf32, #tpu.memory_space<vmem_shared>>) target_semaphore(%run_scoped3A : memref<!tpu.dma_semaphore, #tpu.memory_space<semaphore_mem>>)
      %dma_wait3A_81 = arith.constant 0 : i32
      %dma_wait3A_82 = tpu.memref_slice %arg13[%add3A_30, %dma_wait3A_81] : memref<10112x16xf32, #tpu.memory_space<vmem_shared>> -> memref<40x16xf32, #tpu.memory_space<vmem_shared>>
      %dma_wait3A_83 = arith.constant 0 : i32
      %dma_wait3A_84 = tpu.memref_slice %arg13[%add3A_30, %dma_wait3A_83] : memref<10112x16xf32, #tpu.memory_space<vmem_shared>> -> memref<40x16xf32, #tpu.memory_space<vmem_shared>>
      tpu.wait_dma2 semaphore(%run_scoped3A : memref<!tpu.dma_semaphore, #tpu.memory_space<semaphore_mem>>) src(%arg8 : memref<40x16xf32, #tpu.memory_space<vmem>>) dst(%dma_wait3A_84 : memref<40x16xf32, #tpu.memory_space<vmem_shared>>)
      tpu.yield
    }) : () -> ()
    %add3A_31 = arith.constant 440 : i32
    %add3A_32 = arith.addi %mul3A_2, %add3A_31 : i32
    "tpu.region"() ({
      %run_scoped3A = tpu.sem_alloc : memref<!tpu.dma_semaphore, #tpu.memory_space<semaphore_mem>>
      %dma_start3A = arith.constant 0 : i32
      %dma_start3A_78 = tpu.memref_slice %arg13[%add3A_32, %dma_start3A] : memref<10112x16xf32, #tpu.memory_space<vmem_shared>> -> memref<40x16xf32, #tpu.memory_space<vmem_shared>>
      %dma_start3A_79 = arith.constant 0 : i32
      %dma_start3A_80 = tpu.memref_slice %arg13[%add3A_32, %dma_start3A_79] : memref<10112x16xf32, #tpu.memory_space<vmem_shared>> -> memref<40x16xf32, #tpu.memory_space<vmem_shared>>
      tpu.enqueue_dma source(%arg8 : memref<40x16xf32, #tpu.memory_space<vmem>>) target(%dma_start3A_80 : memref<40x16xf32, #tpu.memory_space<vmem_shared>>) target_semaphore(%run_scoped3A : memref<!tpu.dma_semaphore, #tpu.memory_space<semaphore_mem>>)
      %dma_wait3A_81 = arith.constant 0 : i32
      %dma_wait3A_82 = tpu.memref_slice %arg13[%add3A_32, %dma_wait3A_81] : memref<10112x16xf32, #tpu.memory_space<vmem_shared>> -> memref<40x16xf32, #tpu.memory_space<vmem_shared>>
      %dma_wait3A_83 = arith.constant 0 : i32
      %dma_wait3A_84 = tpu.memref_slice %arg13[%add3A_32, %dma_wait3A_83] : memref<10112x16xf32, #tpu.memory_space<vmem_shared>> -> memref<40x16xf32, #tpu.memory_space<vmem_shared>>
      tpu.wait_dma2 semaphore(%run_scoped3A : memref<!tpu.dma_semaphore, #tpu.memory_space<semaphore_mem>>) src(%arg8 : memref<40x16xf32, #tpu.memory_space<vmem>>) dst(%dma_wait3A_84 : memref<40x16xf32, #tpu.memory_space<vmem_shared>>)
      tpu.yield
    }) : () -> ()
    %add3A_33 = arith.constant 480 : i32
    %add3A_34 = arith.addi %mul3A_2, %add3A_33 : i32
    "tpu.region"() ({
      %run_scoped3A = tpu.sem_alloc : memref<!tpu.dma_semaphore, #tpu.memory_space<semaphore_mem>>
      %dma_start3A = arith.constant 0 : i32
      %dma_start3A_78 = tpu.memref_slice %arg13[%add3A_34, %dma_start3A] : memref<10112x16xf32, #tpu.memory_space<vmem_shared>> -> memref<40x16xf32, #tpu.memory_space<vmem_shared>>
      %dma_start3A_79 = arith.constant 0 : i32
      %dma_start3A_80 = tpu.memref_slice %arg13[%add3A_34, %dma_start3A_79] : memref<10112x16xf32, #tpu.memory_space<vmem_shared>> -> memref<40x16xf32, #tpu.memory_space<vmem_shared>>
      tpu.enqueue_dma source(%arg8 : memref<40x16xf32, #tpu.memory_space<vmem>>) target(%dma_start3A_80 : memref<40x16xf32, #tpu.memory_space<vmem_shared>>) target_semaphore(%run_scoped3A : memref<!tpu.dma_semaphore, #tpu.memory_space<semaphore_mem>>)
      %dma_wait3A_81 = arith.constant 0 : i32
      %dma_wait3A_82 = tpu.memref_slice %arg13[%add3A_34, %dma_wait3A_81] : memref<10112x16xf32, #tpu.memory_space<vmem_shared>> -> memref<40x16xf32, #tpu.memory_space<vmem_shared>>
      %dma_wait3A_83 = arith.constant 0 : i32
      %dma_wait3A_84 = tpu.memref_slice %arg13[%add3A_34, %dma_wait3A_83] : memref<10112x16xf32, #tpu.memory_space<vmem_shared>> -> memref<40x16xf32, #tpu.memory_space<vmem_shared>>
      tpu.wait_dma2 semaphore(%run_scoped3A : memref<!tpu.dma_semaphore, #tpu.memory_space<semaphore_mem>>) src(%arg8 : memref<40x16xf32, #tpu.memory_space<vmem>>) dst(%dma_wait3A_84 : memref<40x16xf32, #tpu.memory_space<vmem_shared>>)
      tpu.yield
    }) : () -> ()
    %add3A_35 = arith.constant 520 : i32
    %add3A_36 = arith.addi %mul3A_2, %add3A_35 : i32
    "tpu.region"() ({
      %run_scoped3A = tpu.sem_alloc : memref<!tpu.dma_semaphore, #tpu.memory_space<semaphore_mem>>
      %dma_start3A = arith.constant 0 : i32
      %dma_start3A_78 = tpu.memref_slice %arg13[%add3A_36, %dma_start3A] : memref<10112x16xf32, #tpu.memory_space<vmem_shared>> -> memref<40x16xf32, #tpu.memory_space<vmem_shared>>
      %dma_start3A_79 = arith.constant 0 : i32
      %dma_start3A_80 = tpu.memref_slice %arg13[%add3A_36, %dma_start3A_79] : memref<10112x16xf32, #tpu.memory_space<vmem_shared>> -> memref<40x16xf32, #tpu.memory_space<vmem_shared>>
      tpu.enqueue_dma source(%arg8 : memref<40x16xf32, #tpu.memory_space<vmem>>) target(%dma_start3A_80 : memref<40x16xf32, #tpu.memory_space<vmem_shared>>) target_semaphore(%run_scoped3A : memref<!tpu.dma_semaphore, #tpu.memory_space<semaphore_mem>>)
      %dma_wait3A_81 = arith.constant 0 : i32
      %dma_wait3A_82 = tpu.memref_slice %arg13[%add3A_36, %dma_wait3A_81] : memref<10112x16xf32, #tpu.memory_space<vmem_shared>> -> memref<40x16xf32, #tpu.memory_space<vmem_shared>>
      %dma_wait3A_83 = arith.constant 0 : i32
      %dma_wait3A_84 = tpu.memref_slice %arg13[%add3A_36, %dma_wait3A_83] : memref<10112x16xf32, #tpu.memory_space<vmem_shared>> -> memref<40x16xf32, #tpu.memory_space<vmem_shared>>
      tpu.wait_dma2 semaphore(%run_scoped3A : memref<!tpu.dma_semaphore, #tpu.memory_space<semaphore_mem>>) src(%arg8 : memref<40x16xf32, #tpu.memory_space<vmem>>) dst(%dma_wait3A_84 : memref<40x16xf32, #tpu.memory_space<vmem_shared>>)
      tpu.yield
    }) : () -> ()
    %add3A_37 = arith.constant 560 : i32
    %add3A_38 = arith.addi %mul3A_2, %add3A_37 : i32
    "tpu.region"() ({
      %run_scoped3A = tpu.sem_alloc : memref<!tpu.dma_semaphore, #tpu.memory_space<semaphore_mem>>
      %dma_start3A = arith.constant 0 : i32
      %dma_start3A_78 = tpu.memref_slice %arg13[%add3A_38, %dma_start3A] : memref<10112x16xf32, #tpu.memory_space<vmem_shared>> -> memref<40x16xf32, #tpu.memory_space<vmem_shared>>
      %dma_start3A_79 = arith.constant 0 : i32
      %dma_start3A_80 = tpu.memref_slice %arg13[%add3A_38, %dma_start3A_79] : memref<10112x16xf32, #tpu.memory_space<vmem_shared>> -> memref<40x16xf32, #tpu.memory_space<vmem_shared>>
      tpu.enqueue_dma source(%arg8 : memref<40x16xf32, #tpu.memory_space<vmem>>) target(%dma_start3A_80 : memref<40x16xf32, #tpu.memory_space<vmem_shared>>) target_semaphore(%run_scoped3A : memref<!tpu.dma_semaphore, #tpu.memory_space<semaphore_mem>>)
      %dma_wait3A_81 = arith.constant 0 : i32
      %dma_wait3A_82 = tpu.memref_slice %arg13[%add3A_38, %dma_wait3A_81] : memref<10112x16xf32, #tpu.memory_space<vmem_shared>> -> memref<40x16xf32, #tpu.memory_space<vmem_shared>>
      %dma_wait3A_83 = arith.constant 0 : i32
      %dma_wait3A_84 = tpu.memref_slice %arg13[%add3A_38, %dma_wait3A_83] : memref<10112x16xf32, #tpu.memory_space<vmem_shared>> -> memref<40x16xf32, #tpu.memory_space<vmem_shared>>
      tpu.wait_dma2 semaphore(%run_scoped3A : memref<!tpu.dma_semaphore, #tpu.memory_space<semaphore_mem>>) src(%arg8 : memref<40x16xf32, #tpu.memory_space<vmem>>) dst(%dma_wait3A_84 : memref<40x16xf32, #tpu.memory_space<vmem_shared>>)
      tpu.yield
    }) : () -> ()
    %add3A_39 = arith.constant 632 : i32
    %add3A_40 = arith.addi %mul3A_2, %add3A_39 : i32
    %sub3A = arith.constant 32 : i32
    %sub3A_41 = arith.subi %add3A_40, %sub3A : i32
    "tpu.region"() ({
      %run_scoped3A = tpu.sem_alloc : memref<!tpu.dma_semaphore, #tpu.memory_space<semaphore_mem>>
      %dma_start3A = arith.constant 0 : i32
      %dma_start3A_78 = arith.constant 0 : i32
      %dma_start3A_79 = tpu.memref_slice %arg8[%dma_start3A, %dma_start3A_78] : memref<40x16xf32, #tpu.memory_space<vmem>> -> memref<32x16xf32, #tpu.memory_space<vmem>>
      %dma_start3A_80 = arith.constant 0 : i32
      %dma_start3A_81 = tpu.memref_slice %arg13[%sub3A_41, %dma_start3A_80] : memref<10112x16xf32, #tpu.memory_space<vmem_shared>> -> memref<32x16xf32, #tpu.memory_space<vmem_shared>>
      %dma_start3A_82 = arith.constant 0 : i32
      %dma_start3A_83 = tpu.memref_slice %arg13[%sub3A_41, %dma_start3A_82] : memref<10112x16xf32, #tpu.memory_space<vmem_shared>> -> memref<32x16xf32, #tpu.memory_space<vmem_shared>>
      %dma_start3A_84 = arith.constant 0 : i32
      %dma_start3A_85 = arith.constant 0 : i32
      %dma_start3A_86 = tpu.memref_slice %arg8[%dma_start3A_84, %dma_start3A_85] : memref<40x16xf32, #tpu.memory_space<vmem>> -> memref<32x16xf32, #tpu.memory_space<vmem>>
      tpu.enqueue_dma source(%dma_start3A_86 : memref<32x16xf32, #tpu.memory_space<vmem>>) target(%dma_start3A_83 : memref<32x16xf32, #tpu.memory_space<vmem_shared>>) target_semaphore(%run_scoped3A : memref<!tpu.dma_semaphore, #tpu.memory_space<semaphore_mem>>)
      %dma_wait3A_87 = arith.constant 0 : i32
      %dma_wait3A_88 = arith.constant 0 : i32
      %dma_wait3A_89 = tpu.memref_slice %arg8[%dma_wait3A_87, %dma_wait3A_88] : memref<40x16xf32, #tpu.memory_space<vmem>> -> memref<32x16xf32, #tpu.memory_space<vmem>>
      %dma_wait3A_90 = arith.constant 0 : i32
      %dma_wait3A_91 = tpu.memref_slice %arg13[%sub3A_41, %dma_wait3A_90] : memref<10112x16xf32, #tpu.memory_space<vmem_shared>> -> memref<32x16xf32, #tpu.memory_space<vmem_shared>>
      %dma_wait3A_92 = arith.constant 0 : i32
      %dma_wait3A_93 = tpu.memref_slice %arg13[%sub3A_41, %dma_wait3A_92] : memref<10112x16xf32, #tpu.memory_space<vmem_shared>> -> memref<32x16xf32, #tpu.memory_space<vmem_shared>>
      %dma_wait3A_94 = arith.constant 0 : i32
      %dma_wait3A_95 = arith.constant 0 : i32
      %dma_wait3A_96 = tpu.memref_slice %arg8[%dma_wait3A_94, %dma_wait3A_95] : memref<40x16xf32, #tpu.memory_space<vmem>> -> memref<32x16xf32, #tpu.memory_space<vmem>>
      tpu.wait_dma2 semaphore(%run_scoped3A : memref<!tpu.dma_semaphore, #tpu.memory_space<semaphore_mem>>) src(%dma_wait3A_96 : memref<32x16xf32, #tpu.memory_space<vmem>>) dst(%dma_wait3A_93 : memref<32x16xf32, #tpu.memory_space<vmem_shared>>)
      tpu.yield
    }) : () -> ()
    "tpu.region"() ({
      %run_scoped3A = tpu.sem_alloc : memref<!tpu.dma_semaphore, #tpu.memory_space<semaphore_mem>>
      %dma_start3A = arith.constant 0 : i32
      %dma_start3A_78 = arith.constant 0 : i32
      %dma_start3A_79 = tpu.memref_slice %arg2[%add3A, %dma_start3A, %dma_start3A_78] : memref<32x250x40xi32, #tpu.memory_space<hbm>> -> memref<1x250x40xi32, #tpu.memory_space<hbm>>
      %dma_start3A_80 = tpu.memref_squeeze %dma_start3A_79 : memref<1x250x40xi32, #tpu.memory_space<hbm>> -> memref<250x40xi32, #tpu.memory_space<hbm>>
      %dma_start3A_81 = arith.constant 0 : i32
      %dma_start3A_82 = arith.constant 0 : i32
      %dma_start3A_83 = tpu.memref_slice %arg2[%add3A, %dma_start3A_81, %dma_start3A_82] : memref<32x250x40xi32, #tpu.memory_space<hbm>> -> memref<1x250x40xi32, #tpu.memory_space<hbm>>
      %dma_start3A_84 = tpu.memref_squeeze %dma_start3A_83 : memref<1x250x40xi32, #tpu.memory_space<hbm>> -> memref<250x40xi32, #tpu.memory_space<hbm>>
      tpu.enqueue_dma source(%dma_start3A_84 : memref<250x40xi32, #tpu.memory_space<hbm>>) target(%arg6 : memref<250x40xi32, #tpu.memory_space<vmem>>) target_semaphore(%run_scoped3A : memref<!tpu.dma_semaphore, #tpu.memory_space<semaphore_mem>>)
      %dma_wait3A_85 = arith.constant 0 : i32
      %dma_wait3A_86 = arith.constant 0 : i32
      %dma_wait3A_87 = tpu.memref_slice %arg2[%add3A, %dma_wait3A_85, %dma_wait3A_86] : memref<32x250x40xi32, #tpu.memory_space<hbm>> -> memref<1x250x40xi32, #tpu.memory_space<hbm>>
      %dma_wait3A_88 = tpu.memref_squeeze %dma_wait3A_87 : memref<1x250x40xi32, #tpu.memory_space<hbm>> -> memref<250x40xi32, #tpu.memory_space<hbm>>
      %dma_wait3A_89 = arith.constant 0 : i32
      %dma_wait3A_90 = arith.constant 0 : i32
      %dma_wait3A_91 = tpu.memref_slice %arg2[%add3A, %dma_wait3A_89, %dma_wait3A_90] : memref<32x250x40xi32, #tpu.memory_space<hbm>> -> memref<1x250x40xi32, #tpu.memory_space<hbm>>
      %dma_wait3A_92 = tpu.memref_squeeze %dma_wait3A_91 : memref<1x250x40xi32, #tpu.memory_space<hbm>> -> memref<250x40xi32, #tpu.memory_space<hbm>>
      tpu.wait_dma2 semaphore(%run_scoped3A : memref<!tpu.dma_semaphore, #tpu.memory_space<semaphore_mem>>) src(%dma_wait3A_92 : memref<250x40xi32, #tpu.memory_space<hbm>>) dst(%arg6 : memref<250x40xi32, #tpu.memory_space<vmem>>)
      tpu.yield
    }) : () -> ()
    "tpu.region"() ({
      %run_scoped3A = tpu.sem_alloc : memref<!tpu.dma_semaphore, #tpu.memory_space<semaphore_mem>>
      %dma_start3A = arith.constant 0 : i32
      %dma_start3A_78 = arith.constant 0 : i32
      %dma_start3A_79 = tpu.memref_slice %arg3[%add3A, %dma_start3A, %dma_start3A_78] : memref<32x250x40xi32, #tpu.memory_space<hbm>> -> memref<1x250x40xi32, #tpu.memory_space<hbm>>
      %dma_start3A_80 = tpu.memref_squeeze %dma_start3A_79 : memref<1x250x40xi32, #tpu.memory_space<hbm>> -> memref<250x40xi32, #tpu.memory_space<hbm>>
      %dma_start3A_81 = arith.constant 0 : i32
      %dma_start3A_82 = arith.constant 0 : i32
      %dma_start3A_83 = tpu.memref_slice %arg3[%add3A, %dma_start3A_81, %dma_start3A_82] : memref<32x250x40xi32, #tpu.memory_space<hbm>> -> memref<1x250x40xi32, #tpu.memory_space<hbm>>
      %dma_start3A_84 = tpu.memref_squeeze %dma_start3A_83 : memref<1x250x40xi32, #tpu.memory_space<hbm>> -> memref<250x40xi32, #tpu.memory_space<hbm>>
      tpu.enqueue_dma source(%dma_start3A_84 : memref<250x40xi32, #tpu.memory_space<hbm>>) target(%arg7 : memref<250x40xi32, #tpu.memory_space<vmem>>) target_semaphore(%run_scoped3A : memref<!tpu.dma_semaphore, #tpu.memory_space<semaphore_mem>>)
      %dma_wait3A_85 = arith.constant 0 : i32
      %dma_wait3A_86 = arith.constant 0 : i32
      %dma_wait3A_87 = tpu.memref_slice %arg3[%add3A, %dma_wait3A_85, %dma_wait3A_86] : memref<32x250x40xi32, #tpu.memory_space<hbm>> -> memref<1x250x40xi32, #tpu.memory_space<hbm>>
      %dma_wait3A_88 = tpu.memref_squeeze %dma_wait3A_87 : memref<1x250x40xi32, #tpu.memory_space<hbm>> -> memref<250x40xi32, #tpu.memory_space<hbm>>
      %dma_wait3A_89 = arith.constant 0 : i32
      %dma_wait3A_90 = arith.constant 0 : i32
      %dma_wait3A_91 = tpu.memref_slice %arg3[%add3A, %dma_wait3A_89, %dma_wait3A_90] : memref<32x250x40xi32, #tpu.memory_space<hbm>> -> memref<1x250x40xi32, #tpu.memory_space<hbm>>
      %dma_wait3A_92 = tpu.memref_squeeze %dma_wait3A_91 : memref<1x250x40xi32, #tpu.memory_space<hbm>> -> memref<250x40xi32, #tpu.memory_space<hbm>>
      tpu.wait_dma2 semaphore(%run_scoped3A : memref<!tpu.dma_semaphore, #tpu.memory_space<semaphore_mem>>) src(%dma_wait3A_92 : memref<250x40xi32, #tpu.memory_space<hbm>>) dst(%arg7 : memref<250x40xi32, #tpu.memory_space<vmem>>)
      tpu.yield
    }) : () -> ()
    %min3A = arith.constant 9368 : i32
    %min3A_42 = arith.minsi %mul3A_2, %min3A : i32
    "tpu.region"() ({
      %run_scoped3A = tpu.sem_alloc : memref<!tpu.dma_semaphore, #tpu.memory_space<semaphore_mem>>
      %dma_start3A = arith.constant 0 : i32
      %dma_start3A_78 = tpu.memref_slice %arg12[%min3A_42, %dma_start3A] : memref<10112x16xf32, #tpu.memory_space<vmem_shared>> -> memref<632x16xf32, #tpu.memory_space<vmem_shared>>
      %dma_start3A_79 = arith.constant 0 : i32
      %dma_start3A_80 = tpu.memref_slice %arg4[%min3A_42, %dma_start3A_79] : memref<10000x16xf32, #tpu.memory_space<hbm>> -> memref<632x16xf32, #tpu.memory_space<hbm>>
      tpu.enqueue_dma source(%dma_start3A_80 : memref<632x16xf32, #tpu.memory_space<hbm>>) target(%dma_start3A_78 : memref<632x16xf32, #tpu.memory_space<vmem_shared>>) target_semaphore(%run_scoped3A : memref<!tpu.dma_semaphore, #tpu.memory_space<semaphore_mem>>)
      %dma_wait3A_81 = arith.constant 0 : i32
      %dma_wait3A_82 = tpu.memref_slice %arg12[%min3A_42, %dma_wait3A_81] : memref<10112x16xf32, #tpu.memory_space<vmem_shared>> -> memref<632x16xf32, #tpu.memory_space<vmem_shared>>
      %dma_wait3A_83 = arith.constant 0 : i32
      %dma_wait3A_84 = tpu.memref_slice %arg4[%min3A_42, %dma_wait3A_83] : memref<10000x16xf32, #tpu.memory_space<hbm>> -> memref<632x16xf32, #tpu.memory_space<hbm>>
      tpu.wait_dma2 semaphore(%run_scoped3A : memref<!tpu.dma_semaphore, #tpu.memory_space<semaphore_mem>>) src(%dma_wait3A_84 : memref<632x16xf32, #tpu.memory_space<hbm>>) dst(%dma_wait3A_82 : memref<632x16xf32, #tpu.memory_space<vmem_shared>>)
      tpu.yield
    }) : () -> ()
    %barrier3A = arith.constant 0 : index
    tpu.barrier barrier_id(%barrier3A)
    %scan3A_43 = arith.constant 0 : i32
    %scan3A_44 = arith.constant 0 : i32
    %scan3A_45 = arith.constant 63 : i32
    %scan3A_46 = arith.addi %scan3A_44, %scan3A_45 : i32
    %scan3A_47 = arith.constant 1 : i32
    %scan3A_48 = scf.for %scan3A_78 = %scan3A_44 to %scan3A_46 step %scan3A_47 iter_args(%scan3A_79 = %scan3A_43) -> (i32)  : i32 {
      %mul3A_80 = arith.constant 4 : i32
      %mul3A_81 = arith.muli %scan3A_78, %mul3A_80 : i32
      %add3A_82 = arith.constant 0 : i32
      %add3A_83 = arith.addi %mul3A_81, %add3A_82 : i32
      %ge3A = arith.constant 4 : i32
      %ge3A_84 = arith.cmpi sge, %add3A_83, %ge3A : i32
      %lt3A = arith.constant 250 : i32
      %lt3A_85 = arith.cmpi slt, %add3A_83, %lt3A : i32
      %and3A = arith.andi %ge3A_84, %lt3A_85 : i1
      %convert_element_type3A = arith.extui %and3A : i1 to i32
      %cond3A = arith.constant 0 : i32
      %cond3A_86 = arith.cmpi ne, %convert_element_type3A, %cond3A : i32
      scf.if %cond3A_86 {
        %sub3A_184 = arith.constant 4 : i32
        %sub3A_185 = arith.subi %add3A_83, %sub3A_184 : i32
        %dma_wait3A_186 = arith.constant 0 : i32
        %dma_wait3A_187 = tpu.memref_slice %arg7[%sub3A_185, %dma_wait3A_186] : memref<250x40xi32, #tpu.memory_space<vmem>> -> memref<1x40xi32, #tpu.memory_space<vmem>>
        %dma_wait3A_188 = tpu.memref_squeeze %dma_wait3A_187 : memref<1x40xi32, #tpu.memory_space<vmem>> -> memref<40xi32, #tpu.memory_space<vmem>>
        %dma_wait3A_189 = arith.constant 0 : i32
        %dma_wait3A_190 = arith.constant 0 : i32
        %dma_wait3A_191 = tpu.memref_slice %arg13[%dma_wait3A_189, %dma_wait3A_190] : memref<10112x16xf32, #tpu.memory_space<vmem_shared>> -> memref<10112x16xf32, #tpu.memory_space<vmem_shared>>
        tpu.wait_indirect_dma semaphore(%arg18 : memref<!tpu.dma_semaphore, #tpu.memory_space<semaphore_mem>>) src(%arg8 : memref<40x16xf32, #tpu.memory_space<vmem>>) dst(%dma_wait3A_191 : memref<10112x16xf32, #tpu.memory_space<vmem_shared>>)
      } else {
      }
      %lt3A_87 = arith.constant 250 : i32
      %lt3A_88 = arith.cmpi slt, %add3A_83, %lt3A_87 : i32
      %convert_element_type3A_89 = arith.extui %lt3A_88 : i1 to i32
      %cond3A_90 = arith.constant 0 : i32
      %cond3A_91 = arith.cmpi ne, %convert_element_type3A_89, %cond3A_90 : i32
      scf.if %cond3A_91 {
        %dma_start3A = arith.constant 0 : i32
        %dma_start3A_184 = tpu.memref_slice %arg6[%add3A_83, %dma_start3A] : memref<250x40xi32, #tpu.memory_space<vmem>> -> memref<1x40xi32, #tpu.memory_space<vmem>>
        %dma_start3A_185 = tpu.memref_squeeze %dma_start3A_184 : memref<1x40xi32, #tpu.memory_space<vmem>> -> memref<40xi32, #tpu.memory_space<vmem>>
        %dma_start3A_186 = arith.constant 0 : i32
        %dma_start3A_187 = arith.constant 0 : i32
        %dma_start3A_188 = tpu.memref_slice %arg12[%dma_start3A_186, %dma_start3A_187] : memref<10112x16xf32, #tpu.memory_space<vmem_shared>> -> memref<10112x16xf32, #tpu.memory_space<vmem_shared>>
        tpu.enqueue_indirect_dma source(%dma_start3A_188 : memref<10112x16xf32, #tpu.memory_space<vmem_shared>>) target(%arg8 : memref<40x16xf32, #tpu.memory_space<vmem>>) offsets(%dma_start3A_185 : memref<40xi32, #tpu.memory_space<vmem>>) semaphore(%arg14 : memref<!tpu.dma_semaphore, #tpu.memory_space<semaphore_mem>>)
      } else {
      }
      %sub3A_92 = arith.constant 2 : i32
      %sub3A_93 = arith.subi %add3A_83, %sub3A_92 : i32
      %ge3A_94 = arith.constant 0 : i32
      %ge3A_95 = arith.cmpi sge, %sub3A_93, %ge3A_94 : i32
      %lt3A_96 = arith.constant 250 : i32
      %lt3A_97 = arith.cmpi slt, %sub3A_93, %lt3A_96 : i32
      %and3A_98 = arith.andi %ge3A_95, %lt3A_97 : i1
      %convert_element_type3A_99 = arith.extui %and3A_98 : i1 to i32
      %cond3A_100 = arith.constant 0 : i32
      %cond3A_101 = arith.cmpi ne, %convert_element_type3A_99, %cond3A_100 : i32
      scf.if %cond3A_101 {
        %dma_wait3A_184 = arith.constant 0 : i32
        %dma_wait3A_185 = tpu.memref_slice %arg6[%sub3A_93, %dma_wait3A_184] : memref<250x40xi32, #tpu.memory_space<vmem>> -> memref<1x40xi32, #tpu.memory_space<vmem>>
        %dma_wait3A_186 = tpu.memref_squeeze %dma_wait3A_185 : memref<1x40xi32, #tpu.memory_space<vmem>> -> memref<40xi32, #tpu.memory_space<vmem>>
        %dma_wait3A_187 = arith.constant 0 : i32
        %dma_wait3A_188 = arith.constant 0 : i32
        %dma_wait3A_189 = tpu.memref_slice %arg12[%dma_wait3A_187, %dma_wait3A_188] : memref<10112x16xf32, #tpu.memory_space<vmem_shared>> -> memref<10112x16xf32, #tpu.memory_space<vmem_shared>>
        tpu.wait_indirect_dma semaphore(%arg16 : memref<!tpu.dma_semaphore, #tpu.memory_space<semaphore_mem>>) src(%dma_wait3A_189 : memref<10112x16xf32, #tpu.memory_space<vmem_shared>>) dst(%arg10 : memref<40x16xf32, #tpu.memory_space<vmem>>)
        %dma_start3A = arith.constant 0 : i32
        %dma_start3A_190 = tpu.memref_slice %arg7[%sub3A_93, %dma_start3A] : memref<250x40xi32, #tpu.memory_space<vmem>> -> memref<1x40xi32, #tpu.memory_space<vmem>>
        %dma_start3A_191 = tpu.memref_squeeze %dma_start3A_190 : memref<1x40xi32, #tpu.memory_space<vmem>> -> memref<40xi32, #tpu.memory_space<vmem>>
        %dma_start3A_192 = arith.constant 0 : i32
        %dma_start3A_193 = arith.constant 0 : i32
        %dma_start3A_194 = tpu.memref_slice %arg13[%dma_start3A_192, %dma_start3A_193] : memref<10112x16xf32, #tpu.memory_space<vmem_shared>> -> memref<10112x16xf32, #tpu.memory_space<vmem_shared>>
        tpu.enqueue_indirect_dma source(%arg10 : memref<40x16xf32, #tpu.memory_space<vmem>>) target(%dma_start3A_194 : memref<10112x16xf32, #tpu.memory_space<vmem_shared>>) offsets(%dma_start3A_191 : memref<40xi32, #tpu.memory_space<vmem>>) semaphore(%arg20 : memref<!tpu.dma_semaphore, #tpu.memory_space<semaphore_mem>>) {add = true}
      } else {
      }
      %mul3A_102 = arith.constant 4 : i32
      %mul3A_103 = arith.muli %scan3A_78, %mul3A_102 : i32
      %add3A_104 = arith.constant 1 : i32
      %add3A_105 = arith.addi %mul3A_103, %add3A_104 : i32
      %ge3A_106 = arith.constant 4 : i32
      %ge3A_107 = arith.cmpi sge, %add3A_105, %ge3A_106 : i32
      %lt3A_108 = arith.constant 250 : i32
      %lt3A_109 = arith.cmpi slt, %add3A_105, %lt3A_108 : i32
      %and3A_110 = arith.andi %ge3A_107, %lt3A_109 : i1
      %convert_element_type3A_111 = arith.extui %and3A_110 : i1 to i32
      %cond3A_112 = arith.constant 0 : i32
      %cond3A_113 = arith.cmpi ne, %convert_element_type3A_111, %cond3A_112 : i32
      scf.if %cond3A_113 {
        %sub3A_184 = arith.constant 4 : i32
        %sub3A_185 = arith.subi %add3A_105, %sub3A_184 : i32
        %dma_wait3A_186 = arith.constant 0 : i32
        %dma_wait3A_187 = tpu.memref_slice %arg7[%sub3A_185, %dma_wait3A_186] : memref<250x40xi32, #tpu.memory_space<vmem>> -> memref<1x40xi32, #tpu.memory_space<vmem>>
        %dma_wait3A_188 = tpu.memref_squeeze %dma_wait3A_187 : memref<1x40xi32, #tpu.memory_space<vmem>> -> memref<40xi32, #tpu.memory_space<vmem>>
        %dma_wait3A_189 = arith.constant 0 : i32
        %dma_wait3A_190 = arith.constant 0 : i32
        %dma_wait3A_191 = tpu.memref_slice %arg13[%dma_wait3A_189, %dma_wait3A_190] : memref<10112x16xf32, #tpu.memory_space<vmem_shared>> -> memref<10112x16xf32, #tpu.memory_space<vmem_shared>>
        tpu.wait_indirect_dma semaphore(%arg19 : memref<!tpu.dma_semaphore, #tpu.memory_space<semaphore_mem>>) src(%arg9 : memref<40x16xf32, #tpu.memory_space<vmem>>) dst(%dma_wait3A_191 : memref<10112x16xf32, #tpu.memory_space<vmem_shared>>)
      } else {
      }
      %lt3A_114 = arith.constant 250 : i32
      %lt3A_115 = arith.cmpi slt, %add3A_105, %lt3A_114 : i32
      %convert_element_type3A_116 = arith.extui %lt3A_115 : i1 to i32
      %cond3A_117 = arith.constant 0 : i32
      %cond3A_118 = arith.cmpi ne, %convert_element_type3A_116, %cond3A_117 : i32
      scf.if %cond3A_118 {
        %dma_start3A = arith.constant 0 : i32
        %dma_start3A_184 = tpu.memref_slice %arg6[%add3A_105, %dma_start3A] : memref<250x40xi32, #tpu.memory_space<vmem>> -> memref<1x40xi32, #tpu.memory_space<vmem>>
        %dma_start3A_185 = tpu.memref_squeeze %dma_start3A_184 : memref<1x40xi32, #tpu.memory_space<vmem>> -> memref<40xi32, #tpu.memory_space<vmem>>
        %dma_start3A_186 = arith.constant 0 : i32
        %dma_start3A_187 = arith.constant 0 : i32
        %dma_start3A_188 = tpu.memref_slice %arg12[%dma_start3A_186, %dma_start3A_187] : memref<10112x16xf32, #tpu.memory_space<vmem_shared>> -> memref<10112x16xf32, #tpu.memory_space<vmem_shared>>
        tpu.enqueue_indirect_dma source(%dma_start3A_188 : memref<10112x16xf32, #tpu.memory_space<vmem_shared>>) target(%arg9 : memref<40x16xf32, #tpu.memory_space<vmem>>) offsets(%dma_start3A_185 : memref<40xi32, #tpu.memory_space<vmem>>) semaphore(%arg15 : memref<!tpu.dma_semaphore, #tpu.memory_space<semaphore_mem>>)
      } else {
      }
      %sub3A_119 = arith.constant 2 : i32
      %sub3A_120 = arith.subi %add3A_105, %sub3A_119 : i32
      %ge3A_121 = arith.constant 0 : i32
      %ge3A_122 = arith.cmpi sge, %sub3A_120, %ge3A_121 : i32
      %lt3A_123 = arith.constant 250 : i32
      %lt3A_124 = arith.cmpi slt, %sub3A_120, %lt3A_123 : i32
      %and3A_125 = arith.andi %ge3A_122, %lt3A_124 : i1
      %convert_element_type3A_126 = arith.extui %and3A_125 : i1 to i32
      %cond3A_127 = arith.constant 0 : i32
      %cond3A_128 = arith.cmpi ne, %convert_element_type3A_126, %cond3A_127 : i32
      scf.if %cond3A_128 {
        %dma_wait3A_184 = arith.constant 0 : i32
        %dma_wait3A_185 = tpu.memref_slice %arg6[%sub3A_120, %dma_wait3A_184] : memref<250x40xi32, #tpu.memory_space<vmem>> -> memref<1x40xi32, #tpu.memory_space<vmem>>
        %dma_wait3A_186 = tpu.memref_squeeze %dma_wait3A_185 : memref<1x40xi32, #tpu.memory_space<vmem>> -> memref<40xi32, #tpu.memory_space<vmem>>
        %dma_wait3A_187 = arith.constant 0 : i32
        %dma_wait3A_188 = arith.constant 0 : i32
        %dma_wait3A_189 = tpu.memref_slice %arg12[%dma_wait3A_187, %dma_wait3A_188] : memref<10112x16xf32, #tpu.memory_space<vmem_shared>> -> memref<10112x16xf32, #tpu.memory_space<vmem_shared>>
        tpu.wait_indirect_dma semaphore(%arg17 : memref<!tpu.dma_semaphore, #tpu.memory_space<semaphore_mem>>) src(%dma_wait3A_189 : memref<10112x16xf32, #tpu.memory_space<vmem_shared>>) dst(%arg11 : memref<40x16xf32, #tpu.memory_space<vmem>>)
        %dma_start3A = arith.constant 0 : i32
        %dma_start3A_190 = tpu.memref_slice %arg7[%sub3A_120, %dma_start3A] : memref<250x40xi32, #tpu.memory_space<vmem>> -> memref<1x40xi32, #tpu.memory_space<vmem>>
        %dma_start3A_191 = tpu.memref_squeeze %dma_start3A_190 : memref<1x40xi32, #tpu.memory_space<vmem>> -> memref<40xi32, #tpu.memory_space<vmem>>
        %dma_start3A_192 = arith.constant 0 : i32
        %dma_start3A_193 = arith.constant 0 : i32
        %dma_start3A_194 = tpu.memref_slice %arg13[%dma_start3A_192, %dma_start3A_193] : memref<10112x16xf32, #tpu.memory_space<vmem_shared>> -> memref<10112x16xf32, #tpu.memory_space<vmem_shared>>
        tpu.enqueue_indirect_dma source(%arg11 : memref<40x16xf32, #tpu.memory_space<vmem>>) target(%dma_start3A_194 : memref<10112x16xf32, #tpu.memory_space<vmem_shared>>) offsets(%dma_start3A_191 : memref<40xi32, #tpu.memory_space<vmem>>) semaphore(%arg21 : memref<!tpu.dma_semaphore, #tpu.memory_space<semaphore_mem>>) {add = true}
      } else {
      }
      %mul3A_129 = arith.constant 4 : i32
      %mul3A_130 = arith.muli %scan3A_78, %mul3A_129 : i32
      %add3A_131 = arith.constant 2 : i32
      %add3A_132 = arith.addi %mul3A_130, %add3A_131 : i32
      %ge3A_133 = arith.constant 4 : i32
      %ge3A_134 = arith.cmpi sge, %add3A_132, %ge3A_133 : i32
      %lt3A_135 = arith.constant 250 : i32
      %lt3A_136 = arith.cmpi slt, %add3A_132, %lt3A_135 : i32
      %and3A_137 = arith.andi %ge3A_134, %lt3A_136 : i1
      %convert_element_type3A_138 = arith.extui %and3A_137 : i1 to i32
      %cond3A_139 = arith.constant 0 : i32
      %cond3A_140 = arith.cmpi ne, %convert_element_type3A_138, %cond3A_139 : i32
      scf.if %cond3A_140 {
        %sub3A_184 = arith.constant 4 : i32
        %sub3A_185 = arith.subi %add3A_132, %sub3A_184 : i32
        %dma_wait3A_186 = arith.constant 0 : i32
        %dma_wait3A_187 = tpu.memref_slice %arg7[%sub3A_185, %dma_wait3A_186] : memref<250x40xi32, #tpu.memory_space<vmem>> -> memref<1x40xi32, #tpu.memory_space<vmem>>
        %dma_wait3A_188 = tpu.memref_squeeze %dma_wait3A_187 : memref<1x40xi32, #tpu.memory_space<vmem>> -> memref<40xi32, #tpu.memory_space<vmem>>
        %dma_wait3A_189 = arith.constant 0 : i32
        %dma_wait3A_190 = arith.constant 0 : i32
        %dma_wait3A_191 = tpu.memref_slice %arg13[%dma_wait3A_189, %dma_wait3A_190] : memref<10112x16xf32, #tpu.memory_space<vmem_shared>> -> memref<10112x16xf32, #tpu.memory_space<vmem_shared>>
        tpu.wait_indirect_dma semaphore(%arg20 : memref<!tpu.dma_semaphore, #tpu.memory_space<semaphore_mem>>) src(%arg10 : memref<40x16xf32, #tpu.memory_space<vmem>>) dst(%dma_wait3A_191 : memref<10112x16xf32, #tpu.memory_space<vmem_shared>>)
      } else {
      }
      %lt3A_141 = arith.constant 250 : i32
      %lt3A_142 = arith.cmpi slt, %add3A_132, %lt3A_141 : i32
      %convert_element_type3A_143 = arith.extui %lt3A_142 : i1 to i32
      %cond3A_144 = arith.constant 0 : i32
      %cond3A_145 = arith.cmpi ne, %convert_element_type3A_143, %cond3A_144 : i32
      scf.if %cond3A_145 {
        %dma_start3A = arith.constant 0 : i32
        %dma_start3A_184 = tpu.memref_slice %arg6[%add3A_132, %dma_start3A] : memref<250x40xi32, #tpu.memory_space<vmem>> -> memref<1x40xi32, #tpu.memory_space<vmem>>
        %dma_start3A_185 = tpu.memref_squeeze %dma_start3A_184 : memref<1x40xi32, #tpu.memory_space<vmem>> -> memref<40xi32, #tpu.memory_space<vmem>>
        %dma_start3A_186 = arith.constant 0 : i32
        %dma_start3A_187 = arith.constant 0 : i32
        %dma_start3A_188 = tpu.memref_slice %arg12[%dma_start3A_186, %dma_start3A_187] : memref<10112x16xf32, #tpu.memory_space<vmem_shared>> -> memref<10112x16xf32, #tpu.memory_space<vmem_shared>>
        tpu.enqueue_indirect_dma source(%dma_start3A_188 : memref<10112x16xf32, #tpu.memory_space<vmem_shared>>) target(%arg10 : memref<40x16xf32, #tpu.memory_space<vmem>>) offsets(%dma_start3A_185 : memref<40xi32, #tpu.memory_space<vmem>>) semaphore(%arg16 : memref<!tpu.dma_semaphore, #tpu.memory_space<semaphore_mem>>)
      } else {
      }
      %sub3A_146 = arith.constant 2 : i32
      %sub3A_147 = arith.subi %add3A_132, %sub3A_146 : i32
      %ge3A_148 = arith.constant 0 : i32
      %ge3A_149 = arith.cmpi sge, %sub3A_147, %ge3A_148 : i32
      %lt3A_150 = arith.constant 250 : i32
      %lt3A_151 = arith.cmpi slt, %sub3A_147, %lt3A_150 : i32
      %and3A_152 = arith.andi %ge3A_149, %lt3A_151 : i1
      %convert_element_type3A_153 = arith.extui %and3A_152 : i1 to i32
      %cond3A_154 = arith.constant 0 : i32
      %cond3A_155 = arith.cmpi ne, %convert_element_type3A_153, %cond3A_154 : i32
      scf.if %cond3A_155 {
        %dma_wait3A_184 = arith.constant 0 : i32
        %dma_wait3A_185 = tpu.memref_slice %arg6[%sub3A_147, %dma_wait3A_184] : memref<250x40xi32, #tpu.memory_space<vmem>> -> memref<1x40xi32, #tpu.memory_space<vmem>>
        %dma_wait3A_186 = tpu.memref_squeeze %dma_wait3A_185 : memref<1x40xi32, #tpu.memory_space<vmem>> -> memref<40xi32, #tpu.memory_space<vmem>>
        %dma_wait3A_187 = arith.constant 0 : i32
        %dma_wait3A_188 = arith.constant 0 : i32
        %dma_wait3A_189 = tpu.memref_slice %arg12[%dma_wait3A_187, %dma_wait3A_188] : memref<10112x16xf32, #tpu.memory_space<vmem_shared>> -> memref<10112x16xf32, #tpu.memory_space<vmem_shared>>
        tpu.wait_indirect_dma semaphore(%arg14 : memref<!tpu.dma_semaphore, #tpu.memory_space<semaphore_mem>>) src(%dma_wait3A_189 : memref<10112x16xf32, #tpu.memory_space<vmem_shared>>) dst(%arg8 : memref<40x16xf32, #tpu.memory_space<vmem>>)
        %dma_start3A = arith.constant 0 : i32
        %dma_start3A_190 = tpu.memref_slice %arg7[%sub3A_147, %dma_start3A] : memref<250x40xi32, #tpu.memory_space<vmem>> -> memref<1x40xi32, #tpu.memory_space<vmem>>
        %dma_start3A_191 = tpu.memref_squeeze %dma_start3A_190 : memref<1x40xi32, #tpu.memory_space<vmem>> -> memref<40xi32, #tpu.memory_space<vmem>>
        %dma_start3A_192 = arith.constant 0 : i32
        %dma_start3A_193 = arith.constant 0 : i32
        %dma_start3A_194 = tpu.memref_slice %arg13[%dma_start3A_192, %dma_start3A_193] : memref<10112x16xf32, #tpu.memory_space<vmem_shared>> -> memref<10112x16xf32, #tpu.memory_space<vmem_shared>>
        tpu.enqueue_indirect_dma source(%arg8 : memref<40x16xf32, #tpu.memory_space<vmem>>) target(%dma_start3A_194 : memref<10112x16xf32, #tpu.memory_space<vmem_shared>>) offsets(%dma_start3A_191 : memref<40xi32, #tpu.memory_space<vmem>>) semaphore(%arg18 : memref<!tpu.dma_semaphore, #tpu.memory_space<semaphore_mem>>) {add = true}
      } else {
      }
      %mul3A_156 = arith.constant 4 : i32
      %mul3A_157 = arith.muli %scan3A_78, %mul3A_156 : i32
      %add3A_158 = arith.constant 3 : i32
      %add3A_159 = arith.addi %mul3A_157, %add3A_158 : i32
      %ge3A_160 = arith.constant 4 : i32
      %ge3A_161 = arith.cmpi sge, %add3A_159, %ge3A_160 : i32
      %lt3A_162 = arith.constant 250 : i32
      %lt3A_163 = arith.cmpi slt, %add3A_159, %lt3A_162 : i32
      %and3A_164 = arith.andi %ge3A_161, %lt3A_163 : i1
      %convert_element_type3A_165 = arith.extui %and3A_164 : i1 to i32
      %cond3A_166 = arith.constant 0 : i32
      %cond3A_167 = arith.cmpi ne, %convert_element_type3A_165, %cond3A_166 : i32
      scf.if %cond3A_167 {
        %sub3A_184 = arith.constant 4 : i32
        %sub3A_185 = arith.subi %add3A_159, %sub3A_184 : i32
        %dma_wait3A_186 = arith.constant 0 : i32
        %dma_wait3A_187 = tpu.memref_slice %arg7[%sub3A_185, %dma_wait3A_186] : memref<250x40xi32, #tpu.memory_space<vmem>> -> memref<1x40xi32, #tpu.memory_space<vmem>>
        %dma_wait3A_188 = tpu.memref_squeeze %dma_wait3A_187 : memref<1x40xi32, #tpu.memory_space<vmem>> -> memref<40xi32, #tpu.memory_space<vmem>>
        %dma_wait3A_189 = arith.constant 0 : i32
        %dma_wait3A_190 = arith.constant 0 : i32
        %dma_wait3A_191 = tpu.memref_slice %arg13[%dma_wait3A_189, %dma_wait3A_190] : memref<10112x16xf32, #tpu.memory_space<vmem_shared>> -> memref<10112x16xf32, #tpu.memory_space<vmem_shared>>
        tpu.wait_indirect_dma semaphore(%arg21 : memref<!tpu.dma_semaphore, #tpu.memory_space<semaphore_mem>>) src(%arg11 : memref<40x16xf32, #tpu.memory_space<vmem>>) dst(%dma_wait3A_191 : memref<10112x16xf32, #tpu.memory_space<vmem_shared>>)
      } else {
      }
      %lt3A_168 = arith.constant 250 : i32
      %lt3A_169 = arith.cmpi slt, %add3A_159, %lt3A_168 : i32
      %convert_element_type3A_170 = arith.extui %lt3A_169 : i1 to i32
      %cond3A_171 = arith.constant 0 : i32
      %cond3A_172 = arith.cmpi ne, %convert_element_type3A_170, %cond3A_171 : i32
      scf.if %cond3A_172 {
        %dma_start3A = arith.constant 0 : i32
        %dma_start3A_184 = tpu.memref_slice %arg6[%add3A_159, %dma_start3A] : memref<250x40xi32, #tpu.memory_space<vmem>> -> memref<1x40xi32, #tpu.memory_space<vmem>>
        %dma_start3A_185 = tpu.memref_squeeze %dma_start3A_184 : memref<1x40xi32, #tpu.memory_space<vmem>> -> memref<40xi32, #tpu.memory_space<vmem>>
        %dma_start3A_186 = arith.constant 0 : i32
        %dma_start3A_187 = arith.constant 0 : i32
        %dma_start3A_188 = tpu.memref_slice %arg12[%dma_start3A_186, %dma_start3A_187] : memref<10112x16xf32, #tpu.memory_space<vmem_shared>> -> memref<10112x16xf32, #tpu.memory_space<vmem_shared>>
        tpu.enqueue_indirect_dma source(%dma_start3A_188 : memref<10112x16xf32, #tpu.memory_space<vmem_shared>>) target(%arg11 : memref<40x16xf32, #tpu.memory_space<vmem>>) offsets(%dma_start3A_185 : memref<40xi32, #tpu.memory_space<vmem>>) semaphore(%arg17 : memref<!tpu.dma_semaphore, #tpu.memory_space<semaphore_mem>>)
      } else {
      }
      %sub3A_173 = arith.constant 2 : i32
      %sub3A_174 = arith.subi %add3A_159, %sub3A_173 : i32
      %ge3A_175 = arith.constant 0 : i32
      %ge3A_176 = arith.cmpi sge, %sub3A_174, %ge3A_175 : i32
      %lt3A_177 = arith.constant 250 : i32
      %lt3A_178 = arith.cmpi slt, %sub3A_174, %lt3A_177 : i32
      %and3A_179 = arith.andi %ge3A_176, %lt3A_178 : i1
      %convert_element_type3A_180 = arith.extui %and3A_179 : i1 to i32
      %cond3A_181 = arith.constant 0 : i32
      %cond3A_182 = arith.cmpi ne, %convert_element_type3A_180, %cond3A_181 : i32
      scf.if %cond3A_182 {
        %dma_wait3A_184 = arith.constant 0 : i32
        %dma_wait3A_185 = tpu.memref_slice %arg6[%sub3A_174, %dma_wait3A_184] : memref<250x40xi32, #tpu.memory_space<vmem>> -> memref<1x40xi32, #tpu.memory_space<vmem>>
        %dma_wait3A_186 = tpu.memref_squeeze %dma_wait3A_185 : memref<1x40xi32, #tpu.memory_space<vmem>> -> memref<40xi32, #tpu.memory_space<vmem>>
        %dma_wait3A_187 = arith.constant 0 : i32
        %dma_wait3A_188 = arith.constant 0 : i32
        %dma_wait3A_189 = tpu.memref_slice %arg12[%dma_wait3A_187, %dma_wait3A_188] : memref<10112x16xf32, #tpu.memory_space<vmem_shared>> -> memref<10112x16xf32, #tpu.memory_space<vmem_shared>>
        tpu.wait_indirect_dma semaphore(%arg15 : memref<!tpu.dma_semaphore, #tpu.memory_space<semaphore_mem>>) src(%dma_wait3A_189 : memref<10112x16xf32, #tpu.memory_space<vmem_shared>>) dst(%arg9 : memref<40x16xf32, #tpu.memory_space<vmem>>)
        %dma_start3A = arith.constant 0 : i32
        %dma_start3A_190 = tpu.memref_slice %arg7[%sub3A_174, %dma_start3A] : memref<250x40xi32, #tpu.memory_space<vmem>> -> memref<1x40xi32, #tpu.memory_space<vmem>>
        %dma_start3A_191 = tpu.memref_squeeze %dma_start3A_190 : memref<1x40xi32, #tpu.memory_space<vmem>> -> memref<40xi32, #tpu.memory_space<vmem>>
        %dma_start3A_192 = arith.constant 0 : i32
        %dma_start3A_193 = arith.constant 0 : i32
        %dma_start3A_194 = tpu.memref_slice %arg13[%dma_start3A_192, %dma_start3A_193] : memref<10112x16xf32, #tpu.memory_space<vmem_shared>> -> memref<10112x16xf32, #tpu.memory_space<vmem_shared>>
        tpu.enqueue_indirect_dma source(%arg9 : memref<40x16xf32, #tpu.memory_space<vmem>>) target(%dma_start3A_194 : memref<10112x16xf32, #tpu.memory_space<vmem_shared>>) offsets(%dma_start3A_191 : memref<40xi32, #tpu.memory_space<vmem>>) semaphore(%arg19 : memref<!tpu.dma_semaphore, #tpu.memory_space<semaphore_mem>>) {add = true}
      } else {
      }
      %scan3A_183 = arith.constant 0 : i32
      scf.yield %scan3A_183 : i32
    }
    %scan3A_49 = arith.constant 63 : i32
    %dma_wait3A = arith.constant 246 : i32
    %dma_wait3A_50 = arith.constant 0 : i32
    %dma_wait3A_51 = tpu.memref_slice %arg7[%dma_wait3A, %dma_wait3A_50] : memref<250x40xi32, #tpu.memory_space<vmem>> -> memref<1x40xi32, #tpu.memory_space<vmem>>
    %dma_wait3A_52 = tpu.memref_squeeze %dma_wait3A_51 : memref<1x40xi32, #tpu.memory_space<vmem>> -> memref<40xi32, #tpu.memory_space<vmem>>
    %dma_wait3A_53 = arith.constant 0 : i32
    %dma_wait3A_54 = arith.constant 0 : i32
    %dma_wait3A_55 = tpu.memref_slice %arg13[%dma_wait3A_53, %dma_wait3A_54] : memref<10112x16xf32, #tpu.memory_space<vmem_shared>> -> memref<10112x16xf32, #tpu.memory_space<vmem_shared>>
    tpu.wait_indirect_dma semaphore(%arg20 : memref<!tpu.dma_semaphore, #tpu.memory_space<semaphore_mem>>) src(%arg10 : memref<40x16xf32, #tpu.memory_space<vmem>>) dst(%dma_wait3A_55 : memref<10112x16xf32, #tpu.memory_space<vmem_shared>>)
    %dma_wait3A_56 = arith.constant 247 : i32
    %dma_wait3A_57 = arith.constant 0 : i32
    %dma_wait3A_58 = tpu.memref_slice %arg7[%dma_wait3A_56, %dma_wait3A_57] : memref<250x40xi32, #tpu.memory_space<vmem>> -> memref<1x40xi32, #tpu.memory_space<vmem>>
    %dma_wait3A_59 = tpu.memref_squeeze %dma_wait3A_58 : memref<1x40xi32, #tpu.memory_space<vmem>> -> memref<40xi32, #tpu.memory_space<vmem>>
    %dma_wait3A_60 = arith.constant 0 : i32
    %dma_wait3A_61 = arith.constant 0 : i32
    %dma_wait3A_62 = tpu.memref_slice %arg13[%dma_wait3A_60, %dma_wait3A_61] : memref<10112x16xf32, #tpu.memory_space<vmem_shared>> -> memref<10112x16xf32, #tpu.memory_space<vmem_shared>>
    tpu.wait_indirect_dma semaphore(%arg21 : memref<!tpu.dma_semaphore, #tpu.memory_space<semaphore_mem>>) src(%arg11 : memref<40x16xf32, #tpu.memory_space<vmem>>) dst(%dma_wait3A_62 : memref<10112x16xf32, #tpu.memory_space<vmem_shared>>)
    %dma_wait3A_63 = arith.constant 248 : i32
    %dma_wait3A_64 = arith.constant 0 : i32
    %dma_wait3A_65 = tpu.memref_slice %arg7[%dma_wait3A_63, %dma_wait3A_64] : memref<250x40xi32, #tpu.memory_space<vmem>> -> memref<1x40xi32, #tpu.memory_space<vmem>>
    %dma_wait3A_66 = tpu.memref_squeeze %dma_wait3A_65 : memref<1x40xi32, #tpu.memory_space<vmem>> -> memref<40xi32, #tpu.memory_space<vmem>>
    %dma_wait3A_67 = arith.constant 0 : i32
    %dma_wait3A_68 = arith.constant 0 : i32
    %dma_wait3A_69 = tpu.memref_slice %arg13[%dma_wait3A_67, %dma_wait3A_68] : memref<10112x16xf32, #tpu.memory_space<vmem_shared>> -> memref<10112x16xf32, #tpu.memory_space<vmem_shared>>
    tpu.wait_indirect_dma semaphore(%arg18 : memref<!tpu.dma_semaphore, #tpu.memory_space<semaphore_mem>>) src(%arg8 : memref<40x16xf32, #tpu.memory_space<vmem>>) dst(%dma_wait3A_69 : memref<10112x16xf32, #tpu.memory_space<vmem_shared>>)
    %dma_wait3A_70 = arith.constant 249 : i32
    %dma_wait3A_71 = arith.constant 0 : i32
    %dma_wait3A_72 = tpu.memref_slice %arg7[%dma_wait3A_70, %dma_wait3A_71] : memref<250x40xi32, #tpu.memory_space<vmem>> -> memref<1x40xi32, #tpu.memory_space<vmem>>
    %dma_wait3A_73 = tpu.memref_squeeze %dma_wait3A_72 : memref<1x40xi32, #tpu.memory_space<vmem>> -> memref<40xi32, #tpu.memory_space<vmem>>
    %dma_wait3A_74 = arith.constant 0 : i32
    %dma_wait3A_75 = arith.constant 0 : i32
    %dma_wait3A_76 = tpu.memref_slice %arg13[%dma_wait3A_74, %dma_wait3A_75] : memref<10112x16xf32, #tpu.memory_space<vmem_shared>> -> memref<10112x16xf32, #tpu.memory_space<vmem_shared>>
    tpu.wait_indirect_dma semaphore(%arg19 : memref<!tpu.dma_semaphore, #tpu.memory_space<semaphore_mem>>) src(%arg9 : memref<40x16xf32, #tpu.memory_space<vmem>>) dst(%dma_wait3A_76 : memref<10112x16xf32, #tpu.memory_space<vmem_shared>>)
    %barrier3A_77 = arith.constant 0 : index
    tpu.barrier barrier_id(%barrier3A_77)
    "tpu.region"() ({
      %run_scoped3A = tpu.sem_alloc : memref<!tpu.dma_semaphore, #tpu.memory_space<semaphore_mem>>
      %dma_start3A = arith.constant 0 : i32
      %dma_start3A_78 = tpu.memref_slice %arg5[%arg0, %mul3A_2, %dma_start3A] : memref<2x10112x16xf32, #tpu.memory_space<hbm>> -> memref<1x632x16xf32, #tpu.memory_space<hbm>>
      %dma_start3A_79 = tpu.memref_squeeze %dma_start3A_78 : memref<1x632x16xf32, #tpu.memory_space<hbm>> -> memref<632x16xf32, #tpu.memory_space<hbm>>
      %dma_start3A_80 = arith.constant 0 : i32
      %dma_start3A_81 = tpu.memref_slice %arg13[%mul3A_2, %dma_start3A_80] : memref<10112x16xf32, #tpu.memory_space<vmem_shared>> -> memref<632x16xf32, #tpu.memory_space<vmem_shared>>
      tpu.enqueue_dma source(%dma_start3A_81 : memref<632x16xf32, #tpu.memory_space<vmem_shared>>) target(%dma_start3A_79 : memref<632x16xf32, #tpu.memory_space<hbm>>) target_semaphore(%run_scoped3A : memref<!tpu.dma_semaphore, #tpu.memory_space<semaphore_mem>>)
      %dma_wait3A_82 = arith.constant 0 : i32
      %dma_wait3A_83 = tpu.memref_slice %arg5[%arg0, %mul3A_2, %dma_wait3A_82] : memref<2x10112x16xf32, #tpu.memory_space<hbm>> -> memref<1x632x16xf32, #tpu.memory_space<hbm>>
      %dma_wait3A_84 = tpu.memref_squeeze %dma_wait3A_83 : memref<1x632x16xf32, #tpu.memory_space<hbm>> -> memref<632x16xf32, #tpu.memory_space<hbm>>
      %dma_wait3A_85 = arith.constant 0 : i32
      %dma_wait3A_86 = tpu.memref_slice %arg13[%mul3A_2, %dma_wait3A_85] : memref<10112x16xf32, #tpu.memory_space<vmem_shared>> -> memref<632x16xf32, #tpu.memory_space<vmem_shared>>
      tpu.wait_dma2 semaphore(%run_scoped3A : memref<!tpu.dma_semaphore, #tpu.memory_space<semaphore_mem>>) src(%dma_wait3A_86 : memref<632x16xf32, #tpu.memory_space<vmem_shared>>) dst(%dma_wait3A_84 : memref<632x16xf32, #tpu.memory_space<hbm>>)
      tpu.yield
    }) : () -> ()
    return
  }
}

#map = affine_map<(d0, d1) -> (0, 0, 0)>
module attributes {stable_mosaic.version = 14 : i64} {
  func.func @deg_kernel(%arg0: i32, %arg1: i32, %arg2: memref<32x125x80xi32, #tpu.memory_space<hbm>>, %arg3: memref<2x10112x16xf32, #tpu.memory_space<hbm>>, %arg4: memref<125x80xi32, #tpu.memory_space<vmem>>, %arg5: memref<80x16xf32, #tpu.memory_space<vmem>>, %arg6: memref<10112x16xf32, #tpu.memory_space<vmem_shared>>, %arg7: memref<!tpu.dma_semaphore, #tpu.memory_space<semaphore_mem>>) attributes {dimension_semantics = [#tpu.dimension_semantics<core_parallel>, #tpu.dimension_semantics<subcore_parallel>], iteration_bounds = array<i64: 2, 16>, scalar_prefetch = 0 : i64, scratch_operands = 4 : i64, tpu.core_type = #tpu.core_type<sc_vector_subcore>, window_params = [{transform_indices = #map}, {transform_indices = #map}]} {
    %mul3A = arith.constant 16 : i32
    %mul3A_0 = arith.muli %arg0, %mul3A : i32
    %add3A = arith.addi %mul3A_0, %arg1 : i32
    %mul3A_1 = arith.constant 632 : i32
    %mul3A_2 = arith.muli %arg1, %mul3A_1 : i32
    %scan3A = arith.constant 0 : i32
    %scan3A_3 = arith.constant 0 : i32
    %scan3A_4 = arith.constant 80 : i32
    %scan3A_5 = arith.addi %scan3A_3, %scan3A_4 : i32
    %scan3A_6 = arith.constant 1 : i32
    %scan3A_7 = scf.for %scan3A_48 = %scan3A_3 to %scan3A_5 step %scan3A_6 iter_args(%scan3A_49 = %scan3A) -> (i32)  : i32 {
      %broadcast_in_dim3A = arith.constant 0.000000e+00 : f32
      %broadcast_in_dim3A_50 = vector.broadcast %broadcast_in_dim3A : f32 to vector<16xf32>
      %swap3A = arith.index_cast %scan3A_48 : i32 to index
      %swap3A_51 = arith.constant 0 : index
      %swap3A_52 = tpu.vector_load %arg5[%swap3A, %swap3A_51] {strides = array<i32>} : memref<80x16xf32, #tpu.memory_space<vmem>>, vector<1x16xf32>,
      %swap3A_53 = vector.shape_cast %swap3A_52 : vector<1x16xf32> to vector<16xf32>
      %swap3A_54 = vector.shape_cast %broadcast_in_dim3A_50 : vector<16xf32> to vector<1x16xf32>
      tpu.vector_store %arg5[%swap3A, %swap3A_51], %swap3A_54 {strides = array<i32>} : memref<80x16xf32, #tpu.memory_space<vmem>>, vector<1x16xf32>,
      %scan3A_55 = arith.constant 0 : i32
      scf.yield %scan3A_55 : i32
    }
    %scan3A_8 = arith.constant 80 : i32
    %add3A_9 = arith.constant 0 : i32
    %add3A_10 = arith.addi %mul3A_2, %add3A_9 : i32
    "tpu.region"() ({
      %run_scoped3A = tpu.sem_alloc : memref<!tpu.dma_semaphore, #tpu.memory_space<semaphore_mem>>
      %dma_start3A = arith.constant 0 : i32
      %dma_start3A_48 = tpu.memref_slice %arg6[%add3A_10, %dma_start3A] : memref<10112x16xf32, #tpu.memory_space<vmem_shared>> -> memref<80x16xf32, #tpu.memory_space<vmem_shared>>
      %dma_start3A_49 = arith.constant 0 : i32
      %dma_start3A_50 = tpu.memref_slice %arg6[%add3A_10, %dma_start3A_49] : memref<10112x16xf32, #tpu.memory_space<vmem_shared>> -> memref<80x16xf32, #tpu.memory_space<vmem_shared>>
      tpu.enqueue_dma source(%arg5 : memref<80x16xf32, #tpu.memory_space<vmem>>) target(%dma_start3A_50 : memref<80x16xf32, #tpu.memory_space<vmem_shared>>) target_semaphore(%run_scoped3A : memref<!tpu.dma_semaphore, #tpu.memory_space<semaphore_mem>>)
      %dma_wait3A = arith.constant 0 : i32
      %dma_wait3A_51 = tpu.memref_slice %arg6[%add3A_10, %dma_wait3A] : memref<10112x16xf32, #tpu.memory_space<vmem_shared>> -> memref<80x16xf32, #tpu.memory_space<vmem_shared>>
      %dma_wait3A_52 = arith.constant 0 : i32
      %dma_wait3A_53 = tpu.memref_slice %arg6[%add3A_10, %dma_wait3A_52] : memref<10112x16xf32, #tpu.memory_space<vmem_shared>> -> memref<80x16xf32, #tpu.memory_space<vmem_shared>>
      tpu.wait_dma2 semaphore(%run_scoped3A : memref<!tpu.dma_semaphore, #tpu.memory_space<semaphore_mem>>) src(%arg5 : memref<80x16xf32, #tpu.memory_space<vmem>>) dst(%dma_wait3A_53 : memref<80x16xf32, #tpu.memory_space<vmem_shared>>)
      tpu.yield
    }) : () -> ()
    %add3A_11 = arith.constant 80 : i32
    %add3A_12 = arith.addi %mul3A_2, %add3A_11 : i32
    "tpu.region"() ({
      %run_scoped3A = tpu.sem_alloc : memref<!tpu.dma_semaphore, #tpu.memory_space<semaphore_mem>>
      %dma_start3A = arith.constant 0 : i32
      %dma_start3A_48 = tpu.memref_slice %arg6[%add3A_12, %dma_start3A] : memref<10112x16xf32, #tpu.memory_space<vmem_shared>> -> memref<80x16xf32, #tpu.memory_space<vmem_shared>>
      %dma_start3A_49 = arith.constant 0 : i32
      %dma_start3A_50 = tpu.memref_slice %arg6[%add3A_12, %dma_start3A_49] : memref<10112x16xf32, #tpu.memory_space<vmem_shared>> -> memref<80x16xf32, #tpu.memory_space<vmem_shared>>
      tpu.enqueue_dma source(%arg5 : memref<80x16xf32, #tpu.memory_space<vmem>>) target(%dma_start3A_50 : memref<80x16xf32, #tpu.memory_space<vmem_shared>>) target_semaphore(%run_scoped3A : memref<!tpu.dma_semaphore, #tpu.memory_space<semaphore_mem>>)
      %dma_wait3A = arith.constant 0 : i32
      %dma_wait3A_51 = tpu.memref_slice %arg6[%add3A_12, %dma_wait3A] : memref<10112x16xf32, #tpu.memory_space<vmem_shared>> -> memref<80x16xf32, #tpu.memory_space<vmem_shared>>
      %dma_wait3A_52 = arith.constant 0 : i32
      %dma_wait3A_53 = tpu.memref_slice %arg6[%add3A_12, %dma_wait3A_52] : memref<10112x16xf32, #tpu.memory_space<vmem_shared>> -> memref<80x16xf32, #tpu.memory_space<vmem_shared>>
      tpu.wait_dma2 semaphore(%run_scoped3A : memref<!tpu.dma_semaphore, #tpu.memory_space<semaphore_mem>>) src(%arg5 : memref<80x16xf32, #tpu.memory_space<vmem>>) dst(%dma_wait3A_53 : memref<80x16xf32, #tpu.memory_space<vmem_shared>>)
      tpu.yield
    }) : () -> ()
    %add3A_13 = arith.constant 160 : i32
    %add3A_14 = arith.addi %mul3A_2, %add3A_13 : i32
    "tpu.region"() ({
      %run_scoped3A = tpu.sem_alloc : memref<!tpu.dma_semaphore, #tpu.memory_space<semaphore_mem>>
      %dma_start3A = arith.constant 0 : i32
      %dma_start3A_48 = tpu.memref_slice %arg6[%add3A_14, %dma_start3A] : memref<10112x16xf32, #tpu.memory_space<vmem_shared>> -> memref<80x16xf32, #tpu.memory_space<vmem_shared>>
      %dma_start3A_49 = arith.constant 0 : i32
      %dma_start3A_50 = tpu.memref_slice %arg6[%add3A_14, %dma_start3A_49] : memref<10112x16xf32, #tpu.memory_space<vmem_shared>> -> memref<80x16xf32, #tpu.memory_space<vmem_shared>>
      tpu.enqueue_dma source(%arg5 : memref<80x16xf32, #tpu.memory_space<vmem>>) target(%dma_start3A_50 : memref<80x16xf32, #tpu.memory_space<vmem_shared>>) target_semaphore(%run_scoped3A : memref<!tpu.dma_semaphore, #tpu.memory_space<semaphore_mem>>)
      %dma_wait3A = arith.constant 0 : i32
      %dma_wait3A_51 = tpu.memref_slice %arg6[%add3A_14, %dma_wait3A] : memref<10112x16xf32, #tpu.memory_space<vmem_shared>> -> memref<80x16xf32, #tpu.memory_space<vmem_shared>>
      %dma_wait3A_52 = arith.constant 0 : i32
      %dma_wait3A_53 = tpu.memref_slice %arg6[%add3A_14, %dma_wait3A_52] : memref<10112x16xf32, #tpu.memory_space<vmem_shared>> -> memref<80x16xf32, #tpu.memory_space<vmem_shared>>
      tpu.wait_dma2 semaphore(%run_scoped3A : memref<!tpu.dma_semaphore, #tpu.memory_space<semaphore_mem>>) src(%arg5 : memref<80x16xf32, #tpu.memory_space<vmem>>) dst(%dma_wait3A_53 : memref<80x16xf32, #tpu.memory_space<vmem_shared>>)
      tpu.yield
    }) : () -> ()
    %add3A_15 = arith.constant 240 : i32
    %add3A_16 = arith.addi %mul3A_2, %add3A_15 : i32
    "tpu.region"() ({
      %run_scoped3A = tpu.sem_alloc : memref<!tpu.dma_semaphore, #tpu.memory_space<semaphore_mem>>
      %dma_start3A = arith.constant 0 : i32
      %dma_start3A_48 = tpu.memref_slice %arg6[%add3A_16, %dma_start3A] : memref<10112x16xf32, #tpu.memory_space<vmem_shared>> -> memref<80x16xf32, #tpu.memory_space<vmem_shared>>
      %dma_start3A_49 = arith.constant 0 : i32
      %dma_start3A_50 = tpu.memref_slice %arg6[%add3A_16, %dma_start3A_49] : memref<10112x16xf32, #tpu.memory_space<vmem_shared>> -> memref<80x16xf32, #tpu.memory_space<vmem_shared>>
      tpu.enqueue_dma source(%arg5 : memref<80x16xf32, #tpu.memory_space<vmem>>) target(%dma_start3A_50 : memref<80x16xf32, #tpu.memory_space<vmem_shared>>) target_semaphore(%run_scoped3A : memref<!tpu.dma_semaphore, #tpu.memory_space<semaphore_mem>>)
      %dma_wait3A = arith.constant 0 : i32
      %dma_wait3A_51 = tpu.memref_slice %arg6[%add3A_16, %dma_wait3A] : memref<10112x16xf32, #tpu.memory_space<vmem_shared>> -> memref<80x16xf32, #tpu.memory_space<vmem_shared>>
      %dma_wait3A_52 = arith.constant 0 : i32
      %dma_wait3A_53 = tpu.memref_slice %arg6[%add3A_16, %dma_wait3A_52] : memref<10112x16xf32, #tpu.memory_space<vmem_shared>> -> memref<80x16xf32, #tpu.memory_space<vmem_shared>>
      tpu.wait_dma2 semaphore(%run_scoped3A : memref<!tpu.dma_semaphore, #tpu.memory_space<semaphore_mem>>) src(%arg5 : memref<80x16xf32, #tpu.memory_space<vmem>>) dst(%dma_wait3A_53 : memref<80x16xf32, #tpu.memory_space<vmem_shared>>)
      tpu.yield
    }) : () -> ()
    %add3A_17 = arith.constant 320 : i32
    %add3A_18 = arith.addi %mul3A_2, %add3A_17 : i32
    "tpu.region"() ({
      %run_scoped3A = tpu.sem_alloc : memref<!tpu.dma_semaphore, #tpu.memory_space<semaphore_mem>>
      %dma_start3A = arith.constant 0 : i32
      %dma_start3A_48 = tpu.memref_slice %arg6[%add3A_18, %dma_start3A] : memref<10112x16xf32, #tpu.memory_space<vmem_shared>> -> memref<80x16xf32, #tpu.memory_space<vmem_shared>>
      %dma_start3A_49 = arith.constant 0 : i32
      %dma_start3A_50 = tpu.memref_slice %arg6[%add3A_18, %dma_start3A_49] : memref<10112x16xf32, #tpu.memory_space<vmem_shared>> -> memref<80x16xf32, #tpu.memory_space<vmem_shared>>
      tpu.enqueue_dma source(%arg5 : memref<80x16xf32, #tpu.memory_space<vmem>>) target(%dma_start3A_50 : memref<80x16xf32, #tpu.memory_space<vmem_shared>>) target_semaphore(%run_scoped3A : memref<!tpu.dma_semaphore, #tpu.memory_space<semaphore_mem>>)
      %dma_wait3A = arith.constant 0 : i32
      %dma_wait3A_51 = tpu.memref_slice %arg6[%add3A_18, %dma_wait3A] : memref<10112x16xf32, #tpu.memory_space<vmem_shared>> -> memref<80x16xf32, #tpu.memory_space<vmem_shared>>
      %dma_wait3A_52 = arith.constant 0 : i32
      %dma_wait3A_53 = tpu.memref_slice %arg6[%add3A_18, %dma_wait3A_52] : memref<10112x16xf32, #tpu.memory_space<vmem_shared>> -> memref<80x16xf32, #tpu.memory_space<vmem_shared>>
      tpu.wait_dma2 semaphore(%run_scoped3A : memref<!tpu.dma_semaphore, #tpu.memory_space<semaphore_mem>>) src(%arg5 : memref<80x16xf32, #tpu.memory_space<vmem>>) dst(%dma_wait3A_53 : memref<80x16xf32, #tpu.memory_space<vmem_shared>>)
      tpu.yield
    }) : () -> ()
    %add3A_19 = arith.constant 400 : i32
    %add3A_20 = arith.addi %mul3A_2, %add3A_19 : i32
    "tpu.region"() ({
      %run_scoped3A = tpu.sem_alloc : memref<!tpu.dma_semaphore, #tpu.memory_space<semaphore_mem>>
      %dma_start3A = arith.constant 0 : i32
      %dma_start3A_48 = tpu.memref_slice %arg6[%add3A_20, %dma_start3A] : memref<10112x16xf32, #tpu.memory_space<vmem_shared>> -> memref<80x16xf32, #tpu.memory_space<vmem_shared>>
      %dma_start3A_49 = arith.constant 0 : i32
      %dma_start3A_50 = tpu.memref_slice %arg6[%add3A_20, %dma_start3A_49] : memref<10112x16xf32, #tpu.memory_space<vmem_shared>> -> memref<80x16xf32, #tpu.memory_space<vmem_shared>>
      tpu.enqueue_dma source(%arg5 : memref<80x16xf32, #tpu.memory_space<vmem>>) target(%dma_start3A_50 : memref<80x16xf32, #tpu.memory_space<vmem_shared>>) target_semaphore(%run_scoped3A : memref<!tpu.dma_semaphore, #tpu.memory_space<semaphore_mem>>)
      %dma_wait3A = arith.constant 0 : i32
      %dma_wait3A_51 = tpu.memref_slice %arg6[%add3A_20, %dma_wait3A] : memref<10112x16xf32, #tpu.memory_space<vmem_shared>> -> memref<80x16xf32, #tpu.memory_space<vmem_shared>>
      %dma_wait3A_52 = arith.constant 0 : i32
      %dma_wait3A_53 = tpu.memref_slice %arg6[%add3A_20, %dma_wait3A_52] : memref<10112x16xf32, #tpu.memory_space<vmem_shared>> -> memref<80x16xf32, #tpu.memory_space<vmem_shared>>
      tpu.wait_dma2 semaphore(%run_scoped3A : memref<!tpu.dma_semaphore, #tpu.memory_space<semaphore_mem>>) src(%arg5 : memref<80x16xf32, #tpu.memory_space<vmem>>) dst(%dma_wait3A_53 : memref<80x16xf32, #tpu.memory_space<vmem_shared>>)
      tpu.yield
    }) : () -> ()
    %add3A_21 = arith.constant 480 : i32
    %add3A_22 = arith.addi %mul3A_2, %add3A_21 : i32
    "tpu.region"() ({
      %run_scoped3A = tpu.sem_alloc : memref<!tpu.dma_semaphore, #tpu.memory_space<semaphore_mem>>
      %dma_start3A = arith.constant 0 : i32
      %dma_start3A_48 = tpu.memref_slice %arg6[%add3A_22, %dma_start3A] : memref<10112x16xf32, #tpu.memory_space<vmem_shared>> -> memref<80x16xf32, #tpu.memory_space<vmem_shared>>
      %dma_start3A_49 = arith.constant 0 : i32
      %dma_start3A_50 = tpu.memref_slice %arg6[%add3A_22, %dma_start3A_49] : memref<10112x16xf32, #tpu.memory_space<vmem_shared>> -> memref<80x16xf32, #tpu.memory_space<vmem_shared>>
      tpu.enqueue_dma source(%arg5 : memref<80x16xf32, #tpu.memory_space<vmem>>) target(%dma_start3A_50 : memref<80x16xf32, #tpu.memory_space<vmem_shared>>) target_semaphore(%run_scoped3A : memref<!tpu.dma_semaphore, #tpu.memory_space<semaphore_mem>>)
      %dma_wait3A = arith.constant 0 : i32
      %dma_wait3A_51 = tpu.memref_slice %arg6[%add3A_22, %dma_wait3A] : memref<10112x16xf32, #tpu.memory_space<vmem_shared>> -> memref<80x16xf32, #tpu.memory_space<vmem_shared>>
      %dma_wait3A_52 = arith.constant 0 : i32
      %dma_wait3A_53 = tpu.memref_slice %arg6[%add3A_22, %dma_wait3A_52] : memref<10112x16xf32, #tpu.memory_space<vmem_shared>> -> memref<80x16xf32, #tpu.memory_space<vmem_shared>>
      tpu.wait_dma2 semaphore(%run_scoped3A : memref<!tpu.dma_semaphore, #tpu.memory_space<semaphore_mem>>) src(%arg5 : memref<80x16xf32, #tpu.memory_space<vmem>>) dst(%dma_wait3A_53 : memref<80x16xf32, #tpu.memory_space<vmem_shared>>)
      tpu.yield
    }) : () -> ()
    %add3A_23 = arith.constant 632 : i32
    %add3A_24 = arith.addi %mul3A_2, %add3A_23 : i32
    %sub3A = arith.constant 72 : i32
    %sub3A_25 = arith.subi %add3A_24, %sub3A : i32
    "tpu.region"() ({
      %run_scoped3A = tpu.sem_alloc : memref<!tpu.dma_semaphore, #tpu.memory_space<semaphore_mem>>
      %dma_start3A = arith.constant 0 : i32
      %dma_start3A_48 = arith.constant 0 : i32
      %dma_start3A_49 = tpu.memref_slice %arg5[%dma_start3A, %dma_start3A_48] : memref<80x16xf32, #tpu.memory_space<vmem>> -> memref<72x16xf32, #tpu.memory_space<vmem>>
      %dma_start3A_50 = arith.constant 0 : i32
      %dma_start3A_51 = tpu.memref_slice %arg6[%sub3A_25, %dma_start3A_50] : memref<10112x16xf32, #tpu.memory_space<vmem_shared>> -> memref<72x16xf32, #tpu.memory_space<vmem_shared>>
      %dma_start3A_52 = arith.constant 0 : i32
      %dma_start3A_53 = tpu.memref_slice %arg6[%sub3A_25, %dma_start3A_52] : memref<10112x16xf32, #tpu.memory_space<vmem_shared>> -> memref<72x16xf32, #tpu.memory_space<vmem_shared>>
      %dma_start3A_54 = arith.constant 0 : i32
      %dma_start3A_55 = arith.constant 0 : i32
      %dma_start3A_56 = tpu.memref_slice %arg5[%dma_start3A_54, %dma_start3A_55] : memref<80x16xf32, #tpu.memory_space<vmem>> -> memref<72x16xf32, #tpu.memory_space<vmem>>
      tpu.enqueue_dma source(%dma_start3A_56 : memref<72x16xf32, #tpu.memory_space<vmem>>) target(%dma_start3A_53 : memref<72x16xf32, #tpu.memory_space<vmem_shared>>) target_semaphore(%run_scoped3A : memref<!tpu.dma_semaphore, #tpu.memory_space<semaphore_mem>>)
      %dma_wait3A = arith.constant 0 : i32
      %dma_wait3A_57 = arith.constant 0 : i32
      %dma_wait3A_58 = tpu.memref_slice %arg5[%dma_wait3A, %dma_wait3A_57] : memref<80x16xf32, #tpu.memory_space<vmem>> -> memref<72x16xf32, #tpu.memory_space<vmem>>
      %dma_wait3A_59 = arith.constant 0 : i32
      %dma_wait3A_60 = tpu.memref_slice %arg6[%sub3A_25, %dma_wait3A_59] : memref<10112x16xf32, #tpu.memory_space<vmem_shared>> -> memref<72x16xf32, #tpu.memory_space<vmem_shared>>
      %dma_wait3A_61 = arith.constant 0 : i32
      %dma_wait3A_62 = tpu.memref_slice %arg6[%sub3A_25, %dma_wait3A_61] : memref<10112x16xf32, #tpu.memory_space<vmem_shared>> -> memref<72x16xf32, #tpu.memory_space<vmem_shared>>
      %dma_wait3A_63 = arith.constant 0 : i32
      %dma_wait3A_64 = arith.constant 0 : i32
      %dma_wait3A_65 = tpu.memref_slice %arg5[%dma_wait3A_63, %dma_wait3A_64] : memref<80x16xf32, #tpu.memory_space<vmem>> -> memref<72x16xf32, #tpu.memory_space<vmem>>
      tpu.wait_dma2 semaphore(%run_scoped3A : memref<!tpu.dma_semaphore, #tpu.memory_space<semaphore_mem>>) src(%dma_wait3A_65 : memref<72x16xf32, #tpu.memory_space<vmem>>) dst(%dma_wait3A_62 : memref<72x16xf32, #tpu.memory_space<vmem_shared>>)
      tpu.yield
    }) : () -> ()
    %scan3A_26 = arith.constant 0 : i32
    %scan3A_27 = arith.constant 0 : i32
    %scan3A_28 = arith.constant 80 : i32
    %scan3A_29 = arith.addi %scan3A_27, %scan3A_28 : i32
    %scan3A_30 = arith.constant 1 : i32
    %scan3A_31 = scf.for %scan3A_48 = %scan3A_27 to %scan3A_29 step %scan3A_30 iter_args(%scan3A_49 = %scan3A_26) -> (i32)  : i32 {
      %broadcast_in_dim3A = arith.constant 1.000000e+00 : f32
      %broadcast_in_dim3A_50 = vector.broadcast %broadcast_in_dim3A : f32 to vector<16xf32>
      %swap3A = arith.index_cast %scan3A_48 : i32 to index
      %swap3A_51 = arith.constant 0 : index
      %swap3A_52 = tpu.vector_load %arg5[%swap3A, %swap3A_51] {strides = array<i32>} : memref<80x16xf32, #tpu.memory_space<vmem>>, vector<1x16xf32>,
      %swap3A_53 = vector.shape_cast %swap3A_52 : vector<1x16xf32> to vector<16xf32>
      %swap3A_54 = vector.shape_cast %broadcast_in_dim3A_50 : vector<16xf32> to vector<1x16xf32>
      tpu.vector_store %arg5[%swap3A, %swap3A_51], %swap3A_54 {strides = array<i32>} : memref<80x16xf32, #tpu.memory_space<vmem>>, vector<1x16xf32>,
      %scan3A_55 = arith.constant 0 : i32
      scf.yield %scan3A_55 : i32
    }
    %scan3A_32 = arith.constant 80 : i32
    "tpu.region"() ({
      %run_scoped3A = tpu.sem_alloc : memref<!tpu.dma_semaphore, #tpu.memory_space<semaphore_mem>>
      %dma_start3A = arith.constant 0 : i32
      %dma_start3A_48 = arith.constant 0 : i32
      %dma_start3A_49 = tpu.memref_slice %arg2[%add3A, %dma_start3A, %dma_start3A_48] : memref<32x125x80xi32, #tpu.memory_space<hbm>> -> memref<1x125x80xi32, #tpu.memory_space<hbm>>
      %dma_start3A_50 = tpu.memref_squeeze %dma_start3A_49 : memref<1x125x80xi32, #tpu.memory_space<hbm>> -> memref<125x80xi32, #tpu.memory_space<hbm>>
      %dma_start3A_51 = arith.constant 0 : i32
      %dma_start3A_52 = arith.constant 0 : i32
      %dma_start3A_53 = tpu.memref_slice %arg2[%add3A, %dma_start3A_51, %dma_start3A_52] : memref<32x125x80xi32, #tpu.memory_space<hbm>> -> memref<1x125x80xi32, #tpu.memory_space<hbm>>
      %dma_start3A_54 = tpu.memref_squeeze %dma_start3A_53 : memref<1x125x80xi32, #tpu.memory_space<hbm>> -> memref<125x80xi32, #tpu.memory_space<hbm>>
      tpu.enqueue_dma source(%dma_start3A_54 : memref<125x80xi32, #tpu.memory_space<hbm>>) target(%arg4 : memref<125x80xi32, #tpu.memory_space<vmem>>) target_semaphore(%run_scoped3A : memref<!tpu.dma_semaphore, #tpu.memory_space<semaphore_mem>>)
      %dma_wait3A = arith.constant 0 : i32
      %dma_wait3A_55 = arith.constant 0 : i32
      %dma_wait3A_56 = tpu.memref_slice %arg2[%add3A, %dma_wait3A, %dma_wait3A_55] : memref<32x125x80xi32, #tpu.memory_space<hbm>> -> memref<1x125x80xi32, #tpu.memory_space<hbm>>
      %dma_wait3A_57 = tpu.memref_squeeze %dma_wait3A_56 : memref<1x125x80xi32, #tpu.memory_space<hbm>> -> memref<125x80xi32, #tpu.memory_space<hbm>>
      %dma_wait3A_58 = arith.constant 0 : i32
      %dma_wait3A_59 = arith.constant 0 : i32
      %dma_wait3A_60 = tpu.memref_slice %arg2[%add3A, %dma_wait3A_58, %dma_wait3A_59] : memref<32x125x80xi32, #tpu.memory_space<hbm>> -> memref<1x125x80xi32, #tpu.memory_space<hbm>>
      %dma_wait3A_61 = tpu.memref_squeeze %dma_wait3A_60 : memref<1x125x80xi32, #tpu.memory_space<hbm>> -> memref<125x80xi32, #tpu.memory_space<hbm>>
      tpu.wait_dma2 semaphore(%run_scoped3A : memref<!tpu.dma_semaphore, #tpu.memory_space<semaphore_mem>>) src(%dma_wait3A_61 : memref<125x80xi32, #tpu.memory_space<hbm>>) dst(%arg4 : memref<125x80xi32, #tpu.memory_space<vmem>>)
      tpu.yield
    }) : () -> ()
    %barrier3A = arith.constant 0 : index
    tpu.barrier barrier_id(%barrier3A)
    %scan3A_33 = arith.constant 0 : i32
    %scan3A_34 = arith.constant 0 : i32
    %scan3A_35 = arith.constant 125 : i32
    %scan3A_36 = arith.addi %scan3A_34, %scan3A_35 : i32
    %scan3A_37 = arith.constant 1 : i32
    %scan3A_38 = scf.for %scan3A_48 = %scan3A_34 to %scan3A_36 step %scan3A_37 iter_args(%scan3A_49 = %scan3A_33) -> (i32)  : i32 {
      %dma_start3A = arith.constant 0 : i32
      %dma_start3A_50 = tpu.memref_slice %arg4[%scan3A_48, %dma_start3A] : memref<125x80xi32, #tpu.memory_space<vmem>> -> memref<1x80xi32, #tpu.memory_space<vmem>>
      %dma_start3A_51 = tpu.memref_squeeze %dma_start3A_50 : memref<1x80xi32, #tpu.memory_space<vmem>> -> memref<80xi32, #tpu.memory_space<vmem>>
      %dma_start3A_52 = arith.constant 0 : i32
      %dma_start3A_53 = arith.constant 0 : i32
      %dma_start3A_54 = tpu.memref_slice %arg6[%dma_start3A_52, %dma_start3A_53] : memref<10112x16xf32, #tpu.memory_space<vmem_shared>> -> memref<10112x16xf32, #tpu.memory_space<vmem_shared>>
      tpu.enqueue_indirect_dma source(%arg5 : memref<80x16xf32, #tpu.memory_space<vmem>>) target(%dma_start3A_54 : memref<10112x16xf32, #tpu.memory_space<vmem_shared>>) offsets(%dma_start3A_51 : memref<80xi32, #tpu.memory_space<vmem>>) semaphore(%arg7 : memref<!tpu.dma_semaphore, #tpu.memory_space<semaphore_mem>>) {add = true}
      %scan3A_55 = arith.constant 0 : i32
      scf.yield %scan3A_55 : i32
    }
    %scan3A_39 = arith.constant 125 : i32
    %scan3A_40 = arith.constant 0 : i32
    %scan3A_41 = arith.constant 0 : i32
    %scan3A_42 = arith.constant 125 : i32
    %scan3A_43 = arith.addi %scan3A_41, %scan3A_42 : i32
    %scan3A_44 = arith.constant 1 : i32
    %scan3A_45 = scf.for %scan3A_48 = %scan3A_41 to %scan3A_43 step %scan3A_44 iter_args(%scan3A_49 = %scan3A_40) -> (i32)  : i32 {
      %dma_wait3A = arith.constant 0 : i32
      %dma_wait3A_50 = tpu.memref_slice %arg4[%scan3A_48, %dma_wait3A] : memref<125x80xi32, #tpu.memory_space<vmem>> -> memref<1x80xi32, #tpu.memory_space<vmem>>
      %dma_wait3A_51 = tpu.memref_squeeze %dma_wait3A_50 : memref<1x80xi32, #tpu.memory_space<vmem>> -> memref<80xi32, #tpu.memory_space<vmem>>
      %dma_wait3A_52 = arith.constant 0 : i32
      %dma_wait3A_53 = arith.constant 0 : i32
      %dma_wait3A_54 = tpu.memref_slice %arg6[%dma_wait3A_52, %dma_wait3A_53] : memref<10112x16xf32, #tpu.memory_space<vmem_shared>> -> memref<10112x16xf32, #tpu.memory_space<vmem_shared>>
      tpu.wait_indirect_dma semaphore(%arg7 : memref<!tpu.dma_semaphore, #tpu.memory_space<semaphore_mem>>) src(%arg5 : memref<80x16xf32, #tpu.memory_space<vmem>>) dst(%dma_wait3A_54 : memref<10112x16xf32, #tpu.memory_space<vmem_shared>>)
      %scan3A_55 = arith.constant 0 : i32
      scf.yield %scan3A_55 : i32
    }
    %scan3A_46 = arith.constant 125 : i32
    %barrier3A_47 = arith.constant 0 : index
    tpu.barrier barrier_id(%barrier3A_47)
    "tpu.region"() ({
      %run_scoped3A = tpu.sem_alloc : memref<!tpu.dma_semaphore, #tpu.memory_space<semaphore_mem>>
      %dma_start3A = arith.constant 0 : i32
      %dma_start3A_48 = tpu.memref_slice %arg3[%arg0, %mul3A_2, %dma_start3A] : memref<2x10112x16xf32, #tpu.memory_space<hbm>> -> memref<1x632x16xf32, #tpu.memory_space<hbm>>
      %dma_start3A_49 = tpu.memref_squeeze %dma_start3A_48 : memref<1x632x16xf32, #tpu.memory_space<hbm>> -> memref<632x16xf32, #tpu.memory_space<hbm>>
      %dma_start3A_50 = arith.constant 0 : i32
      %dma_start3A_51 = tpu.memref_slice %arg6[%mul3A_2, %dma_start3A_50] : memref<10112x16xf32, #tpu.memory_space<vmem_shared>> -> memref<632x16xf32, #tpu.memory_space<vmem_shared>>
      tpu.enqueue_dma source(%dma_start3A_51 : memref<632x16xf32, #tpu.memory_space<vmem_shared>>) target(%dma_start3A_49 : memref<632x16xf32, #tpu.memory_space<hbm>>) target_semaphore(%run_scoped3A : memref<!tpu.dma_semaphore, #tpu.memory_space<semaphore_mem>>)
      %dma_wait3A = arith.constant 0 : i32
      %dma_wait3A_52 = tpu.memref_slice %arg3[%arg0, %mul3A_2, %dma_wait3A] : memref<2x10112x16xf32, #tpu.memory_space<hbm>> -> memref<1x632x16xf32, #tpu.memory_space<hbm>>
      %dma_wait3A_53 = tpu.memref_squeeze %dma_wait3A_52 : memref<1x632x16xf32, #tpu.memory_space<hbm>> -> memref<632x16xf32, #tpu.memory_space<hbm>>
      %dma_wait3A_54 = arith.constant 0 : i32
      %dma_wait3A_55 = tpu.memref_slice %arg6[%mul3A_2, %dma_wait3A_54] : memref<10112x16xf32, #tpu.memory_space<vmem_shared>> -> memref<632x16xf32, #tpu.memory_space<vmem_shared>>
      tpu.wait_dma2 semaphore(%run_scoped3A : memref<!tpu.dma_semaphore, #tpu.memory_space<semaphore_mem>>) src(%dma_wait3A_55 : memref<632x16xf32, #tpu.memory_space<vmem_shared>>) dst(%dma_wait3A_53 : memref<632x16xf32, #tpu.memory_space<hbm>>)
      tpu.yield
    }) : () -> ()
    return
  }
}

#map = affine_map<(d0, d1) -> (0, 0, 0)>
#map1 = affine_map<(d0, d1) -> (0, 0)>
module attributes {stable_mosaic.version = 14 : i64} {
  func.func @agg_kernel(%arg0: i32, %arg1: i32, %arg2: memref<32x250x40xi32, #tpu.memory_space<hbm>>, %arg3: memref<32x250x40xi32, #tpu.memory_space<hbm>>, %arg4: memref<10000x128xf32, #tpu.memory_space<hbm>>, %arg5: memref<2x10112x128xf32, #tpu.memory_space<hbm>>, %arg6: memref<250x40xi32, #tpu.memory_space<vmem>>, %arg7: memref<250x40xi32, #tpu.memory_space<vmem>>, %arg8: memref<40x128xf32, #tpu.memory_space<vmem>>, %arg9: memref<40x128xf32, #tpu.memory_space<vmem>>, %arg10: memref<40x128xf32, #tpu.memory_space<vmem>>, %arg11: memref<40x128xf32, #tpu.memory_space<vmem>>, %arg12: memref<40x128xf32, #tpu.memory_space<vmem>>, %arg13: memref<10112x128xf32, #tpu.memory_space<vmem_shared>>, %arg14: memref<!tpu.dma_semaphore, #tpu.memory_space<semaphore_mem>>, %arg15: memref<!tpu.dma_semaphore, #tpu.memory_space<semaphore_mem>>, %arg16: memref<!tpu.dma_semaphore, #tpu.memory_space<semaphore_mem>>, %arg17: memref<!tpu.dma_semaphore, #tpu.memory_space<semaphore_mem>>, %arg18: memref<!tpu.dma_semaphore, #tpu.memory_space<semaphore_mem>>, %arg19: memref<!tpu.dma_semaphore, #tpu.memory_space<semaphore_mem>>, %arg20: memref<!tpu.dma_semaphore, #tpu.memory_space<semaphore_mem>>, %arg21: memref<!tpu.dma_semaphore, #tpu.memory_space<semaphore_mem>>, %arg22: memref<!tpu.dma_semaphore, #tpu.memory_space<semaphore_mem>>, %arg23: memref<!tpu.dma_semaphore, #tpu.memory_space<semaphore_mem>>) attributes {dimension_semantics = [#tpu.dimension_semantics<core_parallel>, #tpu.dimension_semantics<subcore_parallel>], iteration_bounds = array<i64: 2, 16>, scalar_prefetch = 0 : i64, scratch_operands = 18 : i64, tpu.core_type = #tpu.core_type<sc_vector_subcore>, window_params = [{transform_indices = #map}, {transform_indices = #map}, {transform_indices = #map1}, {transform_indices = #map}]} {
    %mul3A = arith.constant 16 : i32
    %mul3A_0 = arith.muli %arg0, %mul3A : i32
    %add3A = arith.addi %mul3A_0, %arg1 : i32
    %mul3A_1 = arith.constant 632 : i32
    %mul3A_2 = arith.muli %arg1, %mul3A_1 : i32
    %scan3A = arith.constant 0 : i32
    %scan3A_3 = arith.constant 0 : i32
    %scan3A_4 = arith.constant 40 : i32
    %scan3A_5 = arith.addi %scan3A_3, %scan3A_4 : i32
    %scan3A_6 = arith.constant 1 : i32
    %scan3A_7 = scf.for %scan3A_84 = %scan3A_3 to %scan3A_5 step %scan3A_6 iter_args(%scan3A_85 = %scan3A) -> (i32)  : i32 {
      %broadcast_in_dim3A = arith.constant 0.000000e+00 : f32
      %broadcast_in_dim3A_86 = vector.broadcast %broadcast_in_dim3A : f32 to vector<16xf32>
      %swap3A = arith.index_cast %scan3A_84 : i32 to index
      %swap3A_87 = arith.constant 0 : index
      %swap3A_88 = tpu.vector_load %arg8[%swap3A, %swap3A_87] {strides = array<i32>} : memref<40x128xf32, #tpu.memory_space<vmem>>, vector<1x16xf32>,
      %swap3A_89 = vector.shape_cast %swap3A_88 : vector<1x16xf32> to vector<16xf32>
      %swap3A_90 = vector.shape_cast %broadcast_in_dim3A_86 : vector<16xf32> to vector<1x16xf32>
      tpu.vector_store %arg8[%swap3A, %swap3A_87], %swap3A_90 {strides = array<i32>} : memref<40x128xf32, #tpu.memory_space<vmem>>, vector<1x16xf32>,
      %broadcast_in_dim3A_91 = arith.constant 0.000000e+00 : f32
      %broadcast_in_dim3A_92 = vector.broadcast %broadcast_in_dim3A_91 : f32 to vector<16xf32>
      %swap3A_93 = arith.index_cast %scan3A_84 : i32 to index
      %swap3A_94 = arith.constant 16 : index
      %swap3A_95 = tpu.vector_load %arg8[%swap3A_93, %swap3A_94] {strides = array<i32>} : memref<40x128xf32, #tpu.memory_space<vmem>>, vector<1x16xf32>,
      %swap3A_96 = vector.shape_cast %swap3A_95 : vector<1x16xf32> to vector<16xf32>
      %swap3A_97 = vector.shape_cast %broadcast_in_dim3A_92 : vector<16xf32> to vector<1x16xf32>
      tpu.vector_store %arg8[%swap3A_93, %swap3A_94], %swap3A_97 {strides = array<i32>} : memref<40x128xf32, #tpu.memory_space<vmem>>, vector<1x16xf32>,
      %broadcast_in_dim3A_98 = arith.constant 0.000000e+00 : f32
      %broadcast_in_dim3A_99 = vector.broadcast %broadcast_in_dim3A_98 : f32 to vector<16xf32>
      %swap3A_100 = arith.index_cast %scan3A_84 : i32 to index
      %swap3A_101 = arith.constant 32 : index
      %swap3A_102 = tpu.vector_load %arg8[%swap3A_100, %swap3A_101] {strides = array<i32>} : memref<40x128xf32, #tpu.memory_space<vmem>>, vector<1x16xf32>,
      %swap3A_103 = vector.shape_cast %swap3A_102 : vector<1x16xf32> to vector<16xf32>
      %swap3A_104 = vector.shape_cast %broadcast_in_dim3A_99 : vector<16xf32> to vector<1x16xf32>
      tpu.vector_store %arg8[%swap3A_100, %swap3A_101], %swap3A_104 {strides = array<i32>} : memref<40x128xf32, #tpu.memory_space<vmem>>, vector<1x16xf32>,
      %broadcast_in_dim3A_105 = arith.constant 0.000000e+00 : f32
      %broadcast_in_dim3A_106 = vector.broadcast %broadcast_in_dim3A_105 : f32 to vector<16xf32>
      %swap3A_107 = arith.index_cast %scan3A_84 : i32 to index
      %swap3A_108 = arith.constant 48 : index
      %swap3A_109 = tpu.vector_load %arg8[%swap3A_107, %swap3A_108] {strides = array<i32>} : memref<40x128xf32, #tpu.memory_space<vmem>>, vector<1x16xf32>,
      %swap3A_110 = vector.shape_cast %swap3A_109 : vector<1x16xf32> to vector<16xf32>
      %swap3A_111 = vector.shape_cast %broadcast_in_dim3A_106 : vector<16xf32> to vector<1x16xf32>
      tpu.vector_store %arg8[%swap3A_107, %swap3A_108], %swap3A_111 {strides = array<i32>} : memref<40x128xf32, #tpu.memory_space<vmem>>, vector<1x16xf32>,
      %broadcast_in_dim3A_112 = arith.constant 0.000000e+00 : f32
      %broadcast_in_dim3A_113 = vector.broadcast %broadcast_in_dim3A_112 : f32 to vector<16xf32>
      %swap3A_114 = arith.index_cast %scan3A_84 : i32 to index
      %swap3A_115 = arith.constant 64 : index
      %swap3A_116 = tpu.vector_load %arg8[%swap3A_114, %swap3A_115] {strides = array<i32>} : memref<40x128xf32, #tpu.memory_space<vmem>>, vector<1x16xf32>,
      %swap3A_117 = vector.shape_cast %swap3A_116 : vector<1x16xf32> to vector<16xf32>
      %swap3A_118 = vector.shape_cast %broadcast_in_dim3A_113 : vector<16xf32> to vector<1x16xf32>
      tpu.vector_store %arg8[%swap3A_114, %swap3A_115], %swap3A_118 {strides = array<i32>} : memref<40x128xf32, #tpu.memory_space<vmem>>, vector<1x16xf32>,
      %broadcast_in_dim3A_119 = arith.constant 0.000000e+00 : f32
      %broadcast_in_dim3A_120 = vector.broadcast %broadcast_in_dim3A_119 : f32 to vector<16xf32>
      %swap3A_121 = arith.index_cast %scan3A_84 : i32 to index
      %swap3A_122 = arith.constant 80 : index
      %swap3A_123 = tpu.vector_load %arg8[%swap3A_121, %swap3A_122] {strides = array<i32>} : memref<40x128xf32, #tpu.memory_space<vmem>>, vector<1x16xf32>,
      %swap3A_124 = vector.shape_cast %swap3A_123 : vector<1x16xf32> to vector<16xf32>
      %swap3A_125 = vector.shape_cast %broadcast_in_dim3A_120 : vector<16xf32> to vector<1x16xf32>
      tpu.vector_store %arg8[%swap3A_121, %swap3A_122], %swap3A_125 {strides = array<i32>} : memref<40x128xf32, #tpu.memory_space<vmem>>, vector<1x16xf32>,
      %broadcast_in_dim3A_126 = arith.constant 0.000000e+00 : f32
      %broadcast_in_dim3A_127 = vector.broadcast %broadcast_in_dim3A_126 : f32 to vector<16xf32>
      %swap3A_128 = arith.index_cast %scan3A_84 : i32 to index
      %swap3A_129 = arith.constant 96 : index
      %swap3A_130 = tpu.vector_load %arg8[%swap3A_128, %swap3A_129] {strides = array<i32>} : memref<40x128xf32, #tpu.memory_space<vmem>>, vector<1x16xf32>,
      %swap3A_131 = vector.shape_cast %swap3A_130 : vector<1x16xf32> to vector<16xf32>
      %swap3A_132 = vector.shape_cast %broadcast_in_dim3A_127 : vector<16xf32> to vector<1x16xf32>
      tpu.vector_store %arg8[%swap3A_128, %swap3A_129], %swap3A_132 {strides = array<i32>} : memref<40x128xf32, #tpu.memory_space<vmem>>, vector<1x16xf32>,
      %broadcast_in_dim3A_133 = arith.constant 0.000000e+00 : f32
      %broadcast_in_dim3A_134 = vector.broadcast %broadcast_in_dim3A_133 : f32 to vector<16xf32>
      %swap3A_135 = arith.index_cast %scan3A_84 : i32 to index
      %swap3A_136 = arith.constant 112 : index
      %swap3A_137 = tpu.vector_load %arg8[%swap3A_135, %swap3A_136] {strides = array<i32>} : memref<40x128xf32, #tpu.memory_space<vmem>>, vector<1x16xf32>,
      %swap3A_138 = vector.shape_cast %swap3A_137 : vector<1x16xf32> to vector<16xf32>
      %swap3A_139 = vector.shape_cast %broadcast_in_dim3A_134 : vector<16xf32> to vector<1x16xf32>
      tpu.vector_store %arg8[%swap3A_135, %swap3A_136], %swap3A_139 {strides = array<i32>} : memref<40x128xf32, #tpu.memory_space<vmem>>, vector<1x16xf32>,
      %scan3A_140 = arith.constant 0 : i32
      scf.yield %scan3A_140 : i32
    }
    %scan3A_8 = arith.constant 40 : i32
    %add3A_9 = arith.constant 0 : i32
    %add3A_10 = arith.addi %mul3A_2, %add3A_9 : i32
    "tpu.region"() ({
      %run_scoped3A = tpu.sem_alloc : memref<!tpu.dma_semaphore, #tpu.memory_space<semaphore_mem>>
      %dma_start3A = arith.constant 0 : i32
      %dma_start3A_84 = tpu.memref_slice %arg13[%add3A_10, %dma_start3A] : memref<10112x128xf32, #tpu.memory_space<vmem_shared>> -> memref<40x128xf32, #tpu.memory_space<vmem_shared>>
      %dma_start3A_85 = arith.constant 0 : i32
      %dma_start3A_86 = tpu.memref_slice %arg13[%add3A_10, %dma_start3A_85] : memref<10112x128xf32, #tpu.memory_space<vmem_shared>> -> memref<40x128xf32, #tpu.memory_space<vmem_shared>>
      tpu.enqueue_dma source(%arg8 : memref<40x128xf32, #tpu.memory_space<vmem>>) target(%dma_start3A_86 : memref<40x128xf32, #tpu.memory_space<vmem_shared>>) target_semaphore(%run_scoped3A : memref<!tpu.dma_semaphore, #tpu.memory_space<semaphore_mem>>)
      %dma_wait3A_87 = arith.constant 0 : i32
      %dma_wait3A_88 = tpu.memref_slice %arg13[%add3A_10, %dma_wait3A_87] : memref<10112x128xf32, #tpu.memory_space<vmem_shared>> -> memref<40x128xf32, #tpu.memory_space<vmem_shared>>
      %dma_wait3A_89 = arith.constant 0 : i32
      %dma_wait3A_90 = tpu.memref_slice %arg13[%add3A_10, %dma_wait3A_89] : memref<10112x128xf32, #tpu.memory_space<vmem_shared>> -> memref<40x128xf32, #tpu.memory_space<vmem_shared>>
      tpu.wait_dma2 semaphore(%run_scoped3A : memref<!tpu.dma_semaphore, #tpu.memory_space<semaphore_mem>>) src(%arg8 : memref<40x128xf32, #tpu.memory_space<vmem>>) dst(%dma_wait3A_90 : memref<40x128xf32, #tpu.memory_space<vmem_shared>>)
      tpu.yield
    }) : () -> ()
    %add3A_11 = arith.constant 40 : i32
    %add3A_12 = arith.addi %mul3A_2, %add3A_11 : i32
    "tpu.region"() ({
      %run_scoped3A = tpu.sem_alloc : memref<!tpu.dma_semaphore, #tpu.memory_space<semaphore_mem>>
      %dma_start3A = arith.constant 0 : i32
      %dma_start3A_84 = tpu.memref_slice %arg13[%add3A_12, %dma_start3A] : memref<10112x128xf32, #tpu.memory_space<vmem_shared>> -> memref<40x128xf32, #tpu.memory_space<vmem_shared>>
      %dma_start3A_85 = arith.constant 0 : i32
      %dma_start3A_86 = tpu.memref_slice %arg13[%add3A_12, %dma_start3A_85] : memref<10112x128xf32, #tpu.memory_space<vmem_shared>> -> memref<40x128xf32, #tpu.memory_space<vmem_shared>>
      tpu.enqueue_dma source(%arg8 : memref<40x128xf32, #tpu.memory_space<vmem>>) target(%dma_start3A_86 : memref<40x128xf32, #tpu.memory_space<vmem_shared>>) target_semaphore(%run_scoped3A : memref<!tpu.dma_semaphore, #tpu.memory_space<semaphore_mem>>)
      %dma_wait3A_87 = arith.constant 0 : i32
      %dma_wait3A_88 = tpu.memref_slice %arg13[%add3A_12, %dma_wait3A_87] : memref<10112x128xf32, #tpu.memory_space<vmem_shared>> -> memref<40x128xf32, #tpu.memory_space<vmem_shared>>
      %dma_wait3A_89 = arith.constant 0 : i32
      %dma_wait3A_90 = tpu.memref_slice %arg13[%add3A_12, %dma_wait3A_89] : memref<10112x128xf32, #tpu.memory_space<vmem_shared>> -> memref<40x128xf32, #tpu.memory_space<vmem_shared>>
      tpu.wait_dma2 semaphore(%run_scoped3A : memref<!tpu.dma_semaphore, #tpu.memory_space<semaphore_mem>>) src(%arg8 : memref<40x128xf32, #tpu.memory_space<vmem>>) dst(%dma_wait3A_90 : memref<40x128xf32, #tpu.memory_space<vmem_shared>>)
      tpu.yield
    }) : () -> ()
    %add3A_13 = arith.constant 80 : i32
    %add3A_14 = arith.addi %mul3A_2, %add3A_13 : i32
    "tpu.region"() ({
      %run_scoped3A = tpu.sem_alloc : memref<!tpu.dma_semaphore, #tpu.memory_space<semaphore_mem>>
      %dma_start3A = arith.constant 0 : i32
      %dma_start3A_84 = tpu.memref_slice %arg13[%add3A_14, %dma_start3A] : memref<10112x128xf32, #tpu.memory_space<vmem_shared>> -> memref<40x128xf32, #tpu.memory_space<vmem_shared>>
      %dma_start3A_85 = arith.constant 0 : i32
      %dma_start3A_86 = tpu.memref_slice %arg13[%add3A_14, %dma_start3A_85] : memref<10112x128xf32, #tpu.memory_space<vmem_shared>> -> memref<40x128xf32, #tpu.memory_space<vmem_shared>>
      tpu.enqueue_dma source(%arg8 : memref<40x128xf32, #tpu.memory_space<vmem>>) target(%dma_start3A_86 : memref<40x128xf32, #tpu.memory_space<vmem_shared>>) target_semaphore(%run_scoped3A : memref<!tpu.dma_semaphore, #tpu.memory_space<semaphore_mem>>)
      %dma_wait3A_87 = arith.constant 0 : i32
      %dma_wait3A_88 = tpu.memref_slice %arg13[%add3A_14, %dma_wait3A_87] : memref<10112x128xf32, #tpu.memory_space<vmem_shared>> -> memref<40x128xf32, #tpu.memory_space<vmem_shared>>
      %dma_wait3A_89 = arith.constant 0 : i32
      %dma_wait3A_90 = tpu.memref_slice %arg13[%add3A_14, %dma_wait3A_89] : memref<10112x128xf32, #tpu.memory_space<vmem_shared>> -> memref<40x128xf32, #tpu.memory_space<vmem_shared>>
      tpu.wait_dma2 semaphore(%run_scoped3A : memref<!tpu.dma_semaphore, #tpu.memory_space<semaphore_mem>>) src(%arg8 : memref<40x128xf32, #tpu.memory_space<vmem>>) dst(%dma_wait3A_90 : memref<40x128xf32, #tpu.memory_space<vmem_shared>>)
      tpu.yield
    }) : () -> ()
    %add3A_15 = arith.constant 120 : i32
    %add3A_16 = arith.addi %mul3A_2, %add3A_15 : i32
    "tpu.region"() ({
      %run_scoped3A = tpu.sem_alloc : memref<!tpu.dma_semaphore, #tpu.memory_space<semaphore_mem>>
      %dma_start3A = arith.constant 0 : i32
      %dma_start3A_84 = tpu.memref_slice %arg13[%add3A_16, %dma_start3A] : memref<10112x128xf32, #tpu.memory_space<vmem_shared>> -> memref<40x128xf32, #tpu.memory_space<vmem_shared>>
      %dma_start3A_85 = arith.constant 0 : i32
      %dma_start3A_86 = tpu.memref_slice %arg13[%add3A_16, %dma_start3A_85] : memref<10112x128xf32, #tpu.memory_space<vmem_shared>> -> memref<40x128xf32, #tpu.memory_space<vmem_shared>>
      tpu.enqueue_dma source(%arg8 : memref<40x128xf32, #tpu.memory_space<vmem>>) target(%dma_start3A_86 : memref<40x128xf32, #tpu.memory_space<vmem_shared>>) target_semaphore(%run_scoped3A : memref<!tpu.dma_semaphore, #tpu.memory_space<semaphore_mem>>)
      %dma_wait3A_87 = arith.constant 0 : i32
      %dma_wait3A_88 = tpu.memref_slice %arg13[%add3A_16, %dma_wait3A_87] : memref<10112x128xf32, #tpu.memory_space<vmem_shared>> -> memref<40x128xf32, #tpu.memory_space<vmem_shared>>
      %dma_wait3A_89 = arith.constant 0 : i32
      %dma_wait3A_90 = tpu.memref_slice %arg13[%add3A_16, %dma_wait3A_89] : memref<10112x128xf32, #tpu.memory_space<vmem_shared>> -> memref<40x128xf32, #tpu.memory_space<vmem_shared>>
      tpu.wait_dma2 semaphore(%run_scoped3A : memref<!tpu.dma_semaphore, #tpu.memory_space<semaphore_mem>>) src(%arg8 : memref<40x128xf32, #tpu.memory_space<vmem>>) dst(%dma_wait3A_90 : memref<40x128xf32, #tpu.memory_space<vmem_shared>>)
      tpu.yield
    }) : () -> ()
    %add3A_17 = arith.constant 160 : i32
    %add3A_18 = arith.addi %mul3A_2, %add3A_17 : i32
    "tpu.region"() ({
      %run_scoped3A = tpu.sem_alloc : memref<!tpu.dma_semaphore, #tpu.memory_space<semaphore_mem>>
      %dma_start3A = arith.constant 0 : i32
      %dma_start3A_84 = tpu.memref_slice %arg13[%add3A_18, %dma_start3A] : memref<10112x128xf32, #tpu.memory_space<vmem_shared>> -> memref<40x128xf32, #tpu.memory_space<vmem_shared>>
      %dma_start3A_85 = arith.constant 0 : i32
      %dma_start3A_86 = tpu.memref_slice %arg13[%add3A_18, %dma_start3A_85] : memref<10112x128xf32, #tpu.memory_space<vmem_shared>> -> memref<40x128xf32, #tpu.memory_space<vmem_shared>>
      tpu.enqueue_dma source(%arg8 : memref<40x128xf32, #tpu.memory_space<vmem>>) target(%dma_start3A_86 : memref<40x128xf32, #tpu.memory_space<vmem_shared>>) target_semaphore(%run_scoped3A : memref<!tpu.dma_semaphore, #tpu.memory_space<semaphore_mem>>)
      %dma_wait3A_87 = arith.constant 0 : i32
      %dma_wait3A_88 = tpu.memref_slice %arg13[%add3A_18, %dma_wait3A_87] : memref<10112x128xf32, #tpu.memory_space<vmem_shared>> -> memref<40x128xf32, #tpu.memory_space<vmem_shared>>
      %dma_wait3A_89 = arith.constant 0 : i32
      %dma_wait3A_90 = tpu.memref_slice %arg13[%add3A_18, %dma_wait3A_89] : memref<10112x128xf32, #tpu.memory_space<vmem_shared>> -> memref<40x128xf32, #tpu.memory_space<vmem_shared>>
      tpu.wait_dma2 semaphore(%run_scoped3A : memref<!tpu.dma_semaphore, #tpu.memory_space<semaphore_mem>>) src(%arg8 : memref<40x128xf32, #tpu.memory_space<vmem>>) dst(%dma_wait3A_90 : memref<40x128xf32, #tpu.memory_space<vmem_shared>>)
      tpu.yield
    }) : () -> ()
    %add3A_19 = arith.constant 200 : i32
    %add3A_20 = arith.addi %mul3A_2, %add3A_19 : i32
    "tpu.region"() ({
      %run_scoped3A = tpu.sem_alloc : memref<!tpu.dma_semaphore, #tpu.memory_space<semaphore_mem>>
      %dma_start3A = arith.constant 0 : i32
      %dma_start3A_84 = tpu.memref_slice %arg13[%add3A_20, %dma_start3A] : memref<10112x128xf32, #tpu.memory_space<vmem_shared>> -> memref<40x128xf32, #tpu.memory_space<vmem_shared>>
      %dma_start3A_85 = arith.constant 0 : i32
      %dma_start3A_86 = tpu.memref_slice %arg13[%add3A_20, %dma_start3A_85] : memref<10112x128xf32, #tpu.memory_space<vmem_shared>> -> memref<40x128xf32, #tpu.memory_space<vmem_shared>>
      tpu.enqueue_dma source(%arg8 : memref<40x128xf32, #tpu.memory_space<vmem>>) target(%dma_start3A_86 : memref<40x128xf32, #tpu.memory_space<vmem_shared>>) target_semaphore(%run_scoped3A : memref<!tpu.dma_semaphore, #tpu.memory_space<semaphore_mem>>)
      %dma_wait3A_87 = arith.constant 0 : i32
      %dma_wait3A_88 = tpu.memref_slice %arg13[%add3A_20, %dma_wait3A_87] : memref<10112x128xf32, #tpu.memory_space<vmem_shared>> -> memref<40x128xf32, #tpu.memory_space<vmem_shared>>
      %dma_wait3A_89 = arith.constant 0 : i32
      %dma_wait3A_90 = tpu.memref_slice %arg13[%add3A_20, %dma_wait3A_89] : memref<10112x128xf32, #tpu.memory_space<vmem_shared>> -> memref<40x128xf32, #tpu.memory_space<vmem_shared>>
      tpu.wait_dma2 semaphore(%run_scoped3A : memref<!tpu.dma_semaphore, #tpu.memory_space<semaphore_mem>>) src(%arg8 : memref<40x128xf32, #tpu.memory_space<vmem>>) dst(%dma_wait3A_90 : memref<40x128xf32, #tpu.memory_space<vmem_shared>>)
      tpu.yield
    }) : () -> ()
    %add3A_21 = arith.constant 240 : i32
    %add3A_22 = arith.addi %mul3A_2, %add3A_21 : i32
    "tpu.region"() ({
      %run_scoped3A = tpu.sem_alloc : memref<!tpu.dma_semaphore, #tpu.memory_space<semaphore_mem>>
      %dma_start3A = arith.constant 0 : i32
      %dma_start3A_84 = tpu.memref_slice %arg13[%add3A_22, %dma_start3A] : memref<10112x128xf32, #tpu.memory_space<vmem_shared>> -> memref<40x128xf32, #tpu.memory_space<vmem_shared>>
      %dma_start3A_85 = arith.constant 0 : i32
      %dma_start3A_86 = tpu.memref_slice %arg13[%add3A_22, %dma_start3A_85] : memref<10112x128xf32, #tpu.memory_space<vmem_shared>> -> memref<40x128xf32, #tpu.memory_space<vmem_shared>>
      tpu.enqueue_dma source(%arg8 : memref<40x128xf32, #tpu.memory_space<vmem>>) target(%dma_start3A_86 : memref<40x128xf32, #tpu.memory_space<vmem_shared>>) target_semaphore(%run_scoped3A : memref<!tpu.dma_semaphore, #tpu.memory_space<semaphore_mem>>)
      %dma_wait3A_87 = arith.constant 0 : i32
      %dma_wait3A_88 = tpu.memref_slice %arg13[%add3A_22, %dma_wait3A_87] : memref<10112x128xf32, #tpu.memory_space<vmem_shared>> -> memref<40x128xf32, #tpu.memory_space<vmem_shared>>
      %dma_wait3A_89 = arith.constant 0 : i32
      %dma_wait3A_90 = tpu.memref_slice %arg13[%add3A_22, %dma_wait3A_89] : memref<10112x128xf32, #tpu.memory_space<vmem_shared>> -> memref<40x128xf32, #tpu.memory_space<vmem_shared>>
      tpu.wait_dma2 semaphore(%run_scoped3A : memref<!tpu.dma_semaphore, #tpu.memory_space<semaphore_mem>>) src(%arg8 : memref<40x128xf32, #tpu.memory_space<vmem>>) dst(%dma_wait3A_90 : memref<40x128xf32, #tpu.memory_space<vmem_shared>>)
      tpu.yield
    }) : () -> ()
    %add3A_23 = arith.constant 280 : i32
    %add3A_24 = arith.addi %mul3A_2, %add3A_23 : i32
    "tpu.region"() ({
      %run_scoped3A = tpu.sem_alloc : memref<!tpu.dma_semaphore, #tpu.memory_space<semaphore_mem>>
      %dma_start3A = arith.constant 0 : i32
      %dma_start3A_84 = tpu.memref_slice %arg13[%add3A_24, %dma_start3A] : memref<10112x128xf32, #tpu.memory_space<vmem_shared>> -> memref<40x128xf32, #tpu.memory_space<vmem_shared>>
      %dma_start3A_85 = arith.constant 0 : i32
      %dma_start3A_86 = tpu.memref_slice %arg13[%add3A_24, %dma_start3A_85] : memref<10112x128xf32, #tpu.memory_space<vmem_shared>> -> memref<40x128xf32, #tpu.memory_space<vmem_shared>>
      tpu.enqueue_dma source(%arg8 : memref<40x128xf32, #tpu.memory_space<vmem>>) target(%dma_start3A_86 : memref<40x128xf32, #tpu.memory_space<vmem_shared>>) target_semaphore(%run_scoped3A : memref<!tpu.dma_semaphore, #tpu.memory_space<semaphore_mem>>)
      %dma_wait3A_87 = arith.constant 0 : i32
      %dma_wait3A_88 = tpu.memref_slice %arg13[%add3A_24, %dma_wait3A_87] : memref<10112x128xf32, #tpu.memory_space<vmem_shared>> -> memref<40x128xf32, #tpu.memory_space<vmem_shared>>
      %dma_wait3A_89 = arith.constant 0 : i32
      %dma_wait3A_90 = tpu.memref_slice %arg13[%add3A_24, %dma_wait3A_89] : memref<10112x128xf32, #tpu.memory_space<vmem_shared>> -> memref<40x128xf32, #tpu.memory_space<vmem_shared>>
      tpu.wait_dma2 semaphore(%run_scoped3A : memref<!tpu.dma_semaphore, #tpu.memory_space<semaphore_mem>>) src(%arg8 : memref<40x128xf32, #tpu.memory_space<vmem>>) dst(%dma_wait3A_90 : memref<40x128xf32, #tpu.memory_space<vmem_shared>>)
      tpu.yield
    }) : () -> ()
    %add3A_25 = arith.constant 320 : i32
    %add3A_26 = arith.addi %mul3A_2, %add3A_25 : i32
    "tpu.region"() ({
      %run_scoped3A = tpu.sem_alloc : memref<!tpu.dma_semaphore, #tpu.memory_space<semaphore_mem>>
      %dma_start3A = arith.constant 0 : i32
      %dma_start3A_84 = tpu.memref_slice %arg13[%add3A_26, %dma_start3A] : memref<10112x128xf32, #tpu.memory_space<vmem_shared>> -> memref<40x128xf32, #tpu.memory_space<vmem_shared>>
      %dma_start3A_85 = arith.constant 0 : i32
      %dma_start3A_86 = tpu.memref_slice %arg13[%add3A_26, %dma_start3A_85] : memref<10112x128xf32, #tpu.memory_space<vmem_shared>> -> memref<40x128xf32, #tpu.memory_space<vmem_shared>>
      tpu.enqueue_dma source(%arg8 : memref<40x128xf32, #tpu.memory_space<vmem>>) target(%dma_start3A_86 : memref<40x128xf32, #tpu.memory_space<vmem_shared>>) target_semaphore(%run_scoped3A : memref<!tpu.dma_semaphore, #tpu.memory_space<semaphore_mem>>)
      %dma_wait3A_87 = arith.constant 0 : i32
      %dma_wait3A_88 = tpu.memref_slice %arg13[%add3A_26, %dma_wait3A_87] : memref<10112x128xf32, #tpu.memory_space<vmem_shared>> -> memref<40x128xf32, #tpu.memory_space<vmem_shared>>
      %dma_wait3A_89 = arith.constant 0 : i32
      %dma_wait3A_90 = tpu.memref_slice %arg13[%add3A_26, %dma_wait3A_89] : memref<10112x128xf32, #tpu.memory_space<vmem_shared>> -> memref<40x128xf32, #tpu.memory_space<vmem_shared>>
      tpu.wait_dma2 semaphore(%run_scoped3A : memref<!tpu.dma_semaphore, #tpu.memory_space<semaphore_mem>>) src(%arg8 : memref<40x128xf32, #tpu.memory_space<vmem>>) dst(%dma_wait3A_90 : memref<40x128xf32, #tpu.memory_space<vmem_shared>>)
      tpu.yield
    }) : () -> ()
    %add3A_27 = arith.constant 360 : i32
    %add3A_28 = arith.addi %mul3A_2, %add3A_27 : i32
    "tpu.region"() ({
      %run_scoped3A = tpu.sem_alloc : memref<!tpu.dma_semaphore, #tpu.memory_space<semaphore_mem>>
      %dma_start3A = arith.constant 0 : i32
      %dma_start3A_84 = tpu.memref_slice %arg13[%add3A_28, %dma_start3A] : memref<10112x128xf32, #tpu.memory_space<vmem_shared>> -> memref<40x128xf32, #tpu.memory_space<vmem_shared>>
      %dma_start3A_85 = arith.constant 0 : i32
      %dma_start3A_86 = tpu.memref_slice %arg13[%add3A_28, %dma_start3A_85] : memref<10112x128xf32, #tpu.memory_space<vmem_shared>> -> memref<40x128xf32, #tpu.memory_space<vmem_shared>>
      tpu.enqueue_dma source(%arg8 : memref<40x128xf32, #tpu.memory_space<vmem>>) target(%dma_start3A_86 : memref<40x128xf32, #tpu.memory_space<vmem_shared>>) target_semaphore(%run_scoped3A : memref<!tpu.dma_semaphore, #tpu.memory_space<semaphore_mem>>)
      %dma_wait3A_87 = arith.constant 0 : i32
      %dma_wait3A_88 = tpu.memref_slice %arg13[%add3A_28, %dma_wait3A_87] : memref<10112x128xf32, #tpu.memory_space<vmem_shared>> -> memref<40x128xf32, #tpu.memory_space<vmem_shared>>
      %dma_wait3A_89 = arith.constant 0 : i32
      %dma_wait3A_90 = tpu.memref_slice %arg13[%add3A_28, %dma_wait3A_89] : memref<10112x128xf32, #tpu.memory_space<vmem_shared>> -> memref<40x128xf32, #tpu.memory_space<vmem_shared>>
      tpu.wait_dma2 semaphore(%run_scoped3A : memref<!tpu.dma_semaphore, #tpu.memory_space<semaphore_mem>>) src(%arg8 : memref<40x128xf32, #tpu.memory_space<vmem>>) dst(%dma_wait3A_90 : memref<40x128xf32, #tpu.memory_space<vmem_shared>>)
      tpu.yield
    }) : () -> ()
    %add3A_29 = arith.constant 400 : i32
    %add3A_30 = arith.addi %mul3A_2, %add3A_29 : i32
    "tpu.region"() ({
      %run_scoped3A = tpu.sem_alloc : memref<!tpu.dma_semaphore, #tpu.memory_space<semaphore_mem>>
      %dma_start3A = arith.constant 0 : i32
      %dma_start3A_84 = tpu.memref_slice %arg13[%add3A_30, %dma_start3A] : memref<10112x128xf32, #tpu.memory_space<vmem_shared>> -> memref<40x128xf32, #tpu.memory_space<vmem_shared>>
      %dma_start3A_85 = arith.constant 0 : i32
      %dma_start3A_86 = tpu.memref_slice %arg13[%add3A_30, %dma_start3A_85] : memref<10112x128xf32, #tpu.memory_space<vmem_shared>> -> memref<40x128xf32, #tpu.memory_space<vmem_shared>>
      tpu.enqueue_dma source(%arg8 : memref<40x128xf32, #tpu.memory_space<vmem>>) target(%dma_start3A_86 : memref<40x128xf32, #tpu.memory_space<vmem_shared>>) target_semaphore(%run_scoped3A : memref<!tpu.dma_semaphore, #tpu.memory_space<semaphore_mem>>)
      %dma_wait3A_87 = arith.constant 0 : i32
      %dma_wait3A_88 = tpu.memref_slice %arg13[%add3A_30, %dma_wait3A_87] : memref<10112x128xf32, #tpu.memory_space<vmem_shared>> -> memref<40x128xf32, #tpu.memory_space<vmem_shared>>
      %dma_wait3A_89 = arith.constant 0 : i32
      %dma_wait3A_90 = tpu.memref_slice %arg13[%add3A_30, %dma_wait3A_89] : memref<10112x128xf32, #tpu.memory_space<vmem_shared>> -> memref<40x128xf32, #tpu.memory_space<vmem_shared>>
      tpu.wait_dma2 semaphore(%run_scoped3A : memref<!tpu.dma_semaphore, #tpu.memory_space<semaphore_mem>>) src(%arg8 : memref<40x128xf32, #tpu.memory_space<vmem>>) dst(%dma_wait3A_90 : memref<40x128xf32, #tpu.memory_space<vmem_shared>>)
      tpu.yield
    }) : () -> ()
    %add3A_31 = arith.constant 440 : i32
    %add3A_32 = arith.addi %mul3A_2, %add3A_31 : i32
    "tpu.region"() ({
      %run_scoped3A = tpu.sem_alloc : memref<!tpu.dma_semaphore, #tpu.memory_space<semaphore_mem>>
      %dma_start3A = arith.constant 0 : i32
      %dma_start3A_84 = tpu.memref_slice %arg13[%add3A_32, %dma_start3A] : memref<10112x128xf32, #tpu.memory_space<vmem_shared>> -> memref<40x128xf32, #tpu.memory_space<vmem_shared>>
      %dma_start3A_85 = arith.constant 0 : i32
      %dma_start3A_86 = tpu.memref_slice %arg13[%add3A_32, %dma_start3A_85] : memref<10112x128xf32, #tpu.memory_space<vmem_shared>> -> memref<40x128xf32, #tpu.memory_space<vmem_shared>>
      tpu.enqueue_dma source(%arg8 : memref<40x128xf32, #tpu.memory_space<vmem>>) target(%dma_start3A_86 : memref<40x128xf32, #tpu.memory_space<vmem_shared>>) target_semaphore(%run_scoped3A : memref<!tpu.dma_semaphore, #tpu.memory_space<semaphore_mem>>)
      %dma_wait3A_87 = arith.constant 0 : i32
      %dma_wait3A_88 = tpu.memref_slice %arg13[%add3A_32, %dma_wait3A_87] : memref<10112x128xf32, #tpu.memory_space<vmem_shared>> -> memref<40x128xf32, #tpu.memory_space<vmem_shared>>
      %dma_wait3A_89 = arith.constant 0 : i32
      %dma_wait3A_90 = tpu.memref_slice %arg13[%add3A_32, %dma_wait3A_89] : memref<10112x128xf32, #tpu.memory_space<vmem_shared>> -> memref<40x128xf32, #tpu.memory_space<vmem_shared>>
      tpu.wait_dma2 semaphore(%run_scoped3A : memref<!tpu.dma_semaphore, #tpu.memory_space<semaphore_mem>>) src(%arg8 : memref<40x128xf32, #tpu.memory_space<vmem>>) dst(%dma_wait3A_90 : memref<40x128xf32, #tpu.memory_space<vmem_shared>>)
      tpu.yield
    }) : () -> ()
    %add3A_33 = arith.constant 480 : i32
    %add3A_34 = arith.addi %mul3A_2, %add3A_33 : i32
    "tpu.region"() ({
      %run_scoped3A = tpu.sem_alloc : memref<!tpu.dma_semaphore, #tpu.memory_space<semaphore_mem>>
      %dma_start3A = arith.constant 0 : i32
      %dma_start3A_84 = tpu.memref_slice %arg13[%add3A_34, %dma_start3A] : memref<10112x128xf32, #tpu.memory_space<vmem_shared>> -> memref<40x128xf32, #tpu.memory_space<vmem_shared>>
      %dma_start3A_85 = arith.constant 0 : i32
      %dma_start3A_86 = tpu.memref_slice %arg13[%add3A_34, %dma_start3A_85] : memref<10112x128xf32, #tpu.memory_space<vmem_shared>> -> memref<40x128xf32, #tpu.memory_space<vmem_shared>>
      tpu.enqueue_dma source(%arg8 : memref<40x128xf32, #tpu.memory_space<vmem>>) target(%dma_start3A_86 : memref<40x128xf32, #tpu.memory_space<vmem_shared>>) target_semaphore(%run_scoped3A : memref<!tpu.dma_semaphore, #tpu.memory_space<semaphore_mem>>)
      %dma_wait3A_87 = arith.constant 0 : i32
      %dma_wait3A_88 = tpu.memref_slice %arg13[%add3A_34, %dma_wait3A_87] : memref<10112x128xf32, #tpu.memory_space<vmem_shared>> -> memref<40x128xf32, #tpu.memory_space<vmem_shared>>
      %dma_wait3A_89 = arith.constant 0 : i32
      %dma_wait3A_90 = tpu.memref_slice %arg13[%add3A_34, %dma_wait3A_89] : memref<10112x128xf32, #tpu.memory_space<vmem_shared>> -> memref<40x128xf32, #tpu.memory_space<vmem_shared>>
      tpu.wait_dma2 semaphore(%run_scoped3A : memref<!tpu.dma_semaphore, #tpu.memory_space<semaphore_mem>>) src(%arg8 : memref<40x128xf32, #tpu.memory_space<vmem>>) dst(%dma_wait3A_90 : memref<40x128xf32, #tpu.memory_space<vmem_shared>>)
      tpu.yield
    }) : () -> ()
    %add3A_35 = arith.constant 520 : i32
    %add3A_36 = arith.addi %mul3A_2, %add3A_35 : i32
    "tpu.region"() ({
      %run_scoped3A = tpu.sem_alloc : memref<!tpu.dma_semaphore, #tpu.memory_space<semaphore_mem>>
      %dma_start3A = arith.constant 0 : i32
      %dma_start3A_84 = tpu.memref_slice %arg13[%add3A_36, %dma_start3A] : memref<10112x128xf32, #tpu.memory_space<vmem_shared>> -> memref<40x128xf32, #tpu.memory_space<vmem_shared>>
      %dma_start3A_85 = arith.constant 0 : i32
      %dma_start3A_86 = tpu.memref_slice %arg13[%add3A_36, %dma_start3A_85] : memref<10112x128xf32, #tpu.memory_space<vmem_shared>> -> memref<40x128xf32, #tpu.memory_space<vmem_shared>>
      tpu.enqueue_dma source(%arg8 : memref<40x128xf32, #tpu.memory_space<vmem>>) target(%dma_start3A_86 : memref<40x128xf32, #tpu.memory_space<vmem_shared>>) target_semaphore(%run_scoped3A : memref<!tpu.dma_semaphore, #tpu.memory_space<semaphore_mem>>)
      %dma_wait3A_87 = arith.constant 0 : i32
      %dma_wait3A_88 = tpu.memref_slice %arg13[%add3A_36, %dma_wait3A_87] : memref<10112x128xf32, #tpu.memory_space<vmem_shared>> -> memref<40x128xf32, #tpu.memory_space<vmem_shared>>
      %dma_wait3A_89 = arith.constant 0 : i32
      %dma_wait3A_90 = tpu.memref_slice %arg13[%add3A_36, %dma_wait3A_89] : memref<10112x128xf32, #tpu.memory_space<vmem_shared>> -> memref<40x128xf32, #tpu.memory_space<vmem_shared>>
      tpu.wait_dma2 semaphore(%run_scoped3A : memref<!tpu.dma_semaphore, #tpu.memory_space<semaphore_mem>>) src(%arg8 : memref<40x128xf32, #tpu.memory_space<vmem>>) dst(%dma_wait3A_90 : memref<40x128xf32, #tpu.memory_space<vmem_shared>>)
      tpu.yield
    }) : () -> ()
    %add3A_37 = arith.constant 560 : i32
    %add3A_38 = arith.addi %mul3A_2, %add3A_37 : i32
    "tpu.region"() ({
      %run_scoped3A = tpu.sem_alloc : memref<!tpu.dma_semaphore, #tpu.memory_space<semaphore_mem>>
      %dma_start3A = arith.constant 0 : i32
      %dma_start3A_84 = tpu.memref_slice %arg13[%add3A_38, %dma_start3A] : memref<10112x128xf32, #tpu.memory_space<vmem_shared>> -> memref<40x128xf32, #tpu.memory_space<vmem_shared>>
      %dma_start3A_85 = arith.constant 0 : i32
      %dma_start3A_86 = tpu.memref_slice %arg13[%add3A_38, %dma_start3A_85] : memref<10112x128xf32, #tpu.memory_space<vmem_shared>> -> memref<40x128xf32, #tpu.memory_space<vmem_shared>>
      tpu.enqueue_dma source(%arg8 : memref<40x128xf32, #tpu.memory_space<vmem>>) target(%dma_start3A_86 : memref<40x128xf32, #tpu.memory_space<vmem_shared>>) target_semaphore(%run_scoped3A : memref<!tpu.dma_semaphore, #tpu.memory_space<semaphore_mem>>)
      %dma_wait3A_87 = arith.constant 0 : i32
      %dma_wait3A_88 = tpu.memref_slice %arg13[%add3A_38, %dma_wait3A_87] : memref<10112x128xf32, #tpu.memory_space<vmem_shared>> -> memref<40x128xf32, #tpu.memory_space<vmem_shared>>
      %dma_wait3A_89 = arith.constant 0 : i32
      %dma_wait3A_90 = tpu.memref_slice %arg13[%add3A_38, %dma_wait3A_89] : memref<10112x128xf32, #tpu.memory_space<vmem_shared>> -> memref<40x128xf32, #tpu.memory_space<vmem_shared>>
      tpu.wait_dma2 semaphore(%run_scoped3A : memref<!tpu.dma_semaphore, #tpu.memory_space<semaphore_mem>>) src(%arg8 : memref<40x128xf32, #tpu.memory_space<vmem>>) dst(%dma_wait3A_90 : memref<40x128xf32, #tpu.memory_space<vmem_shared>>)
      tpu.yield
    }) : () -> ()
    %add3A_39 = arith.constant 632 : i32
    %add3A_40 = arith.addi %mul3A_2, %add3A_39 : i32
    %sub3A = arith.constant 32 : i32
    %sub3A_41 = arith.subi %add3A_40, %sub3A : i32
    "tpu.region"() ({
      %run_scoped3A = tpu.sem_alloc : memref<!tpu.dma_semaphore, #tpu.memory_space<semaphore_mem>>
      %dma_start3A = arith.constant 0 : i32
      %dma_start3A_84 = arith.constant 0 : i32
      %dma_start3A_85 = tpu.memref_slice %arg8[%dma_start3A, %dma_start3A_84] : memref<40x128xf32, #tpu.memory_space<vmem>> -> memref<32x128xf32, #tpu.memory_space<vmem>>
      %dma_start3A_86 = arith.constant 0 : i32
      %dma_start3A_87 = tpu.memref_slice %arg13[%sub3A_41, %dma_start3A_86] : memref<10112x128xf32, #tpu.memory_space<vmem_shared>> -> memref<32x128xf32, #tpu.memory_space<vmem_shared>>
      %dma_start3A_88 = arith.constant 0 : i32
      %dma_start3A_89 = tpu.memref_slice %arg13[%sub3A_41, %dma_start3A_88] : memref<10112x128xf32, #tpu.memory_space<vmem_shared>> -> memref<32x128xf32, #tpu.memory_space<vmem_shared>>
      %dma_start3A_90 = arith.constant 0 : i32
      %dma_start3A_91 = arith.constant 0 : i32
      %dma_start3A_92 = tpu.memref_slice %arg8[%dma_start3A_90, %dma_start3A_91] : memref<40x128xf32, #tpu.memory_space<vmem>> -> memref<32x128xf32, #tpu.memory_space<vmem>>
      tpu.enqueue_dma source(%dma_start3A_92 : memref<32x128xf32, #tpu.memory_space<vmem>>) target(%dma_start3A_89 : memref<32x128xf32, #tpu.memory_space<vmem_shared>>) target_semaphore(%run_scoped3A : memref<!tpu.dma_semaphore, #tpu.memory_space<semaphore_mem>>)
      %dma_wait3A_93 = arith.constant 0 : i32
      %dma_wait3A_94 = arith.constant 0 : i32
      %dma_wait3A_95 = tpu.memref_slice %arg8[%dma_wait3A_93, %dma_wait3A_94] : memref<40x128xf32, #tpu.memory_space<vmem>> -> memref<32x128xf32, #tpu.memory_space<vmem>>
      %dma_wait3A_96 = arith.constant 0 : i32
      %dma_wait3A_97 = tpu.memref_slice %arg13[%sub3A_41, %dma_wait3A_96] : memref<10112x128xf32, #tpu.memory_space<vmem_shared>> -> memref<32x128xf32, #tpu.memory_space<vmem_shared>>
      %dma_wait3A_98 = arith.constant 0 : i32
      %dma_wait3A_99 = tpu.memref_slice %arg13[%sub3A_41, %dma_wait3A_98] : memref<10112x128xf32, #tpu.memory_space<vmem_shared>> -> memref<32x128xf32, #tpu.memory_space<vmem_shared>>
      %dma_wait3A_100 = arith.constant 0 : i32
      %dma_wait3A_101 = arith.constant 0 : i32
      %dma_wait3A_102 = tpu.memref_slice %arg8[%dma_wait3A_100, %dma_wait3A_101] : memref<40x128xf32, #tpu.memory_space<vmem>> -> memref<32x128xf32, #tpu.memory_space<vmem>>
      tpu.wait_dma2 semaphore(%run_scoped3A : memref<!tpu.dma_semaphore, #tpu.memory_space<semaphore_mem>>) src(%dma_wait3A_102 : memref<32x128xf32, #tpu.memory_space<vmem>>) dst(%dma_wait3A_99 : memref<32x128xf32, #tpu.memory_space<vmem_shared>>)
      tpu.yield
    }) : () -> ()
    "tpu.region"() ({
      %run_scoped3A = tpu.sem_alloc : memref<!tpu.dma_semaphore, #tpu.memory_space<semaphore_mem>>
      %dma_start3A = arith.constant 0 : i32
      %dma_start3A_84 = arith.constant 0 : i32
      %dma_start3A_85 = tpu.memref_slice %arg2[%add3A, %dma_start3A, %dma_start3A_84] : memref<32x250x40xi32, #tpu.memory_space<hbm>> -> memref<1x250x40xi32, #tpu.memory_space<hbm>>
      %dma_start3A_86 = tpu.memref_squeeze %dma_start3A_85 : memref<1x250x40xi32, #tpu.memory_space<hbm>> -> memref<250x40xi32, #tpu.memory_space<hbm>>
      %dma_start3A_87 = arith.constant 0 : i32
      %dma_start3A_88 = arith.constant 0 : i32
      %dma_start3A_89 = tpu.memref_slice %arg2[%add3A, %dma_start3A_87, %dma_start3A_88] : memref<32x250x40xi32, #tpu.memory_space<hbm>> -> memref<1x250x40xi32, #tpu.memory_space<hbm>>
      %dma_start3A_90 = tpu.memref_squeeze %dma_start3A_89 : memref<1x250x40xi32, #tpu.memory_space<hbm>> -> memref<250x40xi32, #tpu.memory_space<hbm>>
      tpu.enqueue_dma source(%dma_start3A_90 : memref<250x40xi32, #tpu.memory_space<hbm>>) target(%arg6 : memref<250x40xi32, #tpu.memory_space<vmem>>) target_semaphore(%run_scoped3A : memref<!tpu.dma_semaphore, #tpu.memory_space<semaphore_mem>>)
      %dma_wait3A_91 = arith.constant 0 : i32
      %dma_wait3A_92 = arith.constant 0 : i32
      %dma_wait3A_93 = tpu.memref_slice %arg2[%add3A, %dma_wait3A_91, %dma_wait3A_92] : memref<32x250x40xi32, #tpu.memory_space<hbm>> -> memref<1x250x40xi32, #tpu.memory_space<hbm>>
      %dma_wait3A_94 = tpu.memref_squeeze %dma_wait3A_93 : memref<1x250x40xi32, #tpu.memory_space<hbm>> -> memref<250x40xi32, #tpu.memory_space<hbm>>
      %dma_wait3A_95 = arith.constant 0 : i32
      %dma_wait3A_96 = arith.constant 0 : i32
      %dma_wait3A_97 = tpu.memref_slice %arg2[%add3A, %dma_wait3A_95, %dma_wait3A_96] : memref<32x250x40xi32, #tpu.memory_space<hbm>> -> memref<1x250x40xi32, #tpu.memory_space<hbm>>
      %dma_wait3A_98 = tpu.memref_squeeze %dma_wait3A_97 : memref<1x250x40xi32, #tpu.memory_space<hbm>> -> memref<250x40xi32, #tpu.memory_space<hbm>>
      tpu.wait_dma2 semaphore(%run_scoped3A : memref<!tpu.dma_semaphore, #tpu.memory_space<semaphore_mem>>) src(%dma_wait3A_98 : memref<250x40xi32, #tpu.memory_space<hbm>>) dst(%arg6 : memref<250x40xi32, #tpu.memory_space<vmem>>)
      tpu.yield
    }) : () -> ()
    "tpu.region"() ({
      %run_scoped3A = tpu.sem_alloc : memref<!tpu.dma_semaphore, #tpu.memory_space<semaphore_mem>>
      %dma_start3A = arith.constant 0 : i32
      %dma_start3A_84 = arith.constant 0 : i32
      %dma_start3A_85 = tpu.memref_slice %arg3[%add3A, %dma_start3A, %dma_start3A_84] : memref<32x250x40xi32, #tpu.memory_space<hbm>> -> memref<1x250x40xi32, #tpu.memory_space<hbm>>
      %dma_start3A_86 = tpu.memref_squeeze %dma_start3A_85 : memref<1x250x40xi32, #tpu.memory_space<hbm>> -> memref<250x40xi32, #tpu.memory_space<hbm>>
      %dma_start3A_87 = arith.constant 0 : i32
      %dma_start3A_88 = arith.constant 0 : i32
      %dma_start3A_89 = tpu.memref_slice %arg3[%add3A, %dma_start3A_87, %dma_start3A_88] : memref<32x250x40xi32, #tpu.memory_space<hbm>> -> memref<1x250x40xi32, #tpu.memory_space<hbm>>
      %dma_start3A_90 = tpu.memref_squeeze %dma_start3A_89 : memref<1x250x40xi32, #tpu.memory_space<hbm>> -> memref<250x40xi32, #tpu.memory_space<hbm>>
      tpu.enqueue_dma source(%dma_start3A_90 : memref<250x40xi32, #tpu.memory_space<hbm>>) target(%arg7 : memref<250x40xi32, #tpu.memory_space<vmem>>) target_semaphore(%run_scoped3A : memref<!tpu.dma_semaphore, #tpu.memory_space<semaphore_mem>>)
      %dma_wait3A_91 = arith.constant 0 : i32
      %dma_wait3A_92 = arith.constant 0 : i32
      %dma_wait3A_93 = tpu.memref_slice %arg3[%add3A, %dma_wait3A_91, %dma_wait3A_92] : memref<32x250x40xi32, #tpu.memory_space<hbm>> -> memref<1x250x40xi32, #tpu.memory_space<hbm>>
      %dma_wait3A_94 = tpu.memref_squeeze %dma_wait3A_93 : memref<1x250x40xi32, #tpu.memory_space<hbm>> -> memref<250x40xi32, #tpu.memory_space<hbm>>
      %dma_wait3A_95 = arith.constant 0 : i32
      %dma_wait3A_96 = arith.constant 0 : i32
      %dma_wait3A_97 = tpu.memref_slice %arg3[%add3A, %dma_wait3A_95, %dma_wait3A_96] : memref<32x250x40xi32, #tpu.memory_space<hbm>> -> memref<1x250x40xi32, #tpu.memory_space<hbm>>
      %dma_wait3A_98 = tpu.memref_squeeze %dma_wait3A_97 : memref<1x250x40xi32, #tpu.memory_space<hbm>> -> memref<250x40xi32, #tpu.memory_space<hbm>>
      tpu.wait_dma2 semaphore(%run_scoped3A : memref<!tpu.dma_semaphore, #tpu.memory_space<semaphore_mem>>) src(%dma_wait3A_98 : memref<250x40xi32, #tpu.memory_space<hbm>>) dst(%arg7 : memref<250x40xi32, #tpu.memory_space<vmem>>)
      tpu.yield
    }) : () -> ()
    %barrier3A = arith.constant 0 : index
    tpu.barrier barrier_id(%barrier3A)
    %scan3A_42 = arith.constant 0 : i32
    %scan3A_43 = arith.constant 0 : i32
    %scan3A_44 = arith.constant 51 : i32
    %scan3A_45 = arith.addi %scan3A_43, %scan3A_44 : i32
    %scan3A_46 = arith.constant 1 : i32
    %scan3A_47 = scf.for %scan3A_84 = %scan3A_43 to %scan3A_45 step %scan3A_46 iter_args(%scan3A_85 = %scan3A_42) -> (i32)  : i32 {
      %mul3A_86 = arith.constant 5 : i32
      %mul3A_87 = arith.muli %scan3A_84, %mul3A_86 : i32
      %add3A_88 = arith.constant 0 : i32
      %add3A_89 = arith.addi %mul3A_87, %add3A_88 : i32
      %ge3A = arith.constant 5 : i32
      %ge3A_90 = arith.cmpi sge, %add3A_89, %ge3A : i32
      %lt3A = arith.constant 250 : i32
      %lt3A_91 = arith.cmpi slt, %add3A_89, %lt3A : i32
      %and3A = arith.andi %ge3A_90, %lt3A_91 : i1
      %convert_element_type3A = arith.extui %and3A : i1 to i32
      %cond3A = arith.constant 0 : i32
      %cond3A_92 = arith.cmpi ne, %convert_element_type3A, %cond3A : i32
      scf.if %cond3A_92 {
        %sub3A_217 = arith.constant 5 : i32
        %sub3A_218 = arith.subi %add3A_89, %sub3A_217 : i32
        %dma_wait3A_219 = arith.constant 0 : i32
        %dma_wait3A_220 = tpu.memref_slice %arg7[%sub3A_218, %dma_wait3A_219] : memref<250x40xi32, #tpu.memory_space<vmem>> -> memref<1x40xi32, #tpu.memory_space<vmem>>
        %dma_wait3A_221 = tpu.memref_squeeze %dma_wait3A_220 : memref<1x40xi32, #tpu.memory_space<vmem>> -> memref<40xi32, #tpu.memory_space<vmem>>
        %dma_wait3A_222 = arith.constant 0 : i32
        %dma_wait3A_223 = arith.constant 0 : i32
        %dma_wait3A_224 = tpu.memref_slice %arg13[%dma_wait3A_222, %dma_wait3A_223] : memref<10112x128xf32, #tpu.memory_space<vmem_shared>> -> memref<10112x128xf32, #tpu.memory_space<vmem_shared>>
        tpu.wait_indirect_dma semaphore(%arg19 : memref<!tpu.dma_semaphore, #tpu.memory_space<semaphore_mem>>) src(%arg8 : memref<40x128xf32, #tpu.memory_space<vmem>>) dst(%dma_wait3A_224 : memref<10112x128xf32, #tpu.memory_space<vmem_shared>>)
      } else {
      }
      %lt3A_93 = arith.constant 250 : i32
      %lt3A_94 = arith.cmpi slt, %add3A_89, %lt3A_93 : i32
      %convert_element_type3A_95 = arith.extui %lt3A_94 : i1 to i32
      %cond3A_96 = arith.constant 0 : i32
      %cond3A_97 = arith.cmpi ne, %convert_element_type3A_95, %cond3A_96 : i32
      scf.if %cond3A_97 {
        %dma_start3A = arith.constant 0 : i32
        %dma_start3A_217 = tpu.memref_slice %arg6[%add3A_89, %dma_start3A] : memref<250x40xi32, #tpu.memory_space<vmem>> -> memref<1x40xi32, #tpu.memory_space<vmem>>
        %dma_start3A_218 = tpu.memref_squeeze %dma_start3A_217 : memref<1x40xi32, #tpu.memory_space<vmem>> -> memref<40xi32, #tpu.memory_space<vmem>>
        %dma_start3A_219 = arith.constant 0 : i32
        %dma_start3A_220 = arith.constant 0 : i32
        %dma_start3A_221 = tpu.memref_slice %arg4[%dma_start3A_219, %dma_start3A_220] : memref<10000x128xf32, #tpu.memory_space<hbm>> -> memref<10000x128xf32, #tpu.memory_space<hbm>>
        tpu.enqueue_indirect_dma source(%dma_start3A_221 : memref<10000x128xf32, #tpu.memory_space<hbm>>) target(%arg8 : memref<40x128xf32, #tpu.memory_space<vmem>>) offsets(%dma_start3A_218 : memref<40xi32, #tpu.memory_space<vmem>>) semaphore(%arg14 : memref<!tpu.dma_semaphore, #tpu.memory_space<semaphore_mem>>)
      } else {
      }
      %sub3A_98 = arith.constant 2 : i32
      %sub3A_99 = arith.subi %add3A_89, %sub3A_98 : i32
      %ge3A_100 = arith.constant 0 : i32
      %ge3A_101 = arith.cmpi sge, %sub3A_99, %ge3A_100 : i32
      %lt3A_102 = arith.constant 250 : i32
      %lt3A_103 = arith.cmpi slt, %sub3A_99, %lt3A_102 : i32
      %and3A_104 = arith.andi %ge3A_101, %lt3A_103 : i1
      %convert_element_type3A_105 = arith.extui %and3A_104 : i1 to i32
      %cond3A_106 = arith.constant 0 : i32
      %cond3A_107 = arith.cmpi ne, %convert_element_type3A_105, %cond3A_106 : i32
      scf.if %cond3A_107 {
        %dma_wait3A_217 = arith.constant 0 : i32
        %dma_wait3A_218 = tpu.memref_slice %arg6[%sub3A_99, %dma_wait3A_217] : memref<250x40xi32, #tpu.memory_space<vmem>> -> memref<1x40xi32, #tpu.memory_space<vmem>>
        %dma_wait3A_219 = tpu.memref_squeeze %dma_wait3A_218 : memref<1x40xi32, #tpu.memory_space<vmem>> -> memref<40xi32, #tpu.memory_space<vmem>>
        %dma_wait3A_220 = arith.constant 0 : i32
        %dma_wait3A_221 = arith.constant 0 : i32
        %dma_wait3A_222 = tpu.memref_slice %arg4[%dma_wait3A_220, %dma_wait3A_221] : memref<10000x128xf32, #tpu.memory_space<hbm>> -> memref<10000x128xf32, #tpu.memory_space<hbm>>
        tpu.wait_indirect_dma semaphore(%arg17 : memref<!tpu.dma_semaphore, #tpu.memory_space<semaphore_mem>>) src(%dma_wait3A_222 : memref<10000x128xf32, #tpu.memory_space<hbm>>) dst(%arg11 : memref<40x128xf32, #tpu.memory_space<vmem>>)
        %dma_start3A = arith.constant 0 : i32
        %dma_start3A_223 = tpu.memref_slice %arg7[%sub3A_99, %dma_start3A] : memref<250x40xi32, #tpu.memory_space<vmem>> -> memref<1x40xi32, #tpu.memory_space<vmem>>
        %dma_start3A_224 = tpu.memref_squeeze %dma_start3A_223 : memref<1x40xi32, #tpu.memory_space<vmem>> -> memref<40xi32, #tpu.memory_space<vmem>>
        %dma_start3A_225 = arith.constant 0 : i32
        %dma_start3A_226 = arith.constant 0 : i32
        %dma_start3A_227 = tpu.memref_slice %arg13[%dma_start3A_225, %dma_start3A_226] : memref<10112x128xf32, #tpu.memory_space<vmem_shared>> -> memref<10112x128xf32, #tpu.memory_space<vmem_shared>>
        tpu.enqueue_indirect_dma source(%arg11 : memref<40x128xf32, #tpu.memory_space<vmem>>) target(%dma_start3A_227 : memref<10112x128xf32, #tpu.memory_space<vmem_shared>>) offsets(%dma_start3A_224 : memref<40xi32, #tpu.memory_space<vmem>>) semaphore(%arg22 : memref<!tpu.dma_semaphore, #tpu.memory_space<semaphore_mem>>) {add = true}
      } else {
      }
      %mul3A_108 = arith.constant 5 : i32
      %mul3A_109 = arith.muli %scan3A_84, %mul3A_108 : i32
      %add3A_110 = arith.constant 1 : i32
      %add3A_111 = arith.addi %mul3A_109, %add3A_110 : i32
      %ge3A_112 = arith.constant 5 : i32
      %ge3A_113 = arith.cmpi sge, %add3A_111, %ge3A_112 : i32
      %lt3A_114 = arith.constant 250 : i32
      %lt3A_115 = arith.cmpi slt, %add3A_111, %lt3A_114 : i32
      %and3A_116 = arith.andi %ge3A_113, %lt3A_115 : i1
      %convert_element_type3A_117 = arith.extui %and3A_116 : i1 to i32
      %cond3A_118 = arith.constant 0 : i32
      %cond3A_119 = arith.cmpi ne, %convert_element_type3A_117, %cond3A_118 : i32
      scf.if %cond3A_119 {
        %sub3A_217 = arith.constant 5 : i32
        %sub3A_218 = arith.subi %add3A_111, %sub3A_217 : i32
        %dma_wait3A_219 = arith.constant 0 : i32
        %dma_wait3A_220 = tpu.memref_slice %arg7[%sub3A_218, %dma_wait3A_219] : memref<250x40xi32, #tpu.memory_space<vmem>> -> memref<1x40xi32, #tpu.memory_space<vmem>>
        %dma_wait3A_221 = tpu.memref_squeeze %dma_wait3A_220 : memref<1x40xi32, #tpu.memory_space<vmem>> -> memref<40xi32, #tpu.memory_space<vmem>>
        %dma_wait3A_222 = arith.constant 0 : i32
        %dma_wait3A_223 = arith.constant 0 : i32
        %dma_wait3A_224 = tpu.memref_slice %arg13[%dma_wait3A_222, %dma_wait3A_223] : memref<10112x128xf32, #tpu.memory_space<vmem_shared>> -> memref<10112x128xf32, #tpu.memory_space<vmem_shared>>
        tpu.wait_indirect_dma semaphore(%arg20 : memref<!tpu.dma_semaphore, #tpu.memory_space<semaphore_mem>>) src(%arg9 : memref<40x128xf32, #tpu.memory_space<vmem>>) dst(%dma_wait3A_224 : memref<10112x128xf32, #tpu.memory_space<vmem_shared>>)
      } else {
      }
      %lt3A_120 = arith.constant 250 : i32
      %lt3A_121 = arith.cmpi slt, %add3A_111, %lt3A_120 : i32
      %convert_element_type3A_122 = arith.extui %lt3A_121 : i1 to i32
      %cond3A_123 = arith.constant 0 : i32
      %cond3A_124 = arith.cmpi ne, %convert_element_type3A_122, %cond3A_123 : i32
      scf.if %cond3A_124 {
        %dma_start3A = arith.constant 0 : i32
        %dma_start3A_217 = tpu.memref_slice %arg6[%add3A_111, %dma_start3A] : memref<250x40xi32, #tpu.memory_space<vmem>> -> memref<1x40xi32, #tpu.memory_space<vmem>>
        %dma_start3A_218 = tpu.memref_squeeze %dma_start3A_217 : memref<1x40xi32, #tpu.memory_space<vmem>> -> memref<40xi32, #tpu.memory_space<vmem>>
        %dma_start3A_219 = arith.constant 0 : i32
        %dma_start3A_220 = arith.constant 0 : i32
        %dma_start3A_221 = tpu.memref_slice %arg4[%dma_start3A_219, %dma_start3A_220] : memref<10000x128xf32, #tpu.memory_space<hbm>> -> memref<10000x128xf32, #tpu.memory_space<hbm>>
        tpu.enqueue_indirect_dma source(%dma_start3A_221 : memref<10000x128xf32, #tpu.memory_space<hbm>>) target(%arg9 : memref<40x128xf32, #tpu.memory_space<vmem>>) offsets(%dma_start3A_218 : memref<40xi32, #tpu.memory_space<vmem>>) semaphore(%arg15 : memref<!tpu.dma_semaphore, #tpu.memory_space<semaphore_mem>>)
      } else {
      }
      %sub3A_125 = arith.constant 2 : i32
      %sub3A_126 = arith.subi %add3A_111, %sub3A_125 : i32
      %ge3A_127 = arith.constant 0 : i32
      %ge3A_128 = arith.cmpi sge, %sub3A_126, %ge3A_127 : i32
      %lt3A_129 = arith.constant 250 : i32
      %lt3A_130 = arith.cmpi slt, %sub3A_126, %lt3A_129 : i32
      %and3A_131 = arith.andi %ge3A_128, %lt3A_130 : i1
      %convert_element_type3A_132 = arith.extui %and3A_131 : i1 to i32
      %cond3A_133 = arith.constant 0 : i32
      %cond3A_134 = arith.cmpi ne, %convert_element_type3A_132, %cond3A_133 : i32
      scf.if %cond3A_134 {
        %dma_wait3A_217 = arith.constant 0 : i32
        %dma_wait3A_218 = tpu.memref_slice %arg6[%sub3A_126, %dma_wait3A_217] : memref<250x40xi32, #tpu.memory_space<vmem>> -> memref<1x40xi32, #tpu.memory_space<vmem>>
        %dma_wait3A_219 = tpu.memref_squeeze %dma_wait3A_218 : memref<1x40xi32, #tpu.memory_space<vmem>> -> memref<40xi32, #tpu.memory_space<vmem>>
        %dma_wait3A_220 = arith.constant 0 : i32
        %dma_wait3A_221 = arith.constant 0 : i32
        %dma_wait3A_222 = tpu.memref_slice %arg4[%dma_wait3A_220, %dma_wait3A_221] : memref<10000x128xf32, #tpu.memory_space<hbm>> -> memref<10000x128xf32, #tpu.memory_space<hbm>>
        tpu.wait_indirect_dma semaphore(%arg18 : memref<!tpu.dma_semaphore, #tpu.memory_space<semaphore_mem>>) src(%dma_wait3A_222 : memref<10000x128xf32, #tpu.memory_space<hbm>>) dst(%arg12 : memref<40x128xf32, #tpu.memory_space<vmem>>)
        %dma_start3A = arith.constant 0 : i32
        %dma_start3A_223 = tpu.memref_slice %arg7[%sub3A_126, %dma_start3A] : memref<250x40xi32, #tpu.memory_space<vmem>> -> memref<1x40xi32, #tpu.memory_space<vmem>>
        %dma_start3A_224 = tpu.memref_squeeze %dma_start3A_223 : memref<1x40xi32, #tpu.memory_space<vmem>> -> memref<40xi32, #tpu.memory_space<vmem>>
        %dma_start3A_225 = arith.constant 0 : i32
        %dma_start3A_226 = arith.constant 0 : i32
        %dma_start3A_227 = tpu.memref_slice %arg13[%dma_start3A_225, %dma_start3A_226] : memref<10112x128xf32, #tpu.memory_space<vmem_shared>> -> memref<10112x128xf32, #tpu.memory_space<vmem_shared>>
        tpu.enqueue_indirect_dma source(%arg12 : memref<40x128xf32, #tpu.memory_space<vmem>>) target(%dma_start3A_227 : memref<10112x128xf32, #tpu.memory_space<vmem_shared>>) offsets(%dma_start3A_224 : memref<40xi32, #tpu.memory_space<vmem>>) semaphore(%arg23 : memref<!tpu.dma_semaphore, #tpu.memory_space<semaphore_mem>>) {add = true}
      } else {
      }
      %mul3A_135 = arith.constant 5 : i32
      %mul3A_136 = arith.muli %scan3A_84, %mul3A_135 : i32
      %add3A_137 = arith.constant 2 : i32
      %add3A_138 = arith.addi %mul3A_136, %add3A_137 : i32
      %ge3A_139 = arith.constant 5 : i32
      %ge3A_140 = arith.cmpi sge, %add3A_138, %ge3A_139 : i32
      %lt3A_141 = arith.constant 250 : i32
      %lt3A_142 = arith.cmpi slt, %add3A_138, %lt3A_141 : i32
      %and3A_143 = arith.andi %ge3A_140, %lt3A_142 : i1
      %convert_element_type3A_144 = arith.extui %and3A_143 : i1 to i32
      %cond3A_145 = arith.constant 0 : i32
      %cond3A_146 = arith.cmpi ne, %convert_element_type3A_144, %cond3A_145 : i32
      scf.if %cond3A_146 {
        %sub3A_217 = arith.constant 5 : i32
        %sub3A_218 = arith.subi %add3A_138, %sub3A_217 : i32
        %dma_wait3A_219 = arith.constant 0 : i32
        %dma_wait3A_220 = tpu.memref_slice %arg7[%sub3A_218, %dma_wait3A_219] : memref<250x40xi32, #tpu.memory_space<vmem>> -> memref<1x40xi32, #tpu.memory_space<vmem>>
        %dma_wait3A_221 = tpu.memref_squeeze %dma_wait3A_220 : memref<1x40xi32, #tpu.memory_space<vmem>> -> memref<40xi32, #tpu.memory_space<vmem>>
        %dma_wait3A_222 = arith.constant 0 : i32
        %dma_wait3A_223 = arith.constant 0 : i32
        %dma_wait3A_224 = tpu.memref_slice %arg13[%dma_wait3A_222, %dma_wait3A_223] : memref<10112x128xf32, #tpu.memory_space<vmem_shared>> -> memref<10112x128xf32, #tpu.memory_space<vmem_shared>>
        tpu.wait_indirect_dma semaphore(%arg21 : memref<!tpu.dma_semaphore, #tpu.memory_space<semaphore_mem>>) src(%arg10 : memref<40x128xf32, #tpu.memory_space<vmem>>) dst(%dma_wait3A_224 : memref<10112x128xf32, #tpu.memory_space<vmem_shared>>)
      } else {
      }
      %lt3A_147 = arith.constant 250 : i32
      %lt3A_148 = arith.cmpi slt, %add3A_138, %lt3A_147 : i32
      %convert_element_type3A_149 = arith.extui %lt3A_148 : i1 to i32
      %cond3A_150 = arith.constant 0 : i32
      %cond3A_151 = arith.cmpi ne, %convert_element_type3A_149, %cond3A_150 : i32
      scf.if %cond3A_151 {
        %dma_start3A = arith.constant 0 : i32
        %dma_start3A_217 = tpu.memref_slice %arg6[%add3A_138, %dma_start3A] : memref<250x40xi32, #tpu.memory_space<vmem>> -> memref<1x40xi32, #tpu.memory_space<vmem>>
        %dma_start3A_218 = tpu.memref_squeeze %dma_start3A_217 : memref<1x40xi32, #tpu.memory_space<vmem>> -> memref<40xi32, #tpu.memory_space<vmem>>
        %dma_start3A_219 = arith.constant 0 : i32
        %dma_start3A_220 = arith.constant 0 : i32
        %dma_start3A_221 = tpu.memref_slice %arg4[%dma_start3A_219, %dma_start3A_220] : memref<10000x128xf32, #tpu.memory_space<hbm>> -> memref<10000x128xf32, #tpu.memory_space<hbm>>
        tpu.enqueue_indirect_dma source(%dma_start3A_221 : memref<10000x128xf32, #tpu.memory_space<hbm>>) target(%arg10 : memref<40x128xf32, #tpu.memory_space<vmem>>) offsets(%dma_start3A_218 : memref<40xi32, #tpu.memory_space<vmem>>) semaphore(%arg16 : memref<!tpu.dma_semaphore, #tpu.memory_space<semaphore_mem>>)
      } else {
      }
      %sub3A_152 = arith.constant 2 : i32
      %sub3A_153 = arith.subi %add3A_138, %sub3A_152 : i32
      %ge3A_154 = arith.constant 0 : i32
      %ge3A_155 = arith.cmpi sge, %sub3A_153, %ge3A_154 : i32
      %lt3A_156 = arith.constant 250 : i32
      %lt3A_157 = arith.cmpi slt, %sub3A_153, %lt3A_156 : i32
      %and3A_158 = arith.andi %ge3A_155, %lt3A_157 : i1
      %convert_element_type3A_159 = arith.extui %and3A_158 : i1 to i32
      %cond3A_160 = arith.constant 0 : i32
      %cond3A_161 = arith.cmpi ne, %convert_element_type3A_159, %cond3A_160 : i32
      scf.if %cond3A_161 {
        %dma_wait3A_217 = arith.constant 0 : i32
        %dma_wait3A_218 = tpu.memref_slice %arg6[%sub3A_153, %dma_wait3A_217] : memref<250x40xi32, #tpu.memory_space<vmem>> -> memref<1x40xi32, #tpu.memory_space<vmem>>
        %dma_wait3A_219 = tpu.memref_squeeze %dma_wait3A_218 : memref<1x40xi32, #tpu.memory_space<vmem>> -> memref<40xi32, #tpu.memory_space<vmem>>
        %dma_wait3A_220 = arith.constant 0 : i32
        %dma_wait3A_221 = arith.constant 0 : i32
        %dma_wait3A_222 = tpu.memref_slice %arg4[%dma_wait3A_220, %dma_wait3A_221] : memref<10000x128xf32, #tpu.memory_space<hbm>> -> memref<10000x128xf32, #tpu.memory_space<hbm>>
        tpu.wait_indirect_dma semaphore(%arg14 : memref<!tpu.dma_semaphore, #tpu.memory_space<semaphore_mem>>) src(%dma_wait3A_222 : memref<10000x128xf32, #tpu.memory_space<hbm>>) dst(%arg8 : memref<40x128xf32, #tpu.memory_space<vmem>>)
        %dma_start3A = arith.constant 0 : i32
        %dma_start3A_223 = tpu.memref_slice %arg7[%sub3A_153, %dma_start3A] : memref<250x40xi32, #tpu.memory_space<vmem>> -> memref<1x40xi32, #tpu.memory_space<vmem>>
        %dma_start3A_224 = tpu.memref_squeeze %dma_start3A_223 : memref<1x40xi32, #tpu.memory_space<vmem>> -> memref<40xi32, #tpu.memory_space<vmem>>
        %dma_start3A_225 = arith.constant 0 : i32
        %dma_start3A_226 = arith.constant 0 : i32
        %dma_start3A_227 = tpu.memref_slice %arg13[%dma_start3A_225, %dma_start3A_226] : memref<10112x128xf32, #tpu.memory_space<vmem_shared>> -> memref<10112x128xf32, #tpu.memory_space<vmem_shared>>
        tpu.enqueue_indirect_dma source(%arg8 : memref<40x128xf32, #tpu.memory_space<vmem>>) target(%dma_start3A_227 : memref<10112x128xf32, #tpu.memory_space<vmem_shared>>) offsets(%dma_start3A_224 : memref<40xi32, #tpu.memory_space<vmem>>) semaphore(%arg19 : memref<!tpu.dma_semaphore, #tpu.memory_space<semaphore_mem>>) {add = true}
      } else {
      }
      %mul3A_162 = arith.constant 5 : i32
      %mul3A_163 = arith.muli %scan3A_84, %mul3A_162 : i32
      %add3A_164 = arith.constant 3 : i32
      %add3A_165 = arith.addi %mul3A_163, %add3A_164 : i32
      %ge3A_166 = arith.constant 5 : i32
      %ge3A_167 = arith.cmpi sge, %add3A_165, %ge3A_166 : i32
      %lt3A_168 = arith.constant 250 : i32
      %lt3A_169 = arith.cmpi slt, %add3A_165, %lt3A_168 : i32
      %and3A_170 = arith.andi %ge3A_167, %lt3A_169 : i1
      %convert_element_type3A_171 = arith.extui %and3A_170 : i1 to i32
      %cond3A_172 = arith.constant 0 : i32
      %cond3A_173 = arith.cmpi ne, %convert_element_type3A_171, %cond3A_172 : i32
      scf.if %cond3A_173 {
        %sub3A_217 = arith.constant 5 : i32
        %sub3A_218 = arith.subi %add3A_165, %sub3A_217 : i32
        %dma_wait3A_219 = arith.constant 0 : i32
        %dma_wait3A_220 = tpu.memref_slice %arg7[%sub3A_218, %dma_wait3A_219] : memref<250x40xi32, #tpu.memory_space<vmem>> -> memref<1x40xi32, #tpu.memory_space<vmem>>
        %dma_wait3A_221 = tpu.memref_squeeze %dma_wait3A_220 : memref<1x40xi32, #tpu.memory_space<vmem>> -> memref<40xi32, #tpu.memory_space<vmem>>
        %dma_wait3A_222 = arith.constant 0 : i32
        %dma_wait3A_223 = arith.constant 0 : i32
        %dma_wait3A_224 = tpu.memref_slice %arg13[%dma_wait3A_222, %dma_wait3A_223] : memref<10112x128xf32, #tpu.memory_space<vmem_shared>> -> memref<10112x128xf32, #tpu.memory_space<vmem_shared>>
        tpu.wait_indirect_dma semaphore(%arg22 : memref<!tpu.dma_semaphore, #tpu.memory_space<semaphore_mem>>) src(%arg11 : memref<40x128xf32, #tpu.memory_space<vmem>>) dst(%dma_wait3A_224 : memref<10112x128xf32, #tpu.memory_space<vmem_shared>>)
      } else {
      }
      %lt3A_174 = arith.constant 250 : i32
      %lt3A_175 = arith.cmpi slt, %add3A_165, %lt3A_174 : i32
      %convert_element_type3A_176 = arith.extui %lt3A_175 : i1 to i32
      %cond3A_177 = arith.constant 0 : i32
      %cond3A_178 = arith.cmpi ne, %convert_element_type3A_176, %cond3A_177 : i32
      scf.if %cond3A_178 {
        %dma_start3A = arith.constant 0 : i32
        %dma_start3A_217 = tpu.memref_slice %arg6[%add3A_165, %dma_start3A] : memref<250x40xi32, #tpu.memory_space<vmem>> -> memref<1x40xi32, #tpu.memory_space<vmem>>
        %dma_start3A_218 = tpu.memref_squeeze %dma_start3A_217 : memref<1x40xi32, #tpu.memory_space<vmem>> -> memref<40xi32, #tpu.memory_space<vmem>>
        %dma_start3A_219 = arith.constant 0 : i32
        %dma_start3A_220 = arith.constant 0 : i32
        %dma_start3A_221 = tpu.memref_slice %arg4[%dma_start3A_219, %dma_start3A_220] : memref<10000x128xf32, #tpu.memory_space<hbm>> -> memref<10000x128xf32, #tpu.memory_space<hbm>>
        tpu.enqueue_indirect_dma source(%dma_start3A_221 : memref<10000x128xf32, #tpu.memory_space<hbm>>) target(%arg11 : memref<40x128xf32, #tpu.memory_space<vmem>>) offsets(%dma_start3A_218 : memref<40xi32, #tpu.memory_space<vmem>>) semaphore(%arg17 : memref<!tpu.dma_semaphore, #tpu.memory_space<semaphore_mem>>)
      } else {
      }
      %sub3A_179 = arith.constant 2 : i32
      %sub3A_180 = arith.subi %add3A_165, %sub3A_179 : i32
      %ge3A_181 = arith.constant 0 : i32
      %ge3A_182 = arith.cmpi sge, %sub3A_180, %ge3A_181 : i32
      %lt3A_183 = arith.constant 250 : i32
      %lt3A_184 = arith.cmpi slt, %sub3A_180, %lt3A_183 : i32
      %and3A_185 = arith.andi %ge3A_182, %lt3A_184 : i1
      %convert_element_type3A_186 = arith.extui %and3A_185 : i1 to i32
      %cond3A_187 = arith.constant 0 : i32
      %cond3A_188 = arith.cmpi ne, %convert_element_type3A_186, %cond3A_187 : i32
      scf.if %cond3A_188 {
        %dma_wait3A_217 = arith.constant 0 : i32
        %dma_wait3A_218 = tpu.memref_slice %arg6[%sub3A_180, %dma_wait3A_217] : memref<250x40xi32, #tpu.memory_space<vmem>> -> memref<1x40xi32, #tpu.memory_space<vmem>>
        %dma_wait3A_219 = tpu.memref_squeeze %dma_wait3A_218 : memref<1x40xi32, #tpu.memory_space<vmem>> -> memref<40xi32, #tpu.memory_space<vmem>>
        %dma_wait3A_220 = arith.constant 0 : i32
        %dma_wait3A_221 = arith.constant 0 : i32
        %dma_wait3A_222 = tpu.memref_slice %arg4[%dma_wait3A_220, %dma_wait3A_221] : memref<10000x128xf32, #tpu.memory_space<hbm>> -> memref<10000x128xf32, #tpu.memory_space<hbm>>
        tpu.wait_indirect_dma semaphore(%arg15 : memref<!tpu.dma_semaphore, #tpu.memory_space<semaphore_mem>>) src(%dma_wait3A_222 : memref<10000x128xf32, #tpu.memory_space<hbm>>) dst(%arg9 : memref<40x128xf32, #tpu.memory_space<vmem>>)
        %dma_start3A = arith.constant 0 : i32
        %dma_start3A_223 = tpu.memref_slice %arg7[%sub3A_180, %dma_start3A] : memref<250x40xi32, #tpu.memory_space<vmem>> -> memref<1x40xi32, #tpu.memory_space<vmem>>
        %dma_start3A_224 = tpu.memref_squeeze %dma_start3A_223 : memref<1x40xi32, #tpu.memory_space<vmem>> -> memref<40xi32, #tpu.memory_space<vmem>>
        %dma_start3A_225 = arith.constant 0 : i32
        %dma_start3A_226 = arith.constant 0 : i32
        %dma_start3A_227 = tpu.memref_slice %arg13[%dma_start3A_225, %dma_start3A_226] : memref<10112x128xf32, #tpu.memory_space<vmem_shared>> -> memref<10112x128xf32, #tpu.memory_space<vmem_shared>>
        tpu.enqueue_indirect_dma source(%arg9 : memref<40x128xf32, #tpu.memory_space<vmem>>) target(%dma_start3A_227 : memref<10112x128xf32, #tpu.memory_space<vmem_shared>>) offsets(%dma_start3A_224 : memref<40xi32, #tpu.memory_space<vmem>>) semaphore(%arg20 : memref<!tpu.dma_semaphore, #tpu.memory_space<semaphore_mem>>) {add = true}
      } else {
      }
      %mul3A_189 = arith.constant 5 : i32
      %mul3A_190 = arith.muli %scan3A_84, %mul3A_189 : i32
      %add3A_191 = arith.constant 4 : i32
      %add3A_192 = arith.addi %mul3A_190, %add3A_191 : i32
      %ge3A_193 = arith.constant 5 : i32
      %ge3A_194 = arith.cmpi sge, %add3A_192, %ge3A_193 : i32
      %lt3A_195 = arith.constant 250 : i32
      %lt3A_196 = arith.cmpi slt, %add3A_192, %lt3A_195 : i32
      %and3A_197 = arith.andi %ge3A_194, %lt3A_196 : i1
      %convert_element_type3A_198 = arith.extui %and3A_197 : i1 to i32
      %cond3A_199 = arith.constant 0 : i32
      %cond3A_200 = arith.cmpi ne, %convert_element_type3A_198, %cond3A_199 : i32
      scf.if %cond3A_200 {
        %sub3A_217 = arith.constant 5 : i32
        %sub3A_218 = arith.subi %add3A_192, %sub3A_217 : i32
        %dma_wait3A_219 = arith.constant 0 : i32
        %dma_wait3A_220 = tpu.memref_slice %arg7[%sub3A_218, %dma_wait3A_219] : memref<250x40xi32, #tpu.memory_space<vmem>> -> memref<1x40xi32, #tpu.memory_space<vmem>>
        %dma_wait3A_221 = tpu.memref_squeeze %dma_wait3A_220 : memref<1x40xi32, #tpu.memory_space<vmem>> -> memref<40xi32, #tpu.memory_space<vmem>>
        %dma_wait3A_222 = arith.constant 0 : i32
        %dma_wait3A_223 = arith.constant 0 : i32
        %dma_wait3A_224 = tpu.memref_slice %arg13[%dma_wait3A_222, %dma_wait3A_223] : memref<10112x128xf32, #tpu.memory_space<vmem_shared>> -> memref<10112x128xf32, #tpu.memory_space<vmem_shared>>
        tpu.wait_indirect_dma semaphore(%arg23 : memref<!tpu.dma_semaphore, #tpu.memory_space<semaphore_mem>>) src(%arg12 : memref<40x128xf32, #tpu.memory_space<vmem>>) dst(%dma_wait3A_224 : memref<10112x128xf32, #tpu.memory_space<vmem_shared>>)
      } else {
      }
      %lt3A_201 = arith.constant 250 : i32
      %lt3A_202 = arith.cmpi slt, %add3A_192, %lt3A_201 : i32
      %convert_element_type3A_203 = arith.extui %lt3A_202 : i1 to i32
      %cond3A_204 = arith.constant 0 : i32
      %cond3A_205 = arith.cmpi ne, %convert_element_type3A_203, %cond3A_204 : i32
      scf.if %cond3A_205 {
        %dma_start3A = arith.constant 0 : i32
        %dma_start3A_217 = tpu.memref_slice %arg6[%add3A_192, %dma_start3A] : memref<250x40xi32, #tpu.memory_space<vmem>> -> memref<1x40xi32, #tpu.memory_space<vmem>>
        %dma_start3A_218 = tpu.memref_squeeze %dma_start3A_217 : memref<1x40xi32, #tpu.memory_space<vmem>> -> memref<40xi32, #tpu.memory_space<vmem>>
        %dma_start3A_219 = arith.constant 0 : i32
        %dma_start3A_220 = arith.constant 0 : i32
        %dma_start3A_221 = tpu.memref_slice %arg4[%dma_start3A_219, %dma_start3A_220] : memref<10000x128xf32, #tpu.memory_space<hbm>> -> memref<10000x128xf32, #tpu.memory_space<hbm>>
        tpu.enqueue_indirect_dma source(%dma_start3A_221 : memref<10000x128xf32, #tpu.memory_space<hbm>>) target(%arg12 : memref<40x128xf32, #tpu.memory_space<vmem>>) offsets(%dma_start3A_218 : memref<40xi32, #tpu.memory_space<vmem>>) semaphore(%arg18 : memref<!tpu.dma_semaphore, #tpu.memory_space<semaphore_mem>>)
      } else {
      }
      %sub3A_206 = arith.constant 2 : i32
      %sub3A_207 = arith.subi %add3A_192, %sub3A_206 : i32
      %ge3A_208 = arith.constant 0 : i32
      %ge3A_209 = arith.cmpi sge, %sub3A_207, %ge3A_208 : i32
      %lt3A_210 = arith.constant 250 : i32
      %lt3A_211 = arith.cmpi slt, %sub3A_207, %lt3A_210 : i32
      %and3A_212 = arith.andi %ge3A_209, %lt3A_211 : i1
      %convert_element_type3A_213 = arith.extui %and3A_212 : i1 to i32
      %cond3A_214 = arith.constant 0 : i32
      %cond3A_215 = arith.cmpi ne, %convert_element_type3A_213, %cond3A_214 : i32
      scf.if %cond3A_215 {
        %dma_wait3A_217 = arith.constant 0 : i32
        %dma_wait3A_218 = tpu.memref_slice %arg6[%sub3A_207, %dma_wait3A_217] : memref<250x40xi32, #tpu.memory_space<vmem>> -> memref<1x40xi32, #tpu.memory_space<vmem>>
        %dma_wait3A_219 = tpu.memref_squeeze %dma_wait3A_218 : memref<1x40xi32, #tpu.memory_space<vmem>> -> memref<40xi32, #tpu.memory_space<vmem>>
        %dma_wait3A_220 = arith.constant 0 : i32
        %dma_wait3A_221 = arith.constant 0 : i32
        %dma_wait3A_222 = tpu.memref_slice %arg4[%dma_wait3A_220, %dma_wait3A_221] : memref<10000x128xf32, #tpu.memory_space<hbm>> -> memref<10000x128xf32, #tpu.memory_space<hbm>>
        tpu.wait_indirect_dma semaphore(%arg16 : memref<!tpu.dma_semaphore, #tpu.memory_space<semaphore_mem>>) src(%dma_wait3A_222 : memref<10000x128xf32, #tpu.memory_space<hbm>>) dst(%arg10 : memref<40x128xf32, #tpu.memory_space<vmem>>)
        %dma_start3A = arith.constant 0 : i32
        %dma_start3A_223 = tpu.memref_slice %arg7[%sub3A_207, %dma_start3A] : memref<250x40xi32, #tpu.memory_space<vmem>> -> memref<1x40xi32, #tpu.memory_space<vmem>>
        %dma_start3A_224 = tpu.memref_squeeze %dma_start3A_223 : memref<1x40xi32, #tpu.memory_space<vmem>> -> memref<40xi32, #tpu.memory_space<vmem>>
        %dma_start3A_225 = arith.constant 0 : i32
        %dma_start3A_226 = arith.constant 0 : i32
        %dma_start3A_227 = tpu.memref_slice %arg13[%dma_start3A_225, %dma_start3A_226] : memref<10112x128xf32, #tpu.memory_space<vmem_shared>> -> memref<10112x128xf32, #tpu.memory_space<vmem_shared>>
        tpu.enqueue_indirect_dma source(%arg10 : memref<40x128xf32, #tpu.memory_space<vmem>>) target(%dma_start3A_227 : memref<10112x128xf32, #tpu.memory_space<vmem_shared>>) offsets(%dma_start3A_224 : memref<40xi32, #tpu.memory_space<vmem>>) semaphore(%arg21 : memref<!tpu.dma_semaphore, #tpu.memory_space<semaphore_mem>>) {add = true}
      } else {
      }
      %scan3A_216 = arith.constant 0 : i32
      scf.yield %scan3A_216 : i32
    }
    %scan3A_48 = arith.constant 51 : i32
    %dma_wait3A = arith.constant 245 : i32
    %dma_wait3A_49 = arith.constant 0 : i32
    %dma_wait3A_50 = tpu.memref_slice %arg7[%dma_wait3A, %dma_wait3A_49] : memref<250x40xi32, #tpu.memory_space<vmem>> -> memref<1x40xi32, #tpu.memory_space<vmem>>
    %dma_wait3A_51 = tpu.memref_squeeze %dma_wait3A_50 : memref<1x40xi32, #tpu.memory_space<vmem>> -> memref<40xi32, #tpu.memory_space<vmem>>
    %dma_wait3A_52 = arith.constant 0 : i32
    %dma_wait3A_53 = arith.constant 0 : i32
    %dma_wait3A_54 = tpu.memref_slice %arg13[%dma_wait3A_52, %dma_wait3A_53] : memref<10112x128xf32, #tpu.memory_space<vmem_shared>> -> memref<10112x128xf32, #tpu.memory_space<vmem_shared>>
    tpu.wait_indirect_dma semaphore(%arg19 : memref<!tpu.dma_semaphore, #tpu.memory_space<semaphore_mem>>) src(%arg8 : memref<40x128xf32, #tpu.memory_space<vmem>>) dst(%dma_wait3A_54 : memref<10112x128xf32, #tpu.memory_space<vmem_shared>>)
    %dma_wait3A_55 = arith.constant 246 : i32
    %dma_wait3A_56 = arith.constant 0 : i32
    %dma_wait3A_57 = tpu.memref_slice %arg7[%dma_wait3A_55, %dma_wait3A_56] : memref<250x40xi32, #tpu.memory_space<vmem>> -> memref<1x40xi32, #tpu.memory_space<vmem>>
    %dma_wait3A_58 = tpu.memref_squeeze %dma_wait3A_57 : memref<1x40xi32, #tpu.memory_space<vmem>> -> memref<40xi32, #tpu.memory_space<vmem>>
    %dma_wait3A_59 = arith.constant 0 : i32
    %dma_wait3A_60 = arith.constant 0 : i32
    %dma_wait3A_61 = tpu.memref_slice %arg13[%dma_wait3A_59, %dma_wait3A_60] : memref<10112x128xf32, #tpu.memory_space<vmem_shared>> -> memref<10112x128xf32, #tpu.memory_space<vmem_shared>>
    tpu.wait_indirect_dma semaphore(%arg20 : memref<!tpu.dma_semaphore, #tpu.memory_space<semaphore_mem>>) src(%arg9 : memref<40x128xf32, #tpu.memory_space<vmem>>) dst(%dma_wait3A_61 : memref<10112x128xf32, #tpu.memory_space<vmem_shared>>)
    %dma_wait3A_62 = arith.constant 247 : i32
    %dma_wait3A_63 = arith.constant 0 : i32
    %dma_wait3A_64 = tpu.memref_slice %arg7[%dma_wait3A_62, %dma_wait3A_63] : memref<250x40xi32, #tpu.memory_space<vmem>> -> memref<1x40xi32, #tpu.memory_space<vmem>>
    %dma_wait3A_65 = tpu.memref_squeeze %dma_wait3A_64 : memref<1x40xi32, #tpu.memory_space<vmem>> -> memref<40xi32, #tpu.memory_space<vmem>>
    %dma_wait3A_66 = arith.constant 0 : i32
    %dma_wait3A_67 = arith.constant 0 : i32
    %dma_wait3A_68 = tpu.memref_slice %arg13[%dma_wait3A_66, %dma_wait3A_67] : memref<10112x128xf32, #tpu.memory_space<vmem_shared>> -> memref<10112x128xf32, #tpu.memory_space<vmem_shared>>
    tpu.wait_indirect_dma semaphore(%arg21 : memref<!tpu.dma_semaphore, #tpu.memory_space<semaphore_mem>>) src(%arg10 : memref<40x128xf32, #tpu.memory_space<vmem>>) dst(%dma_wait3A_68 : memref<10112x128xf32, #tpu.memory_space<vmem_shared>>)
    %dma_wait3A_69 = arith.constant 248 : i32
    %dma_wait3A_70 = arith.constant 0 : i32
    %dma_wait3A_71 = tpu.memref_slice %arg7[%dma_wait3A_69, %dma_wait3A_70] : memref<250x40xi32, #tpu.memory_space<vmem>> -> memref<1x40xi32, #tpu.memory_space<vmem>>
    %dma_wait3A_72 = tpu.memref_squeeze %dma_wait3A_71 : memref<1x40xi32, #tpu.memory_space<vmem>> -> memref<40xi32, #tpu.memory_space<vmem>>
    %dma_wait3A_73 = arith.constant 0 : i32
    %dma_wait3A_74 = arith.constant 0 : i32
    %dma_wait3A_75 = tpu.memref_slice %arg13[%dma_wait3A_73, %dma_wait3A_74] : memref<10112x128xf32, #tpu.memory_space<vmem_shared>> -> memref<10112x128xf32, #tpu.memory_space<vmem_shared>>
    tpu.wait_indirect_dma semaphore(%arg22 : memref<!tpu.dma_semaphore, #tpu.memory_space<semaphore_mem>>) src(%arg11 : memref<40x128xf32, #tpu.memory_space<vmem>>) dst(%dma_wait3A_75 : memref<10112x128xf32, #tpu.memory_space<vmem_shared>>)
    %dma_wait3A_76 = arith.constant 249 : i32
    %dma_wait3A_77 = arith.constant 0 : i32
    %dma_wait3A_78 = tpu.memref_slice %arg7[%dma_wait3A_76, %dma_wait3A_77] : memref<250x40xi32, #tpu.memory_space<vmem>> -> memref<1x40xi32, #tpu.memory_space<vmem>>
    %dma_wait3A_79 = tpu.memref_squeeze %dma_wait3A_78 : memref<1x40xi32, #tpu.memory_space<vmem>> -> memref<40xi32, #tpu.memory_space<vmem>>
    %dma_wait3A_80 = arith.constant 0 : i32
    %dma_wait3A_81 = arith.constant 0 : i32
    %dma_wait3A_82 = tpu.memref_slice %arg13[%dma_wait3A_80, %dma_wait3A_81] : memref<10112x128xf32, #tpu.memory_space<vmem_shared>> -> memref<10112x128xf32, #tpu.memory_space<vmem_shared>>
    tpu.wait_indirect_dma semaphore(%arg23 : memref<!tpu.dma_semaphore, #tpu.memory_space<semaphore_mem>>) src(%arg12 : memref<40x128xf32, #tpu.memory_space<vmem>>) dst(%dma_wait3A_82 : memref<10112x128xf32, #tpu.memory_space<vmem_shared>>)
    %barrier3A_83 = arith.constant 0 : index
    tpu.barrier barrier_id(%barrier3A_83)
    "tpu.region"() ({
      %run_scoped3A = tpu.sem_alloc : memref<!tpu.dma_semaphore, #tpu.memory_space<semaphore_mem>>
      %dma_start3A = arith.constant 0 : i32
      %dma_start3A_84 = tpu.memref_slice %arg5[%arg0, %mul3A_2, %dma_start3A] : memref<2x10112x128xf32, #tpu.memory_space<hbm>> -> memref<1x632x128xf32, #tpu.memory_space<hbm>>
      %dma_start3A_85 = tpu.memref_squeeze %dma_start3A_84 : memref<1x632x128xf32, #tpu.memory_space<hbm>> -> memref<632x128xf32, #tpu.memory_space<hbm>>
      %dma_start3A_86 = arith.constant 0 : i32
      %dma_start3A_87 = tpu.memref_slice %arg13[%mul3A_2, %dma_start3A_86] : memref<10112x128xf32, #tpu.memory_space<vmem_shared>> -> memref<632x128xf32, #tpu.memory_space<vmem_shared>>
      tpu.enqueue_dma source(%dma_start3A_87 : memref<632x128xf32, #tpu.memory_space<vmem_shared>>) target(%dma_start3A_85 : memref<632x128xf32, #tpu.memory_space<hbm>>) target_semaphore(%run_scoped3A : memref<!tpu.dma_semaphore, #tpu.memory_space<semaphore_mem>>)
      %dma_wait3A_88 = arith.constant 0 : i32
      %dma_wait3A_89 = tpu.memref_slice %arg5[%arg0, %mul3A_2, %dma_wait3A_88] : memref<2x10112x128xf32, #tpu.memory_space<hbm>> -> memref<1x632x128xf32, #tpu.memory_space<hbm>>
      %dma_wait3A_90 = tpu.memref_squeeze %dma_wait3A_89 : memref<1x632x128xf32, #tpu.memory_space<hbm>> -> memref<632x128xf32, #tpu.memory_space<hbm>>
      %dma_wait3A_91 = arith.constant 0 : i32
      %dma_wait3A_92 = tpu.memref_slice %arg13[%mul3A_2, %dma_wait3A_91] : memref<10112x128xf32, #tpu.memory_space<vmem_shared>> -> memref<632x128xf32, #tpu.memory_space<vmem_shared>>
      tpu.wait_dma2 semaphore(%run_scoped3A : memref<!tpu.dma_semaphore, #tpu.memory_space<semaphore_mem>>) src(%dma_wait3A_92 : memref<632x128xf32, #tpu.memory_space<vmem_shared>>) dst(%dma_wait3A_90 : memref<632x128xf32, #tpu.memory_space<hbm>>)
      tpu.yield
    }) : () -> ()
    return
  }
}

module attributes {stable_mosaic.version = 14 : i64} {
  func.func @body(%arg0: i32, %arg1: memref<1000x128xf32, #tpu.memory_space<vmem>>, %arg2: memref<2x1000x16xf32, #tpu.memory_space<vmem>>, %arg3: memref<1000x128xf32, #tpu.memory_space<vmem>>) attributes {dimension_semantics = [#tpu.dimension_semantics<arbitrary>], iteration_bounds = array<i64: 10>, scalar_prefetch = 0 : i64, scratch_operands = 0 : i64, tpu.core_type = #tpu.core_type<tc>, window_params = [{transform_indices = @transform_0, window_bounds = array<i64: 1000, 128>}, {transform_indices = @transform_1, window_bounds = array<i64: 2, 1000, 16>}, {transform_indices = @transform_2, window_bounds = array<i64: 1000, 128>}]} {
    %get3A = arith.constant 0 : index
    %get3A_0 = arith.constant 0 : index
    %get3A_1 = arith.constant 0 : index
    %get3A_2 = vector.load %arg2[%get3A, %get3A_0, %get3A_1] : memref<2x1000x16xf32, #tpu.memory_space<vmem>>, vector<1x1000x16xf32>
    %get3A_3 = vector.shape_cast %get3A_2 : vector<1x1000x16xf32> to vector<1000x16xf32>
    %get3A_4 = arith.constant 1 : index
    %get3A_5 = arith.constant 0 : index
    %get3A_6 = arith.constant 0 : index
    %get3A_7 = vector.load %arg2[%get3A_4, %get3A_5, %get3A_6] : memref<2x1000x16xf32, #tpu.memory_space<vmem>>, vector<1x1000x16xf32>
    %get3A_8 = vector.shape_cast %get3A_7 : vector<1x1000x16xf32> to vector<1000x16xf32>
    %slice3A = vector.extract_strided_slice %get3A_3 {offsets = [0, 0], sizes = [1000, 1], strides = [1, 1]} : vector<1000x16xf32> to vector<1000x1xf32>
    %slice3A_9 = vector.extract_strided_slice %get3A_8 {offsets = [0, 0], sizes = [1000, 1], strides = [1, 1]} : vector<1000x16xf32> to vector<1000x1xf32>
    %add3A = arith.addf %slice3A, %slice3A_9 : vector<1000x1xf32>
    %add3A_10 = arith.constant 1.000000e+00 : f32
    %add3A_11 = vector.broadcast %add3A_10 : f32 to vector<1000x1xf32>
    %add3A_12 = arith.addf %add3A, %add3A_11 : vector<1000x1xf32>
    %rsqrt3A = math.rsqrt %add3A_12 : vector<1000x1xf32>
    %get3A_13 = arith.constant 0 : index
    %get3A_14 = arith.constant 0 : index
    %get3A_15 = vector.load %arg1[%get3A_13, %get3A_14] : memref<1000x128xf32, #tpu.memory_space<vmem>>, vector<1000x128xf32>
    %mul3A = vector.broadcast %rsqrt3A : vector<1000x1xf32> to vector<1000x128xf32>
    %mul3A_16 = arith.mulf %get3A_15, %mul3A : vector<1000x128xf32>
    %swap3A = arith.constant 0 : index
    %swap3A_17 = arith.constant 0 : index
    %swap3A_18 = vector.load %arg3[%swap3A, %swap3A_17] : memref<1000x128xf32, #tpu.memory_space<vmem>>, vector<1000x128xf32>
    tpu.vector_store %arg3[%swap3A, %swap3A_17], %mul3A_16 {strides = array<i32>} : memref<1000x128xf32, #tpu.memory_space<vmem>>, vector<1000x128xf32>,
    return
  }
  func.func @transform_0(%arg0: i32) -> (i32, i32) {
    %c0_i32 = arith.constant 0 : i32
    %c0_i32_0 = arith.constant 0 : i32
    return %arg0, %c0_i32 : i32, i32
  }
  func.func @transform_1(%arg0: i32) -> (i32, i32, i32) {
    %c0_i32 = arith.constant 0 : i32
    %c0_i32_0 = arith.constant 0 : i32
    %c0_i32_1 = arith.constant 0 : i32
    return %c0_i32, %arg0, %c0_i32_0 : i32, i32, i32
  }
  func.func @transform_2(%arg0: i32) -> (i32, i32) {
    %c0_i32 = arith.constant 0 : i32
    %c0_i32_0 = arith.constant 0 : i32
    return %arg0, %c0_i32 : i32, i32
  }
}

module attributes {stable_mosaic.version = 14 : i64} {
  func.func @body(%arg0: i32, %arg1: memref<1000x128xf32, #tpu.memory_space<vmem>>, %arg2: memref<128x128xf32, #tpu.memory_space<vmem>>, %arg3: memref<1000x128xf32, #tpu.memory_space<vmem>>) attributes {dimension_semantics = [#tpu.dimension_semantics<arbitrary>], iteration_bounds = array<i64: 10>, scalar_prefetch = 0 : i64, scratch_operands = 0 : i64, tpu.core_type = #tpu.core_type<tc>, window_params = [{transform_indices = @transform_0, window_bounds = array<i64: 1000, 128>}, {pipeline_mode = #tpu.pipeline_mode<synchronous>, transform_indices = @transform_1, window_bounds = array<i64: 128, 128>}, {transform_indices = @transform_2, window_bounds = array<i64: 1000, 128>}]} {
    %get3A = arith.constant 0 : index
    %get3A_0 = arith.constant 0 : index
    %get3A_1 = vector.load %arg1[%get3A, %get3A_0] : memref<1000x128xf32, #tpu.memory_space<vmem>>, vector<1000x128xf32>
    %get3A_2 = arith.constant 0 : index
    %get3A_3 = arith.constant 0 : index
    %get3A_4 = vector.load %arg2[%get3A_2, %get3A_3] : memref<128x128xf32, #tpu.memory_space<vmem>>, vector<128x128xf32>
    %dot_general3A = arith.constant dense<0.000000e+00> : vector<1000x128xf32>
    %dot_general3A_5 = tpu.matmul %get3A_1, %get3A_4, %dot_general3A {dimension_numbers = #tpu.dot_dimension_numbers<[1], [0], [0], [1], [0, 0, 1, 1], [], []>, transpose_lhs_hint = false} : vector<1000x128xf32>, vector<128x128xf32>, vector<1000x128xf32> -> vector<1000x128xf32>
    %swap3A = arith.constant 0 : index
    %swap3A_6 = arith.constant 0 : index
    %swap3A_7 = vector.load %arg3[%swap3A, %swap3A_6] : memref<1000x128xf32, #tpu.memory_space<vmem>>, vector<1000x128xf32>
    tpu.vector_store %arg3[%swap3A, %swap3A_6], %dot_general3A_5 {strides = array<i32>} : memref<1000x128xf32, #tpu.memory_space<vmem>>, vector<1000x128xf32>,
    return
  }
  func.func @transform_0(%arg0: i32) -> (i32, i32) {
    %c0_i32 = arith.constant 0 : i32
    %c0_i32_0 = arith.constant 0 : i32
    return %arg0, %c0_i32 : i32, i32
  }
  func.func @transform_1(%arg0: i32) -> (i32, i32) {
    %c0_i32 = arith.constant 0 : i32
    %c0_i32_0 = arith.constant 0 : i32
    %c0_i32_1 = arith.constant 0 : i32
    return %c0_i32, %c0_i32_0 : i32, i32
  }
  func.func @transform_2(%arg0: i32) -> (i32, i32) {
    %c0_i32 = arith.constant 0 : i32
    %c0_i32_0 = arith.constant 0 : i32
    return %arg0, %c0_i32 : i32, i32
  }
}

module attributes {stable_mosaic.version = 14 : i64} {
  func.func @body(%arg0: i32, %arg1: memref<1x1000x128xf32, #tpu.memory_space<vmem>>, %arg2: memref<1x1000x128xf32, #tpu.memory_space<vmem>>, %arg3: memref<1000x128xf32, #tpu.memory_space<vmem>>, %arg4: memref<2x1000x16xf32, #tpu.memory_space<vmem>>, %arg5: memref<128x16xf32, #tpu.memory_space<vmem>>, %arg6: memref<1x128xf32, #tpu.memory_space<vmem>>, %arg7: memref<1x1xf32, #tpu.memory_space<vmem>>, %arg8: memref<1000x16xf32, #tpu.memory_space<vmem>>) attributes {dimension_semantics = [#tpu.dimension_semantics<arbitrary>], iteration_bounds = array<i64: 10>, scalar_prefetch = 0 : i64, scratch_operands = 0 : i64, tpu.core_type = #tpu.core_type<tc>, window_params = [{transform_indices = @transform_0, window_bounds = array<i64: 1, 1000, 128>}, {transform_indices = @transform_1, window_bounds = array<i64: 1, 1000, 128>}, {transform_indices = @transform_2, window_bounds = array<i64: 1000, 128>}, {transform_indices = @transform_3, window_bounds = array<i64: 2, 1000, 16>}, {pipeline_mode = #tpu.pipeline_mode<synchronous>, transform_indices = @transform_4, window_bounds = array<i64: 128, 16>}, {pipeline_mode = #tpu.pipeline_mode<synchronous>, transform_indices = @transform_5, window_bounds = array<i64: 1, 128>}, {pipeline_mode = #tpu.pipeline_mode<synchronous>, transform_indices = @transform_6, window_bounds = array<i64: 1, 1>}, {transform_indices = @transform_7, window_bounds = array<i64: 1000, 16>}]} {
    %get3A = arith.constant 0 : index
    %get3A_0 = arith.constant 0 : index
    %get3A_1 = arith.constant 0 : index
    %get3A_2 = vector.load %arg4[%get3A, %get3A_0, %get3A_1] : memref<2x1000x16xf32, #tpu.memory_space<vmem>>, vector<1x1000x16xf32>
    %get3A_3 = vector.shape_cast %get3A_2 : vector<1x1000x16xf32> to vector<1000x16xf32>
    %get3A_4 = arith.constant 1 : index
    %get3A_5 = arith.constant 0 : index
    %get3A_6 = arith.constant 0 : index
    %get3A_7 = vector.load %arg4[%get3A_4, %get3A_5, %get3A_6] : memref<2x1000x16xf32, #tpu.memory_space<vmem>>, vector<1x1000x16xf32>
    %get3A_8 = vector.shape_cast %get3A_7 : vector<1x1000x16xf32> to vector<1000x16xf32>
    %slice3A = vector.extract_strided_slice %get3A_3 {offsets = [0, 0], sizes = [1000, 1], strides = [1, 1]} : vector<1000x16xf32> to vector<1000x1xf32>
    %slice3A_9 = vector.extract_strided_slice %get3A_8 {offsets = [0, 0], sizes = [1000, 1], strides = [1, 1]} : vector<1000x16xf32> to vector<1000x1xf32>
    %add3A = arith.addf %slice3A, %slice3A_9 : vector<1000x1xf32>
    %add3A_10 = arith.constant 1.000000e+00 : f32
    %add3A_11 = vector.broadcast %add3A_10 : f32 to vector<1000x1xf32>
    %add3A_12 = arith.addf %add3A, %add3A_11 : vector<1000x1xf32>
    %rsqrt3A = math.rsqrt %add3A_12 : vector<1000x1xf32>
    %get3A_13 = arith.constant 0 : index
    %get3A_14 = arith.constant 0 : index
    %get3A_15 = arith.constant 0 : index
    %get3A_16 = vector.load %arg1[%get3A_13, %get3A_14, %get3A_15] : memref<1x1000x128xf32, #tpu.memory_space<vmem>>, vector<1x1000x128xf32>
    %get3A_17 = vector.shape_cast %get3A_16 : vector<1x1000x128xf32> to vector<1000x128xf32>
    %get3A_18 = arith.constant 0 : index
    %get3A_19 = arith.constant 0 : index
    %get3A_20 = arith.constant 0 : index
    %get3A_21 = vector.load %arg2[%get3A_18, %get3A_19, %get3A_20] : memref<1x1000x128xf32, #tpu.memory_space<vmem>>, vector<1x1000x128xf32>
    %get3A_22 = vector.shape_cast %get3A_21 : vector<1x1000x128xf32> to vector<1000x128xf32>
    %add3A_23 = arith.addf %get3A_17, %get3A_22 : vector<1000x128xf32>
    %get3A_24 = arith.constant 0 : index
    %get3A_25 = arith.constant 0 : index
    %get3A_26 = vector.load %arg3[%get3A_24, %get3A_25] : memref<1000x128xf32, #tpu.memory_space<vmem>>, vector<1000x128xf32>
    %add3A_27 = arith.addf %add3A_23, %get3A_26 : vector<1000x128xf32>
    %mul3A = vector.broadcast %rsqrt3A : vector<1000x1xf32> to vector<1000x128xf32>
    %mul3A_28 = arith.mulf %add3A_27, %mul3A : vector<1000x128xf32>
    %get3A_29 = arith.constant 0 : index
    %get3A_30 = arith.constant 0 : index
    %get3A_31 = vector.load %arg6[%get3A_29, %get3A_30] : memref<1x128xf32, #tpu.memory_space<vmem>>, vector<1x128xf32>
    %add3A_32 = vector.broadcast %get3A_31 : vector<1x128xf32> to vector<1000x128xf32>
    %add3A_33 = arith.addf %mul3A_28, %add3A_32 : vector<1000x128xf32>
    %ge3A = arith.constant 0.000000e+00 : f32
    %ge3A_34 = vector.broadcast %ge3A : f32 to vector<1000x128xf32>
    %ge3A_35 = arith.cmpf oge, %add3A_33, %ge3A_34 : vector<1000x128xf32>
    %get3A_36 = arith.constant 0 : index
    %get3A_37 = arith.constant 0 : index
    %get3A_38 = vector.load %arg7[%get3A_36, %get3A_37] : memref<1x1xf32, #tpu.memory_space<vmem>>, vector<1x1xf32>
    %mul3A_39 = vector.broadcast %get3A_38 : vector<1x1xf32> to vector<1000x128xf32>
    %mul3A_40 = arith.mulf %add3A_33, %mul3A_39 : vector<1000x128xf32>
    %select_n3A = arith.select %ge3A_35, %add3A_33, %mul3A_40 : vector<1000x128xi1>, vector<1000x128xf32>
    %get3A_41 = arith.constant 0 : index
    %get3A_42 = arith.constant 0 : index
    %get3A_43 = vector.load %arg5[%get3A_41, %get3A_42] : memref<128x16xf32, #tpu.memory_space<vmem>>, vector<128x16xf32>
    %dot_general3A = arith.constant dense<0.000000e+00> : vector<1000x16xf32>
    %dot_general3A_44 = tpu.matmul %select_n3A, %get3A_43, %dot_general3A {dimension_numbers = #tpu.dot_dimension_numbers<[1], [0], [0], [1], [0, 0, 1, 1], [], []>, transpose_lhs_hint = false} : vector<1000x128xf32>, vector<128x16xf32>, vector<1000x16xf32> -> vector<1000x16xf32>
    %mul3A_45 = vector.broadcast %rsqrt3A : vector<1000x1xf32> to vector<1000x16xf32>
    %mul3A_46 = arith.mulf %dot_general3A_44, %mul3A_45 : vector<1000x16xf32>
    %swap3A = arith.constant 0 : index
    %swap3A_47 = arith.constant 0 : index
    %swap3A_48 = vector.load %arg8[%swap3A, %swap3A_47] : memref<1000x16xf32, #tpu.memory_space<vmem>>, vector<1000x16xf32>
    tpu.vector_store %arg8[%swap3A, %swap3A_47], %mul3A_46 {strides = array<i32>} : memref<1000x16xf32, #tpu.memory_space<vmem>>, vector<1000x16xf32>,
    return
  }
  func.func @transform_0(%arg0: i32) -> (i32, i32, i32) {
    %c0_i32 = arith.constant 0 : i32
    %c0_i32_0 = arith.constant 0 : i32
    %c0_i32_1 = arith.constant 0 : i32
    return %c0_i32, %arg0, %c0_i32_0 : i32, i32, i32
  }
  func.func @transform_1(%arg0: i32) -> (i32, i32, i32) {
    %c1_i32 = arith.constant 1 : i32
    %c0_i32 = arith.constant 0 : i32
    %c0_i32_0 = arith.constant 0 : i32
    return %c1_i32, %arg0, %c0_i32 : i32, i32, i32
  }
  func.func @transform_2(%arg0: i32) -> (i32, i32) {
    %c0_i32 = arith.constant 0 : i32
    %c0_i32_0 = arith.constant 0 : i32
    return %arg0, %c0_i32 : i32, i32
  }
  func.func @transform_3(%arg0: i32) -> (i32, i32, i32) {
    %c0_i32 = arith.constant 0 : i32
    %c0_i32_0 = arith.constant 0 : i32
    %c0_i32_1 = arith.constant 0 : i32
    return %c0_i32, %arg0, %c0_i32_0 : i32, i32, i32
  }
  func.func @transform_4(%arg0: i32) -> (i32, i32) {
    %c0_i32 = arith.constant 0 : i32
    %c0_i32_0 = arith.constant 0 : i32
    %c0_i32_1 = arith.constant 0 : i32
    return %c0_i32, %c0_i32_0 : i32, i32
  }
  func.func @transform_5(%arg0: i32) -> (i32, i32) {
    %c0_i32 = arith.constant 0 : i32
    %c0_i32_0 = arith.constant 0 : i32
    %c0_i32_1 = arith.constant 0 : i32
    return %c0_i32, %c0_i32_0 : i32, i32
  }
  func.func @transform_6(%arg0: i32) -> (i32, i32) {
    %c0_i32 = arith.constant 0 : i32
    %c0_i32_0 = arith.constant 0 : i32
    %c0_i32_1 = arith.constant 0 : i32
    return %c0_i32, %c0_i32_0 : i32, i32
  }
  func.func @transform_7(%arg0: i32) -> (i32, i32) {
    %c0_i32 = arith.constant 0 : i32
    %c0_i32_0 = arith.constant 0 : i32
    return %arg0, %c0_i32 : i32, i32
  }
}

module attributes {stable_mosaic.version = 14 : i64} {
  func.func @body(%arg0: i32, %arg1: memref<1x1000x16xf32, #tpu.memory_space<vmem>>, %arg2: memref<1x1000x16xf32, #tpu.memory_space<vmem>>, %arg3: memref<1000x16xf32, #tpu.memory_space<vmem>>, %arg4: memref<2x1000x16xf32, #tpu.memory_space<vmem>>, %arg5: memref<1x16xf32, #tpu.memory_space<vmem>>, %arg6: memref<16x40xf32, #tpu.memory_space<vmem>>, %arg7: memref<1x40xf32, #tpu.memory_space<vmem>>, %arg8: memref<1x1xf32, #tpu.memory_space<vmem>>, %arg9: memref<1000x16xf32, #tpu.memory_space<vmem>>, %arg10: memref<1000x40xf32, #tpu.memory_space<vmem>>) attributes {dimension_semantics = [#tpu.dimension_semantics<arbitrary>], iteration_bounds = array<i64: 10>, scalar_prefetch = 0 : i64, scratch_operands = 0 : i64, tpu.core_type = #tpu.core_type<tc>, window_params = [{transform_indices = @transform_0, window_bounds = array<i64: 1, 1000, 16>}, {transform_indices = @transform_1, window_bounds = array<i64: 1, 1000, 16>}, {transform_indices = @transform_2, window_bounds = array<i64: 1000, 16>}, {transform_indices = @transform_3, window_bounds = array<i64: 2, 1000, 16>}, {pipeline_mode = #tpu.pipeline_mode<synchronous>, transform_indices = @transform_4, window_bounds = array<i64: 1, 16>}, {pipeline_mode = #tpu.pipeline_mode<synchronous>, transform_indices = @transform_5, window_bounds = array<i64: 16, 40>}, {pipeline_mode = #tpu.pipeline_mode<synchronous>, transform_indices = @transform_6, window_bounds = array<i64: 1, 40>}, {pipeline_mode = #tpu.pipeline_mode<synchronous>, transform_indices = @transform_7, window_bounds = array<i64: 1, 1>}, {transform_indices = @transform_8, window_bounds = array<i64: 1000, 16>}, {transform_indices = @transform_9, window_bounds = array<i64: 1000, 40>}]} {
    %get3A = arith.constant 0 : index
    %get3A_0 = arith.constant 0 : index
    %get3A_1 = arith.constant 0 : index
    %get3A_2 = vector.load %arg4[%get3A, %get3A_0, %get3A_1] : memref<2x1000x16xf32, #tpu.memory_space<vmem>>, vector<1x1000x16xf32>
    %get3A_3 = vector.shape_cast %get3A_2 : vector<1x1000x16xf32> to vector<1000x16xf32>
    %get3A_4 = arith.constant 1 : index
    %get3A_5 = arith.constant 0 : index
    %get3A_6 = arith.constant 0 : index
    %get3A_7 = vector.load %arg4[%get3A_4, %get3A_5, %get3A_6] : memref<2x1000x16xf32, #tpu.memory_space<vmem>>, vector<1x1000x16xf32>
    %get3A_8 = vector.shape_cast %get3A_7 : vector<1x1000x16xf32> to vector<1000x16xf32>
    %slice3A = vector.extract_strided_slice %get3A_3 {offsets = [0, 0], sizes = [1000, 1], strides = [1, 1]} : vector<1000x16xf32> to vector<1000x1xf32>
    %slice3A_9 = vector.extract_strided_slice %get3A_8 {offsets = [0, 0], sizes = [1000, 1], strides = [1, 1]} : vector<1000x16xf32> to vector<1000x1xf32>
    %add3A = arith.addf %slice3A, %slice3A_9 : vector<1000x1xf32>
    %add3A_10 = arith.constant 1.000000e+00 : f32
    %add3A_11 = vector.broadcast %add3A_10 : f32 to vector<1000x1xf32>
    %add3A_12 = arith.addf %add3A, %add3A_11 : vector<1000x1xf32>
    %rsqrt3A = math.rsqrt %add3A_12 : vector<1000x1xf32>
    %get3A_13 = arith.constant 0 : index
    %get3A_14 = arith.constant 0 : index
    %get3A_15 = arith.constant 0 : index
    %get3A_16 = vector.load %arg1[%get3A_13, %get3A_14, %get3A_15] : memref<1x1000x16xf32, #tpu.memory_space<vmem>>, vector<1x1000x16xf32>
    %get3A_17 = vector.shape_cast %get3A_16 : vector<1x1000x16xf32> to vector<1000x16xf32>
    %get3A_18 = arith.constant 0 : index
    %get3A_19 = arith.constant 0 : index
    %get3A_20 = arith.constant 0 : index
    %get3A_21 = vector.load %arg2[%get3A_18, %get3A_19, %get3A_20] : memref<1x1000x16xf32, #tpu.memory_space<vmem>>, vector<1x1000x16xf32>
    %get3A_22 = vector.shape_cast %get3A_21 : vector<1x1000x16xf32> to vector<1000x16xf32>
    %add3A_23 = arith.addf %get3A_17, %get3A_22 : vector<1000x16xf32>
    %get3A_24 = arith.constant 0 : index
    %get3A_25 = arith.constant 0 : index
    %get3A_26 = vector.load %arg3[%get3A_24, %get3A_25] : memref<1000x16xf32, #tpu.memory_space<vmem>>, vector<1000x16xf32>
    %add3A_27 = arith.addf %add3A_23, %get3A_26 : vector<1000x16xf32>
    %mul3A = vector.broadcast %rsqrt3A : vector<1000x1xf32> to vector<1000x16xf32>
    %mul3A_28 = arith.mulf %add3A_27, %mul3A : vector<1000x16xf32>
    %get3A_29 = arith.constant 0 : index
    %get3A_30 = arith.constant 0 : index
    %get3A_31 = vector.load %arg5[%get3A_29, %get3A_30] : memref<1x16xf32, #tpu.memory_space<vmem>>, vector<1x16xf32>
    %add3A_32 = vector.broadcast %get3A_31 : vector<1x16xf32> to vector<1000x16xf32>
    %add3A_33 = arith.addf %mul3A_28, %add3A_32 : vector<1000x16xf32>
    %ge3A = arith.constant 0.000000e+00 : f32
    %ge3A_34 = vector.broadcast %ge3A : f32 to vector<1000x16xf32>
    %ge3A_35 = arith.cmpf oge, %add3A_33, %ge3A_34 : vector<1000x16xf32>
    %get3A_36 = arith.constant 0 : index
    %get3A_37 = arith.constant 0 : index
    %get3A_38 = vector.load %arg8[%get3A_36, %get3A_37] : memref<1x1xf32, #tpu.memory_space<vmem>>, vector<1x1xf32>
    %mul3A_39 = vector.broadcast %get3A_38 : vector<1x1xf32> to vector<1000x16xf32>
    %mul3A_40 = arith.mulf %add3A_33, %mul3A_39 : vector<1000x16xf32>
    %select_n3A = arith.select %ge3A_35, %add3A_33, %mul3A_40 : vector<1000x16xi1>, vector<1000x16xf32>
    %swap3A = arith.constant 0 : index
    %swap3A_41 = arith.constant 0 : index
    %swap3A_42 = vector.load %arg9[%swap3A, %swap3A_41] : memref<1000x16xf32, #tpu.memory_space<vmem>>, vector<1000x16xf32>
    tpu.vector_store %arg9[%swap3A, %swap3A_41], %select_n3A {strides = array<i32>} : memref<1000x16xf32, #tpu.memory_space<vmem>>, vector<1000x16xf32>,
    %get3A_43 = arith.constant 0 : index
    %get3A_44 = arith.constant 0 : index
    %get3A_45 = vector.load %arg6[%get3A_43, %get3A_44] : memref<16x40xf32, #tpu.memory_space<vmem>>, vector<16x40xf32>
    %dot_general3A = arith.constant dense<0.000000e+00> : vector<1000x40xf32>
    %dot_general3A_46 = tpu.matmul %select_n3A, %get3A_45, %dot_general3A {dimension_numbers = #tpu.dot_dimension_numbers<[1], [0], [0], [1], [0, 0, 1, 1], [], []>, transpose_lhs_hint = false} : vector<1000x16xf32>, vector<16x40xf32>, vector<1000x40xf32> -> vector<1000x40xf32>
    %get3A_47 = arith.constant 0 : index
    %get3A_48 = arith.constant 0 : index
    %get3A_49 = vector.load %arg7[%get3A_47, %get3A_48] : memref<1x40xf32, #tpu.memory_space<vmem>>, vector<1x40xf32>
    %add3A_50 = vector.broadcast %get3A_49 : vector<1x40xf32> to vector<1000x40xf32>
    %add3A_51 = arith.addf %dot_general3A_46, %add3A_50 : vector<1000x40xf32>
    %swap3A_52 = arith.constant 0 : index
    %swap3A_53 = arith.constant 0 : index
    %swap3A_54 = vector.load %arg10[%swap3A_52, %swap3A_53] : memref<1000x40xf32, #tpu.memory_space<vmem>>, vector<1000x40xf32>
    tpu.vector_store %arg10[%swap3A_52, %swap3A_53], %add3A_51 {strides = array<i32>} : memref<1000x40xf32, #tpu.memory_space<vmem>>, vector<1000x40xf32>,
    return
  }
  func.func @transform_0(%arg0: i32) -> (i32, i32, i32) {
    %c0_i32 = arith.constant 0 : i32
    %c0_i32_0 = arith.constant 0 : i32
    %c0_i32_1 = arith.constant 0 : i32
    return %c0_i32, %arg0, %c0_i32_0 : i32, i32, i32
  }
  func.func @transform_1(%arg0: i32) -> (i32, i32, i32) {
    %c1_i32 = arith.constant 1 : i32
    %c0_i32 = arith.constant 0 : i32
    %c0_i32_0 = arith.constant 0 : i32
    return %c1_i32, %arg0, %c0_i32 : i32, i32, i32
  }
  func.func @transform_2(%arg0: i32) -> (i32, i32) {
    %c0_i32 = arith.constant 0 : i32
    %c0_i32_0 = arith.constant 0 : i32
    return %arg0, %c0_i32 : i32, i32
  }
  func.func @transform_3(%arg0: i32) -> (i32, i32, i32) {
    %c0_i32 = arith.constant 0 : i32
    %c0_i32_0 = arith.constant 0 : i32
    %c0_i32_1 = arith.constant 0 : i32
    return %c0_i32, %arg0, %c0_i32_0 : i32, i32, i32
  }
  func.func @transform_4(%arg0: i32) -> (i32, i32) {
    %c0_i32 = arith.constant 0 : i32
    %c0_i32_0 = arith.constant 0 : i32
    %c0_i32_1 = arith.constant 0 : i32
    return %c0_i32, %c0_i32_0 : i32, i32
  }
  func.func @transform_5(%arg0: i32) -> (i32, i32) {
    %c0_i32 = arith.constant 0 : i32
    %c0_i32_0 = arith.constant 0 : i32
    %c0_i32_1 = arith.constant 0 : i32
    return %c0_i32, %c0_i32_0 : i32, i32
  }
  func.func @transform_6(%arg0: i32) -> (i32, i32) {
    %c0_i32 = arith.constant 0 : i32
    %c0_i32_0 = arith.constant 0 : i32
    %c0_i32_1 = arith.constant 0 : i32
    return %c0_i32, %c0_i32_0 : i32, i32
  }
  func.func @transform_7(%arg0: i32) -> (i32, i32) {
    %c0_i32 = arith.constant 0 : i32
    %c0_i32_0 = arith.constant 0 : i32
    %c0_i32_1 = arith.constant 0 : i32
    return %c0_i32, %c0_i32_0 : i32, i32
  }
  func.func @transform_8(%arg0: i32) -> (i32, i32) {
    %c0_i32 = arith.constant 0 : i32
    %c0_i32_0 = arith.constant 0 : i32
    return %arg0, %c0_i32 : i32, i32
  }
  func.func @transform_9(%arg0: i32) -> (i32, i32) {
    %c0_i32 = arith.constant 0 : i32
    %c0_i32_0 = arith.constant 0 : i32
    return %arg0, %c0_i32 : i32, i32
  }
}

</mosaic_0001>

<sc_bundles>
// kernel: kernel.12.cloned.1.call-start
scs
__scs_entry_jumppad:
0x0: {  	(pc) =	sbr.rel $0x88, $3  }
0x1: {  	(tag) =	ssettag $0x0;
	lr =	simm.s32 $0x1  }
0x2: {  	[smem:$0x3F98] =	sst lr;
	_ =	strace $0xD0000000  }
0x3: {  	_ = 	snop  }
0x4: {  	_ = 	snop  }
0x5: {  	_ = 	snop  }
0x6: {  	_ = 	snop  }
0x7: {  	_ = 	snop  }
__scs_overlays_trampoline_lowered:
0x8: {  	[smem:$0x3FA7] =	sst s0  }
0x9: {  	[smem:$0x3FA8] =	sst s1  }
0xa: {  	[smem:$0x3FA9] =	sst s2  }
0xb: {  	[smem:$0x3FAA] =	sst s3  }
0xc: {  	[smem:$0x3FAB] =	sst s4  }
0xd: {  	[smem:$0x3FAC] =	sst s5  }
0xe: {  	[smem:$0x3FAD] =	sst s6  }
0xf: {  	[smem:$0x3FAE] =	sst s7  }
0x10: {  	[smem:$0x3FAF] =	sst s8  }
0x11: {  	[smem:$0x3FB0] =	sst s9;
	s0 =	simm.s32 @!p0 $0x0  }
0x12: {  	s1 =	sld [smem:$0x3F96];
	s0 =	simm.s32 @p0 $0x1  }
0x13: {  	[smem:$0x3FB1] =	sst s0;
	s0 =	simm.s32 @!p1 $0x0  }
0x14: {  	s2 =	sld [smem:$0x3F95];
	s0 =	simm.s32 @p1 $0x1  }
0x15: {  	[smem:$0x3FB2] =	sst s0;
	s0 =	simm.s32 @!p2 $0x0  }
0x16: {  	s3 =	sld [smem:$0x3FDB];
	s0 =	simm.s32 @p2 $0x1  }
0x17: {  	s4 =	simm.s32 $0x1BF5;
	[smem:$0x3FB4] =	sst s0  }
0x18: {  	s0 =	sld [smem:$0x3F97];
	_ =	swait.ge [sflag:s4], $0x0  }
0x19: {  	s7 =	sld [smem:$0x3F98]  }
0x1a: {  	s8 =	sadd.s32 $0xFFFFE003, lr  }
0x1b: {  	s9 =	sadd.s32 $0xFFFFFEF7, lr;
	s5 =	simm.s32 $0xFFFFFFFF;
	p2 =	slt.u32 s8, $0xFFFFF086  }
0x1c: {  	p1 =	slt.u32 s9, $0xF7A;
	s5 =	simm.s32 @!p2 $0x0  }
0x1d: {  	s5 =	simm.s32 @p1 $0x1;
	p0 =	seq.s32 s7, s2  }
0x1e: {  	s7 =	smul.u32 @!p0 $0xF7A, s2;
	p2 =	seq.s32 @!p0 s5, $0x0  }
0x1f: {  	s9 =	smul.u32 $0xF7A, s1;
	s8 =	simm.s32 @!p0 $0x1BF5;
	p2 =	por !p2, p0  }
0x20: {  	[sflag:s8] =	ssyncset.s32 @!p0 $0xFFFFF086;
	s6 =	sadd.s32 @!p0 s3, s7;
	s7 =	simm.s32 @!p0 $0x108  }
0x21: {  	s3 =	sadd.s32 s3, s9;
	s6 =	sadd.s32 @!p0 $0x88, s6;
	s7 =	simm.s32 @p2 $0x1082  }
0x22: {  	[simem:s7], [sflag:s8] =	dma.local @!p0 [hbm:s6], $0xF7A  }
0x23: {  	s9 =	sor.u32 $0xD0000000, s2;
	s6 =	simm.s32 $0x108;
	_ =	swait.ge @!p0 [sflag:s8], $0x0  }
0x24: {  	s3 =	sadd.s32 $0x88, s3;
	s6 =	simm.s32 @!p1 $0x1082;
	[sflag:s4] =	ssyncset.s32 $0xFFFFF086  }
0x25: {  	[simem:s6], [sflag:s4] =	dma.local [hbm:s3], $0xF7A  }
0x26: {  	[smem:$0x3F98] =	sst s1;
	(tag) =	ssettag s2;
	_ =	strace s9  }
0x27: {  	s1 =	sld [smem:$0x3FA8]  }
0x28: {  	s2 =	sld [smem:$0x3FA9]  }
0x29: {  	s4 =	sld [smem:$0x3FAB]  }
0x2a: {  	p0 =	seq.s32 s5, $0x0;
	s5 =	sld [smem:$0x3FAC]  }
0x2b: {  	s6 =	sld [smem:$0x3FAD]  }
0x2c: {  	s7 =	sld [smem:$0x3FAE]  }
0x2d: {  	s3 =	simm.s32 $0x108;
	s8 =	sld [smem:$0x3FAF]  }
0x2e: {  	s3 =	simm.s32 @!p0 $0x1082;
	s9 =	sld [smem:$0x3FB0]  }
0x2f: {  	lr =	sadd.s32 s0, s3;
	s0 =	sld [smem:$0x3FA7]  }
0x30: {  	s3 =	sld [smem:$0x3FAA]  }
0x31: {  	[smem:$0x3FB3] =	sst s10  }
0x32: {  	s10 =	sld [smem:$0x3FB1];
	_ =	sdelay $0x3  }
0x33: {  	p0 =	seq.s32 s10, $0x1;
	s10 =	sld [smem:$0x3FB3];
	_ =	sdelay $0x3  }
0x34: {  	[smem:$0x3FB3] =	sst s10  }
0x35: {  	s10 =	sld [smem:$0x3FB2];
	_ =	sdelay $0x3  }
0x36: {  	p1 =	seq.s32 s10, $0x1;
	s10 =	sld [smem:$0x3FB3];
	_ =	sdelay $0x3  }
0x37: {  	[smem:$0x3FB3] =	sst s10  }
0x38: {  	s10 =	sld [smem:$0x3FB4]  }
0x39: {  	_ = 	snop;
	(pc) =	sbr.ind lr, $3  }
0x3a: {  	_ = 	snop  }
0x3b: {  	_ = 	snop  }
0x3c: {  	p2 =	seq.s32 s10, $0x1;
	s10 =	sld [smem:$0x3FB3]  }
0x3d: {  	_ =	shalt  }
0x3e: {  	_ =	shalt  }
0x3f: {  	_ =	shalt  }
0x40: {  	_ =	shalt  }
0x41: {  	_ =	shalt  }
0x42: {  	_ =	shalt  }
0x43: {  	_ =	shalt  }
0x44: {  	_ =	shalt  }
0x45: {  	_ =	shalt  }
0x46: {  	_ =	shalt  }
0x47: {  	_ =	shalt  }
0x48: {  	_ =	shalt  }
0x49: {  	_ =	shalt  }
0x4a: {  	_ =	shalt  }
0x4b: {  	_ =	shalt  }
0x4c: {  	_ =	shalt  }
0x4d: {  	_ =	shalt  }
0x4e: {  	_ =	shalt  }
0x4f: {  	_ =	shalt  }
0x50: {  	_ =	shalt  }
0x51: {  	_ =	shalt  }
0x52: {  	_ =	shalt  }
0x53: {  	_ =	shalt  }
0x54: {  	_ =	shalt  }
0x55: {  	_ =	shalt  }
0x56: {  	_ =	shalt  }
0x57: {  	_ =	shalt  }
0x58: {  	_ =	shalt  }
0x59: {  	_ =	shalt  }
0x5a: {  	_ =	shalt  }
0x5b: {  	_ =	shalt  }
0x5c: {  	_ =	shalt  }
0x5d: {  	_ =	shalt  }
0x5e: {  	_ =	shalt  }
0x5f: {  	_ =	shalt  }
0x60: {  	_ =	shalt  }
0x61: {  	_ =	shalt  }
0x62: {  	_ =	shalt  }
0x63: {  	_ =	shalt  }
0x64: {  	_ =	shalt  }
0x65: {  	_ =	shalt  }
0x66: {  	_ =	shalt  }
0x67: {  	_ =	shalt  }
0x68: {  	_ =	shalt  }
0x69: {  	_ =	shalt  }
0x6a: {  	_ =	shalt  }
0x6b: {  	_ =	shalt  }
0x6c: {  	_ =	shalt  }
0x6d: {  	_ =	shalt  }
0x6e: {  	_ =	shalt  }
0x6f: {  	_ =	shalt  }
0x70: {  	_ =	shalt  }
0x71: {  	_ =	shalt  }
0x72: {  	_ =	shalt  }
0x73: {  	_ =	shalt  }
0x74: {  	_ =	shalt  }
0x75: {  	_ =	shalt  }
0x76: {  	_ =	shalt  }
0x77: {  	_ =	shalt  }
0x78: {  	_ =	shalt  }
0x79: {  	_ =	shalt  }
0x7a: {  	_ =	shalt  }
0x7b: {  	_ =	shalt  }
0x7c: {  	_ =	shalt  }
0x7d: {  	_ =	shalt  }
0x7e: {  	_ =	shalt  }
0x7f: {  	_ =	shalt  }
0x80: {  	_ =	shalt  }
0x81: {  	_ =	shalt  }
0x82: {  	_ =	shalt  }
0x83: {  	_ =	shalt  }
0x84: {  	_ =	shalt  }
0x85: {  	_ =	shalt  }
0x86: {  	_ =	shalt  }
0x87: {  	_ =	shalt  }
.Lfunc_end0:
.L_simem_size_0:
called_computation.1_lowered:
.L_overlay_start_0:
0x88: {  	s2 =	sld [smem:$0x3FD9]  }
0x89: {  	s3 =	sld [smem:$0x3FFE];
	_ =	sdelay $0x1  }
0x8a: {  	s1 =	srdreg.scid  }
0x8b: {  	s0 =	sand.u32 $0x1, s1  }
0x8c: {  	s16 =	sshll.u32 s0, $0xA;
	s2 =	sadd.s32 s3, s2  }
0x8d: {  	s2 =	sadd.s32 s2, s16  }
0x8e: {  	[smem:$0x3FBF] =	sst s2  }
0x8f: {  	_ = 	snop  }
0x90: {  	(tm) =	ssettm $0x1  }
0x91: {  	s17 =	sld [smem:$0x3FFB];
	_ =	sdelay $0x3  }
0x92: {  	_ =	strace s17  }
0x93: {  	s2 =	sld [smem:$0x3FFC];
	_ =	sdelay $0x3  }
0x94: {  	_ =	strace s2  }
0x95: {  	s2 =	sld [smem:$0x3FFD];
	_ =	sdelay $0x3  }
0x96: {  	_ =	strace s2  }
0x97: {  	_ =	strace $0x8FFFFFFF  }
0x98: {  	s18 =	sld [smem:$0x3FDB];
	_ =	sdelay $0x1  }
0x99: {  	s19 =	simm.s32 $_scs_section_size  }
0x9a: {  	s4 =	simm.s32 $_size__tile_overlayer_lowered;
	s5 =	simm.s32 $_tile_overlayer_lowered  }
0x9b: {  	s22 =	simm.s32 $0x1BFF;
	s21 =	sshll.u32 s5, $0x1;
	s2 =	sadd.s32 s19, s18  }
0x9c: {  	s6 =	simm.s32 $0x0;
	s20 =	sshll.u32 s4, $0x1;
	s4 =	sadd.s32 s21, s2  }
0x9d: {  	[timem:s6], [sflag:s22] =	dma.local [hbm:s4], s20  }
0x9e: {  	_ =	swait.ge [sflag:s22], s20  }
0x9f: {  	s3 =	ssub.s32 $0x0, s20;
	[sflag:s22] =	ssyncset.done $0x0  }
0xa0: {  	[sflag:s22] =	ssyncadd.s32 s3;
	_ =	sdelay $0x1  }
0xa1: {  	s23 =	simm.s32 $0x1B8B  }
0xa2: {  	_ =	swait.ge [sflag:s23], $0x1  }
0xa3: {  	[sflag:s23] =	ssyncset.done $0x0  }
0xa4: {  	s25 =	simm.s32 $0x1B8E;
	s24 =	sld [smem:$0x3FFE];
	[sflag:s23] =	ssyncadd.s32 $0xFFFFFFFF  }
0xa5: {  	s26 =	simm.s32 $execute0_lowered;
	[smem:$0x3FD2] =	sst s25  }
0xa6: {  	s4 =	sshll.u32 s26, $0x1;
	_ =	strace $0x80000049;
	[dreg:$0x1] =	wrdreg $0xFFFFFFFF  }
0xa7: {  	s28 =	simm.s32 $_size_execute0_lowered;
	s2 =	sadd.s32 s2, s4;
	[dreg:$0x0] =	wrdreg $0x0  }
0xa8: {  	s4 =	sshll.u32 s28, $0x1;
	[dreg:$0x2] =	wrdreg s2  }
0xa9: {  	[dreg:$0x3] =	wrdreg s4  }
0xaa: {  	[dreg:$0x4] =	wrdreg $0xC0  }
0xab: {  	_ =	task [dreg:s6], $0x5FFFF  }
0xac: {  	[dreg:$0x1] =	wrdreg $0xFFFFFFFF  }
0xad: {  	[dreg:$0x0] =	wrdreg $0x60  }
0xae: {  	[dreg:$0x2] =	wrdreg s24  }
0xaf: {  	[dreg:$0x3] =	wrdreg $0xB2200  }
0xb0: {  	[dreg:$0x4] =	wrdreg $0x9  }
0xb1: {  	_ =	task.clear_ibuf [dreg:s6], $0x5FFFF;
	_ =	strace $0x90000049  }
0xb2: {  	s29 =	simm.s32 $0x9;
	_ =	strace $0x8000004B  }
0xb3: {  	_ =	swait.ge [sflag:s29], $0x1  }
0xb4: {  	[sflag:s29] =	ssyncadd.s32 $0xFFFFFFFF  }
0xb5: {  	_ =	strace $0x9000004B  }
0xb6: {  	_ =	sfence  }
0xb7: {  	s30 =	sld [smem:$0x0];
	_ =	sdelay $0x2  }
0xb8: {  	s31 =	sshll.u32 s1, $0xD;
	s1 =	sshrl.u32 s1, $0x2  }
0xb9: {  	s3 =	sand.u32 $0x4000, s31;
	s1 =	sadd.s32 s1, s30  }
0xba: {  	s0 =	sor.u32 s3, s0;
	s1 =	sshll.u32 s1, $0x11  }
0xbb: {  	s0 =	sor.u32 s1, s0  }
0xbc: {  	s0 =	sadd.s32 $0x8F2B, s0  }
0xbd: {  	[sflag:s0] =	ssyncadd.remote.s32 $0x1  }
0xbe: {  	_ =	sfence.sel $0xFFFF  }
0xbf: {  	[dreg:$0x0] =	wrdreg $0xFFFFFFFF;
	(pc) =	sbr.abs _section_cstart, $3  }
0xc0: {  	[dreg:$0x1] =	wrdreg $0xFFFFFFFF  }
0xc1: {  	_ =	task.clear_ibuf [dreg:s6], $0x2FFFF;
	_ =	strace $0x9FFFFFFF  }
0xc2: {  	(tm) =	ssettm $0x7FFFFFFF  }
0xc3: {  	_ =	shalt  }
tec
execute0_lowered:
.L_overlay_start_1:
0x0: {  	(tag) =	ssettag $0x1  }
0x1: {  	s0 =	srdreg.scid;
	s4 =	stileid.u32  }
0x2: {  	s5 =	rddreg [dreg:$0x0];
	s8 =	smul.u32 $0x4F000, s4  }
0x3: {  	s2 =	rddreg [dreg:$0x1];
	s3 =	simm.s32 $0x0;
	s28 =	simm.s32 $0x4  }
0x4: {  	s29 =	simm.s32 $0x28;
	s30 =	simm.s32 $0x8A20;
	s8 =	sshrl.u32 s8, $0x2  }
0x5: {  	s31 =	simm.s32 $0x5;
	s0 =	sand.u32 $0x1, s0;
	s8 =	sadd.s32 s8, s2  }
0x6: {  	s6 =	smul.u32 $0x13C00, s4;
	[smem:$0x7FF] =	sst s3;
	s10 =	sadd.s32 $0x1400, s8  }
0x7: {  	_ =	strace $0x8000004A;
	s11 =	sadd.s32 $0x2800, s8;
	[dreg:$0x3] =	wrdreg s10  }
0x8: {  	s1 =	sshll.u32 s0, $0x4;
	s12 =	sadd.s32 $0x3C00, s8;
	[dreg:$0x4] =	wrdreg s11  }
0x9: {  	s7 =	smul.u32 $0x13C000, s0;
	s13 =	sadd.s32 $0x5000, s8;
	[dreg:$0x5] =	wrdreg s12  }
0xa: {  	s0 =	ssub.s32 $0x2, s0;
	s14 =	sadd.s32 $0x6400, s8;
	[dreg:$0x6] =	wrdreg s13  }
0xb: {  	s1 =	sor.u32 s4, s1;
	s15 =	sadd.s32 $0x7800, s8;
	[dreg:$0x7] =	wrdreg s14  }
0xc: {  	s4 =	sadd.s32 $0x65400, s5;
	s16 =	sadd.s32 $0x8C00, s8;
	[dreg:$0x8] =	wrdreg s15  }
0xd: {  	s9 =	sshrl.u32 s0, $0x1;
	s17 =	sadd.s32 $0xA000, s8;
	[dreg:$0x9] =	wrdreg s16  }
0xe: {  	s1 =	smul.u32 $0x4E2, s1;
	s18 =	sadd.s32 $0xB400, s8;
	[dreg:$0xa] =	wrdreg s17  }
0xf: {  	s7 =	sadd.s32 s6, s7;
	s19 =	sadd.s32 $0xC800, s8;
	[dreg:$0xb] =	wrdreg s18  }
0x10: {  	s0 =	ssub.s32 s0, s9;
	s20 =	sadd.s32 $0xDC00, s8;
	[dreg:$0xc] =	wrdreg s19  }
0x11: {  	s9 =	simm.s32 $0xA;
	s21 =	sadd.s32 $0xF000, s8;
	[dreg:$0xd] =	wrdreg s20  }
0x12: {  	s7 =	sshrl.u32 s7, $0x3;
	s22 =	sadd.s32 $0x10400, s8;
	[dreg:$0xe] =	wrdreg s21  }
0x13: {  	s23 =	sadd.s32 $0x11800, s8;
	s24 =	sadd.s32 $0x12C00, s8;
	[dreg:$0xf] =	wrdreg s22  }
0x14: {  	s8 =	simm.s32 $0x9;
	s1 =	sadd.s32 s1, s5;
	[dreg:$0x10] =	wrdreg s23  }
0x15: {  	s7 =	sadd.s32 s7, s5;
	s5 =	sadd.s32 s6, s2;
	[dreg:$0x11] =	wrdreg s24  }
0x16: {  	s24 =	smax.u32 s0, $0x1;
	s0 =	simm.s32 $0x6;
	s6 =	simm.s32 $0x7  }
.Ltmp0:
0x17: {  	s10 =	simm.s32 $0x3;
	s25 =	sadd.s32 $0xC600, s1;
	(pc) =	sbr.rel .LBB2_1-.Ltmp0, $4  }
0x18: {  	s11 =	simm.s32 $0x7620;
	s1 =	sadd.s32 $0x2800, s1;
	[dreg:$0x12] =	wrdreg s25  }
0x19: {  	s12 =	simm.s32 $0x1;
	s26 =	sadd.s32 $0x8C600, s7;
	[dreg:$0x13] =	wrdreg s1  }
0x1a: {  	s13 =	simm.s32 $0x6220;
	s7 =	simm.s32 $0x8;
	[dreg:$0x14] =	wrdreg s26  }
0x1b: {  	v0 =	vimm.f32 $0.0e+00;
	s25 =	simm.s32 $0x4E20;
	s26 =	simm.s32 $0xB;
	s1 =	simm.s32 $0x9E20  }
.LBB2_14:
0x1c: {  	_ =	swait.ge [sflag:s0], $0x1400  }
0x1d: {  	[sflag:s0] =	ssyncset.done $0x0  }
0x1e: {  	[sflag:s0] =	ssyncadd.s32 $0xFFFFEC00  }
0x1f: {  	_ =	swait.ge [sflag:s6], $0x1400  }
0x20: {  	[sflag:s6] =	ssyncset.done $0x0  }
0x21: {  	[sflag:s6] =	ssyncadd.s32 $0xFFFFEC00  }
0x22: {  	_ =	swait.ge [sflag:s7], $0x1400  }
0x23: {  	[sflag:s7] =	ssyncset.done $0x0  }
0x24: {  	[sflag:s7] =	ssyncadd.s32 $0xFFFFEC00  }
0x25: {  	_ =	swait.ge [sflag:s8], $0x1400  }
0x26: {  	[sflag:s8] =	ssyncset.done $0x0  }
0x27: {  	[sflag:s8] =	ssyncadd.s32 $0xFFFFEC00  }
0x28: {  	_ =	swait.ge [sflag:s9], $0x1400  }
0x29: {  	s14 =	stileid.u32;
	[sflag:s9] =	ssyncset.done $0x0  }
0x2a: {  	s15 =	sshrl.u32 s5, $0x3;
	s3 =	sadd.s32 $0x1, s3;
	[sflag:s9] =	ssyncadd.s32 $0xFFFFEC00  }
0x2b: {  	s14 =	sshll.u32 s14, $0x6;
	p0 =	sne.s32 s3, s24;
	[bflag:$0x0] =	sbarrier.arrive $0xFFFF  }
.Ltmp1:
0x2c: {  	s14 =	sor.u32 $0x1C0B, s14;
	s16 =	rddreg [dreg:$0x14];
	(pc) =	sbr.rel @!p0 .LBB2_15-.Ltmp1, $4  }
0x2d: {  	[hbm:s16], [sflag:s14] =	dma.local [spmem:s15], $0x2780  }
0x2e: {  	_ =	swait.ge [sflag:s26], $0x2780  }
0x2f: {  	[sflag:s26] =	ssyncset.done $0x0  }
0x30: {  	[sflag:s26] =	ssyncadd.s32 $0xFFFFD880  }
.LBB2_1:
0x31: {  	s14 =	simm.s32 $0x0;
	s15 =	simm.s32 $0x200  }
.LBB2_2:
0x32: {  	p0 =	sne.s32 s15, $0x4E00;
	[tilespmem:s14+$0x4E90] =	vst v0  }
0x33: {  	[tilespmem:s14+$0x4E20] =	vst v0  }
0x34: {  	[tilespmem:s14+$0x4E30] =	vst v0  }
.Ltmp2:
0x35: {  	[tilespmem:s14+$0x4E40] =	vst v0;
	(pc) =	sbr.rel @p0 .LBB2_2-.Ltmp2, $4  }
0x36: {  	[tilespmem:s14+$0x4E50] =	vst v0  }
0x37: {  	[tilespmem:s14+$0x4E60] =	vst v0  }
0x38: {  	[tilespmem:s14+$0x4E70] =	vst v0  }
0x39: {  	[tilespmem:s14+$0x4E80] =	vst v0;
	s14 =	sshra.s32 s15, $0x2;
	s15 =	sadd.s32 $0x200, s15  }
0x3a: {  	[tilespmem:s14+$0x4E90] =	vst v0  }
0x3b: {  	[tilespmem:s14+$0x4E20] =	vst v0  }
0x3c: {  	[tilespmem:s14+$0x4E30] =	vst v0  }
0x3d: {  	[tilespmem:s14+$0x4E40] =	vst v0  }
0x3e: {  	[tilespmem:s14+$0x4E50] =	vst v0  }
0x3f: {  	[tilespmem:s14+$0x4E60] =	vst v0  }
0x40: {  	[tilespmem:s14+$0x4E70] =	vst v0  }
0x41: {  	[tilespmem:s14+$0x4E80] =	vst v0  }
0x42: {  	[spmem:s5] =	stream.linear.scatter [tilespmem:s25], [sflag:$0xB], $0x1400, $0x38;
	[tilespmem:$0x1EE20] =	vst v63  }
0x43: {  	_ =	swait.ge [sflag:s26], $0x1400  }
0x44: {  	[sflag:s26] =	ssyncset.done $0x0  }
0x45: {  	s18 =	rddreg [dreg:$0x3];
	[sflag:s26] =	ssyncadd.s32 $0xFFFFEC00  }
0x46: {  	[spmem:s18] =	stream.linear.scatter [tilespmem:s25], [sflag:$0xB], $0x1400, $0x38;
	[tilespmem:$0x1EE20] =	vst v63  }
0x47: {  	_ =	swait.ge [sflag:s26], $0x1400  }
0x48: {  	[sflag:s26] =	ssyncset.done $0x0  }
0x49: {  	s19 =	rddreg [dreg:$0x4];
	[sflag:s26] =	ssyncadd.s32 $0xFFFFEC00  }
0x4a: {  	[spmem:s19] =	stream.linear.scatter [tilespmem:s25], [sflag:$0xB], $0x1400, $0x38;
	[tilespmem:$0x1EE20] =	vst v63  }
0x4b: {  	_ =	swait.ge [sflag:s26], $0x1400  }
0x4c: {  	[sflag:s26] =	ssyncset.done $0x0  }
0x4d: {  	s20 =	rddreg [dreg:$0x5];
	[sflag:s26] =	ssyncadd.s32 $0xFFFFEC00  }
0x4e: {  	[spmem:s20] =	stream.linear.scatter [tilespmem:s25], [sflag:$0xB], $0x1400, $0x38;
	[tilespmem:$0x1EE20] =	vst v63  }
0x4f: {  	_ =	swait.ge [sflag:s26], $0x1400  }
0x50: {  	[sflag:s26] =	ssyncset.done $0x0  }
0x51: {  	s21 =	rddreg [dreg:$0x6];
	[sflag:s26] =	ssyncadd.s32 $0xFFFFEC00  }
0x52: {  	[spmem:s21] =	stream.linear.scatter [tilespmem:s25], [sflag:$0xB], $0x1400, $0x38;
	[tilespmem:$0x1EE20] =	vst v63  }
0x53: {  	_ =	swait.ge [sflag:s26], $0x1400  }
0x54: {  	[sflag:s26] =	ssyncset.done $0x0  }
0x55: {  	s22 =	rddreg [dreg:$0x7];
	[sflag:s26] =	ssyncadd.s32 $0xFFFFEC00  }
0x56: {  	[spmem:s22] =	stream.linear.scatter [tilespmem:s25], [sflag:$0xB], $0x1400, $0x38;
	[tilespmem:$0x1EE20] =	vst v63  }
0x57: {  	_ =	swait.ge [sflag:s26], $0x1400  }
0x58: {  	[sflag:s26] =	ssyncset.done $0x0  }
0x59: {  	s23 =	rddreg [dreg:$0x8];
	[sflag:s26] =	ssyncadd.s32 $0xFFFFEC00  }
0x5a: {  	[spmem:s23] =	stream.linear.scatter [tilespmem:s25], [sflag:$0xB], $0x1400, $0x38;
	[tilespmem:$0x1EE20] =	vst v63  }
0x5b: {  	_ =	swait.ge [sflag:s26], $0x1400  }
0x5c: {  	[sflag:s26] =	ssyncset.done $0x0  }
0x5d: {  	s15 =	rddreg [dreg:$0x9];
	[sflag:s26] =	ssyncadd.s32 $0xFFFFEC00  }
0x5e: {  	[spmem:s15] =	stream.linear.scatter [tilespmem:s25], [sflag:$0xB], $0x1400, $0x38;
	[tilespmem:$0x1EE20] =	vst v63  }
0x5f: {  	_ =	swait.ge [sflag:s26], $0x1400  }
0x60: {  	[sflag:s26] =	ssyncset.done $0x0  }
0x61: {  	s16 =	rddreg [dreg:$0xa];
	[sflag:s26] =	ssyncadd.s32 $0xFFFFEC00  }
0x62: {  	[spmem:s16] =	stream.linear.scatter [tilespmem:s25], [sflag:$0xB], $0x1400, $0x38;
	[tilespmem:$0x1EE20] =	vst v63  }
0x63: {  	_ =	swait.ge [sflag:s26], $0x1400  }
0x64: {  	[sflag:s26] =	ssyncset.done $0x0  }
0x65: {  	s17 =	rddreg [dreg:$0xb];
	[sflag:s26] =	ssyncadd.s32 $0xFFFFEC00  }
0x66: {  	[spmem:s17] =	stream.linear.scatter [tilespmem:s25], [sflag:$0xB], $0x1400, $0x38;
	[tilespmem:$0x1EE20] =	vst v63  }
0x67: {  	_ =	swait.ge [sflag:s26], $0x1400  }
0x68: {  	[sflag:s26] =	ssyncset.done $0x0  }
0x69: {  	s18 =	rddreg [dreg:$0xc];
	[sflag:s26] =	ssyncadd.s32 $0xFFFFEC00  }
0x6a: {  	[spmem:s18] =	stream.linear.scatter [tilespmem:s25], [sflag:$0xB], $0x1400, $0x38;
	[tilespmem:$0x1EE20] =	vst v63  }
0x6b: {  	_ =	swait.ge [sflag:s26], $0x1400  }
0x6c: {  	[sflag:s26] =	ssyncset.done $0x0  }
0x6d: {  	s19 =	rddreg [dreg:$0xd];
	[sflag:s26] =	ssyncadd.s32 $0xFFFFEC00  }
0x6e: {  	[spmem:s19] =	stream.linear.scatter [tilespmem:s25], [sflag:$0xB], $0x1400, $0x38;
	[tilespmem:$0x1EE20] =	vst v63  }
0x6f: {  	_ =	swait.ge [sflag:s26], $0x1400  }
0x70: {  	[sflag:s26] =	ssyncset.done $0x0  }
0x71: {  	s20 =	rddreg [dreg:$0xe];
	[sflag:s26] =	ssyncadd.s32 $0xFFFFEC00  }
0x72: {  	[spmem:s20] =	stream.linear.scatter [tilespmem:s25], [sflag:$0xB], $0x1400, $0x38;
	[tilespmem:$0x1EE20] =	vst v63  }
0x73: {  	_ =	swait.ge [sflag:s26], $0x1400  }
0x74: {  	[sflag:s26] =	ssyncset.done $0x0  }
0x75: {  	s21 =	rddreg [dreg:$0xf];
	[sflag:s26] =	ssyncadd.s32 $0xFFFFEC00  }
0x76: {  	[spmem:s21] =	stream.linear.scatter [tilespmem:s25], [sflag:$0xB], $0x1400, $0x38;
	[tilespmem:$0x1EE20] =	vst v63  }
0x77: {  	_ =	swait.ge [sflag:s26], $0x1400  }
0x78: {  	[sflag:s26] =	ssyncset.done $0x0  }
0x79: {  	s22 =	rddreg [dreg:$0x10];
	[sflag:s26] =	ssyncadd.s32 $0xFFFFEC00  }
0x7a: {  	[spmem:s22] =	stream.linear.scatter [tilespmem:s25], [sflag:$0xB], $0x1400, $0x38;
	[tilespmem:$0x1EE20] =	vst v63  }
0x7b: {  	_ =	swait.ge [sflag:s26], $0x1400  }
0x7c: {  	[sflag:s26] =	ssyncset.done $0x0  }
0x7d: {  	s23 =	rddreg [dreg:$0x11];
	[sflag:s26] =	ssyncadd.s32 $0xFFFFEC00  }
0x7e: {  	[spmem:s23] =	stream.linear.scatter [tilespmem:s25], [sflag:$0xB], $0x1000, $0x38;
	[tilespmem:$0x1EE20] =	vst v63  }
0x7f: {  	_ =	swait.ge [sflag:s26], $0x1000  }
0x80: {  	[sflag:s26] =	ssyncset.done $0x0  }
0x81: {  	s14 =	simm.s32 $0x0;
	s15 =	rddreg [dreg:$0x12];
	[sflag:s26] =	ssyncadd.s32 $0xFFFFF000  }
0x82: {  	[tilespmem:s14], [sflag:$0xB] =	stream.linear.gather [hbm4b:s15+s14], $0x2710, $0x38;
	[tilespmem:$0x1EE20] =	vst v63  }
0x83: {  	_ =	swait.ge [sflag:s26], $0x2710  }
0x84: {  	[sflag:s26] =	ssyncset.done $0x0  }
0x85: {  	s15 =	simm.s32 $0x2710;
	s16 =	rddreg [dreg:$0x13];
	[sflag:s26] =	ssyncadd.s32 $0xFFFFD8F0  }
0x86: {  	[tilespmem:s15], [sflag:$0xB] =	stream.linear.gather [hbm4b:s16+s14], $0x2710, $0x38;
	[tilespmem:$0x1EE20] =	vst v63  }
0x87: {  	_ =	swait.ge [sflag:s26], $0x2710  }
0x88: {  	[sflag:s26] =	ssyncset.done $0x0  }
0x89: {  	[sflag:s26] =	ssyncadd.s32 $0xFFFFD8F0  }
0x8a: {  	s17 =	simm.s32 $0xFFFFFFFB;
	s16 =	simm.s32 $0xA0;
	[bflag:$0x0] =	sbarrier.arrive $0xFFFF  }
.LBB2_4:
0x8b: {  	p0 =	sgt.u32 s17, $0xF4  }
0x8c: {  	s18 =	simm.s32 @!p0 $0x6  }
0x8d: {  	_ =	swait.ge @!p0 [sflag:s18], $0x1400  }
0x8e: {  	[sflag:s18] =	ssyncset.done @!p0 $0x0  }
0x8f: {  	[sflag:s18] =	ssyncadd.s32 @!p0 $0xFFFFEC00;
	p0 =	seq.s32 s17, $0xF5  }
0x90: {  	s18 =	sadd.s32 @!p0 $0xFFFFFF60, s16;
	s19 =	simm.s32 @!p0 $0x28;
	s20 =	simm.s32 @!p0 $0x4E20  }
0x91: {  	[tilespmem:s20], [sflag:$0x1] =	stream.indirect.gather @!p0 [hbm4b:s4+s19], $0x80, s18, s19, $0xb8;
	[tilespmem:$0x1EE20] =	vst v63  }
0x92: {  	s18 =	sadd.s32 @!p0 $0x3, s17  }
0x93: {  	p1 =	sgt.u32 @!p0 s18, $0xF9  }
0x94: {  	p1 =	por p0, !p1  }
.Ltmp3:
0x95: {  	_ = 	snop;
	(pc) =	sbr.rel @!p1 .LBB2_6-.Ltmp3, $2  }
0x96: {  	_ =	sdelay $0x2  }
0x97: {  	s20 =	smul.u32 $0x5, s14  }
0x98: {  	s18 =	simm.s32 @p0 $0xF8  }
0x99: {  	s21 =	smul.u32 $0xA0, s18  }
0x9a: {  	_ =	swait.ge [sflag:s28], $0x1400  }
0x9b: {  	s23 =	sadd.s32 $0x1, s17;
	[sflag:s28] =	ssyncset.done $0x0;
	s21 =	sshra.s32 s21, $0x2  }
0x9c: {  	p1 =	sgt.u32 s23, $0xF4;
	[sflag:s28] =	ssyncadd.s32 $0xFFFFEC00;
	s21 =	sadd.s32 $0x2710, s21  }
0x9d: {  	[spmem:s2] =	stream.indirect.scatter.add.f32 [tilespmem:s30], [sflag:$0x9], $0x80, s21, s29, $0xb8;
	[tilespmem:$0x1EE20] =	vst v63  }
0x9e: {  	s21 =	simm.s32 @!p1 $0x7  }
0x9f: {  	_ =	swait.ge @!p1 [sflag:s21], $0x1400  }
.Ltmp4:
0xa0: {  	[sflag:s21] =	ssyncset.done @!p1 $0x0;
	(pc) =	sbr.rel .LBB2_8-.Ltmp4, $4  }
0xa1: {  	s22 =	simm.s32 @!p0 $0x6220;
	[sflag:s21] =	ssyncadd.s32 @!p1 $0xFFFFEC00;
	s21 =	sadd.s32 @!p0 $0xFFFFFF88, s16  }
0xa2: {  	[tilespmem:s22], [sflag:$0x2] =	stream.indirect.gather @!p0 [hbm4b:s4+s19], $0x80, s21, s19, $0xb8;
	[tilespmem:$0x1EE20] =	vst v63  }
0xa3: {  	s19 =	sadd.s32 @!p0 $0x4, s17  }
0xa4: {  	s20 =	sadd.s32 $0x1, s20;
	s19 =	simm.s32 @p0 $0xF9  }
.LBB2_6:
0xa5: {  	s23 =	sadd.s32 $0x4, s17  }
0xa6: {  	p1 =	sgt.u32 s23, $0xF9  }
.Ltmp5:
0xa7: {  	_ = 	snop;
	(pc) =	sbr.rel @p1 .LBB2_10-.Ltmp5, $3  }
0xa8: {  	_ =	sdelay $0x1  }
0xa9: {  	s19 =	sadd.s32 $0xFFFFFF88, s16  }
0xaa: {  	[tilespmem:s13], [sflag:$0x2] =	stream.indirect.gather [hbm4b:s4+s29], $0x80, s19, s29, $0xb8;
	[tilespmem:$0x1EE20] =	vst v63  }
0xab: {  	s20 =	sadd.s32 $0x1, s20;
	s19 =	simm.s32 $0x0  }
.LBB2_8:
0xac: {  	s21 =	smul.u32 $0xA0, s19;
	_ =	swait.ge [sflag:s31], $0x1400  }
0xad: {  	s23 =	sadd.s32 $0x2, s17;
	[sflag:s31] =	ssyncset.done $0x0  }
0xae: {  	p1 =	sgt.u32 s23, $0xF4;
	s21 =	sshra.s32 s21, $0x2;
	[sflag:s31] =	ssyncadd.s32 $0xFFFFEC00  }
.Ltmp6:
0xaf: {  	s22 =	simm.s32 @!p1 $0x8;
	s21 =	sadd.s32 $0x2710, s21;
	(pc) =	sbr.rel @!p0 .LBB2_11-.Ltmp6, $4  }
0xb0: {  	[spmem:s2] =	stream.indirect.scatter.add.f32 [tilespmem:s1], [sflag:$0xA], $0x80, s21, s29, $0xb8;
	[tilespmem:$0x1EE20] =	vst v63  }
0xb1: {  	_ =	swait.ge @!p1 [sflag:s22], $0x1400  }
0xb2: {  	[sflag:s22] =	ssyncset.done @!p1 $0x0  }
0xb3: {  	s21 =	sadd.s32 $0x7, s17;
	[sflag:s22] =	ssyncadd.s32 @!p1 $0xFFFFEC00  }
.Ltmp7:
0xb4: {  	(pc) =	sbr.rel .LBB2_12-.Ltmp7, $2  }
0xb5: {  	_ =	sdelay $0x2  }
0xb6: {  	s20 =	sadd.s32 $0x6, s17  }
.LBB2_10:
0xb7: {  	s20 =	sadd.s32 $0x6, s17;
	s21 =	simm.s32 $0x2;
	s19 =	simm.s32 $0xFFFFFFFF  }
.LBB2_11:
0xb8: {  	s22 =	smul.u32 $0xA0, s21;
	_ =	sdelay $0x1  }
0xb9: {  	s22 =	sshra.s32 s22, $0x2  }
0xba: {  	[tilespmem:s11], [sflag:$0x3] =	stream.indirect.gather [hbm4b:s4+s29], $0x80, s22, s29, $0xb8;
	[tilespmem:$0x1EE20] =	vst v63  }
0xbb: {  	_ =	swait.ge [sflag:s12], $0x1400  }
0xbc: {  	[sflag:s12] =	ssyncset.done $0x0  }
0xbd: {  	[sflag:s12] =	ssyncadd.s32 $0xFFFFEC00  }
0xbe: {  	[spmem:s2] =	stream.indirect.scatter.add.f32 [tilespmem:s25], [sflag:$0x6], $0x80, s15, s29, $0xb8;
	[tilespmem:$0x1EE20] =	vst v63  }
.LBB2_12:
0xbf: {  	p1 =	sgt.u32 s18, $0xF4  }
0xc0: {  	s18 =	simm.s32 @!p1 $0x9  }
0xc1: {  	_ =	swait.ge @!p1 [sflag:s18], $0x1400  }
0xc2: {  	s22 =	simm.s32 @!p0 $0x28;
	[sflag:s18] =	ssyncset.done @!p1 $0x0  }
0xc3: {  	s23 =	simm.s32 @!p0 $0x8A20;
	[sflag:s18] =	ssyncadd.s32 @!p1 $0xFFFFEC00;
	s18 =	sadd.s32 @!p0 $0xFFFFFFD8, s16  }
0xc4: {  	[tilespmem:s23], [sflag:$0x4] =	stream.indirect.gather @!p0 [hbm4b:s4+s22], $0x80, s18, s22, $0xb8;
	[tilespmem:$0x1EE20] =	vst v63  }
0xc5: {  	s20 =	smul.u32 @!p0 $0xA0, s20;
	s18 =	simm.s32 @!p0 $0x2  }
0xc6: {  	_ =	swait.ge @!p0 [sflag:s18], $0x1400  }
0xc7: {  	s20 =	sshra.s32 @!p0 s20, $0x2;
	[sflag:s18] =	ssyncset.done @!p0 $0x0  }
0xc8: {  	[sflag:s18] =	ssyncadd.s32 @!p0 $0xFFFFEC00;
	s18 =	sadd.s32 @!p0 $0x2710, s20;
	s20 =	simm.s32 @!p0 $0x6220  }
0xc9: {  	[spmem:s2] =	stream.indirect.scatter.add.f32 @!p0 [tilespmem:s20], [sflag:$0x7], $0x80, s18, s22, $0xb8;
	[tilespmem:$0x1EE20] =	vst v63  }
.Ltmp8:
0xca: {  	p1 =	sgt.u32 s19, $0xF4;
	(pc) =	sbr.rel @p0 .LBB2_14-.Ltmp8, $4  }
0xcb: {  	s18 =	simm.s32 @!p1 $0xA  }
0xcc: {  	_ =	swait.ge @!p1 [sflag:s18], $0x1400  }
0xcd: {  	[sflag:s18] =	ssyncset.done @!p1 $0x0  }
0xce: {  	[sflag:s18] =	ssyncadd.s32 @!p1 $0xFFFFEC00  }
0xcf: {  	[tilespmem:s1], [sflag:$0x5] =	stream.indirect.gather [hbm4b:s4+s29], $0x80, s16, s29, $0xb8;
	[tilespmem:$0x1EE20] =	vst v63  }
0xd0: {  	s18 =	smul.u32 $0xA0, s21  }
.Ltmp9:
0xd1: {  	_ = 	snop;
	(pc) =	sbr.rel .LBB2_4-.Ltmp9, $4  }
0xd2: {  	s14 =	sadd.s32 $0x1, s14;
	s16 =	sadd.s32 $0xC8, s16;
	_ =	swait.ge [sflag:s10], $0x1400  }
0xd3: {  	s15 =	sadd.s32 $0xC8, s15;
	[sflag:s10] =	ssyncset.done $0x0;
	s18 =	sshra.s32 s18, $0x2  }
0xd4: {  	s17 =	sadd.s32 $0x5, s17;
	[sflag:s10] =	ssyncadd.s32 $0xFFFFEC00;
	s18 =	sadd.s32 $0x2710, s18  }
0xd5: {  	[spmem:s2] =	stream.indirect.scatter.add.f32 [tilespmem:s11], [sflag:$0x8], $0x80, s18, s29, $0xb8;
	[tilespmem:$0x1EE20] =	vst v63  }
.LBB2_15:
0xd6: {  	_ =	sfence.sel $0x180000  }
0xd7: {  	[bflag:$0x0] =	sbarrier.arrive $0xFFFF  }
0xd8: {  	_ =	strace $0x9000004A  }
0xd9: {  	s0 =	stileid.u32;
	[bflag:$0x2] =	sbarrier.arrive $0xFFFF  }
0xda: {  	p0 =	sne.s32 s0, $0x0;
	s0 =	rddreg [dreg:$0x2]  }
0xdb: {  	s0 =	sadd.s32 @!p0 $0x100000, s0  }
0xdc: {  	[sflag:s0] =	ssyncadd.tile.s32 @!p0 $0x1;
	_ =	shalt  }
.Lfunc_end2:
_tile_overlayer_lowered:
.L_overlay_start_2:
0xdd: {  	(tag) =	ssettag $0x2  }
0xde: {  	s0 =	rddreg [dreg:$0x0];
	s2 =	stileid.u32  }
0xdf: {  	s1 =	rddreg [dreg:$0x1];
	p0 =	sne.s32 s2, $0x0  }
0xe0: {  	s3 =	rddreg [dreg:$0x2];
	[bflag:$0x3] =	sbarrier.arrive $0xFFFF;
	s2 =	simm.s32 @!p0 $0x1C0B  }
0xe1: {  	[timem:s3], [sflag:s2] =	dma.local @!p0 [hbm:s0], s1  }
0xe2: {  	s0 =	simm.s32 @!p0 $0xB  }
0xe3: {  	_ =	swait.ge @!p0 [sflag:s0], s1  }
0xe4: {  	s1 =	ssub.s32 @!p0 $0x0, s1;
	[sflag:s0] =	ssyncset.done @!p0 $0x0  }
0xe5: {  	[sflag:s0] =	ssyncadd.s32 @!p0 s1  }
0xe6: {  	[bflag:$0x3] =	sbarrier.arrive $0xFFFF  }
0xe7: {  	_ =	shalt  }

// kernel: kernel.15.cloned.1.call-start
scs
__scs_entry_jumppad:
0x0: {  	(pc) =	sbr.rel $0x88, $3  }
0x1: {  	(tag) =	ssettag $0x0;
	lr =	simm.s32 $0x1  }
0x2: {  	[smem:$0x3F98] =	sst lr;
	_ =	strace $0xD0000000  }
0x3: {  	_ = 	snop  }
0x4: {  	_ = 	snop  }
0x5: {  	_ = 	snop  }
0x6: {  	_ = 	snop  }
0x7: {  	_ = 	snop  }
__scs_overlays_trampoline_lowered:
0x8: {  	[smem:$0x3FA7] =	sst s0  }
0x9: {  	[smem:$0x3FA8] =	sst s1  }
0xa: {  	[smem:$0x3FA9] =	sst s2  }
0xb: {  	[smem:$0x3FAA] =	sst s3  }
0xc: {  	[smem:$0x3FAB] =	sst s4  }
0xd: {  	[smem:$0x3FAC] =	sst s5  }
0xe: {  	[smem:$0x3FAD] =	sst s6  }
0xf: {  	[smem:$0x3FAE] =	sst s7  }
0x10: {  	[smem:$0x3FAF] =	sst s8  }
0x11: {  	[smem:$0x3FB0] =	sst s9;
	s0 =	simm.s32 @!p0 $0x0  }
0x12: {  	s1 =	sld [smem:$0x3F96];
	s0 =	simm.s32 @p0 $0x1  }
0x13: {  	[smem:$0x3FB1] =	sst s0;
	s0 =	simm.s32 @!p1 $0x0  }
0x14: {  	s2 =	sld [smem:$0x3F95];
	s0 =	simm.s32 @p1 $0x1  }
0x15: {  	[smem:$0x3FB2] =	sst s0;
	s0 =	simm.s32 @!p2 $0x0  }
0x16: {  	s3 =	sld [smem:$0x3FDB];
	s0 =	simm.s32 @p2 $0x1  }
0x17: {  	s4 =	simm.s32 $0x1BF5;
	[smem:$0x3FB4] =	sst s0  }
0x18: {  	s0 =	sld [smem:$0x3F97];
	_ =	swait.ge [sflag:s4], $0x0  }
0x19: {  	s7 =	sld [smem:$0x3F98]  }
0x1a: {  	s8 =	sadd.s32 $0xFFFFE003, lr  }
0x1b: {  	s9 =	sadd.s32 $0xFFFFFEF7, lr;
	s5 =	simm.s32 $0xFFFFFFFF;
	p2 =	slt.u32 s8, $0xFFFFF086  }
0x1c: {  	p1 =	slt.u32 s9, $0xF7A;
	s5 =	simm.s32 @!p2 $0x0  }
0x1d: {  	s5 =	simm.s32 @p1 $0x1;
	p0 =	seq.s32 s7, s2  }
0x1e: {  	s7 =	smul.u32 @!p0 $0xF7A, s2;
	p2 =	seq.s32 @!p0 s5, $0x0  }
0x1f: {  	s9 =	smul.u32 $0xF7A, s1;
	s8 =	simm.s32 @!p0 $0x1BF5;
	p2 =	por !p2, p0  }
0x20: {  	[sflag:s8] =	ssyncset.s32 @!p0 $0xFFFFF086;
	s6 =	sadd.s32 @!p0 s3, s7;
	s7 =	simm.s32 @!p0 $0x108  }
0x21: {  	s3 =	sadd.s32 s3, s9;
	s6 =	sadd.s32 @!p0 $0x88, s6;
	s7 =	simm.s32 @p2 $0x1082  }
0x22: {  	[simem:s7], [sflag:s8] =	dma.local @!p0 [hbm:s6], $0xF7A  }
0x23: {  	s9 =	sor.u32 $0xD0000000, s2;
	s6 =	simm.s32 $0x108;
	_ =	swait.ge @!p0 [sflag:s8], $0x0  }
0x24: {  	s3 =	sadd.s32 $0x88, s3;
	s6 =	simm.s32 @!p1 $0x1082;
	[sflag:s4] =	ssyncset.s32 $0xFFFFF086  }
0x25: {  	[simem:s6], [sflag:s4] =	dma.local [hbm:s3], $0xF7A  }
0x26: {  	[smem:$0x3F98] =	sst s1;
	(tag) =	ssettag s2;
	_ =	strace s9  }
0x27: {  	s1 =	sld [smem:$0x3FA8]  }
0x28: {  	s2 =	sld [smem:$0x3FA9]  }
0x29: {  	s4 =	sld [smem:$0x3FAB]  }
0x2a: {  	p0 =	seq.s32 s5, $0x0;
	s5 =	sld [smem:$0x3FAC]  }
0x2b: {  	s6 =	sld [smem:$0x3FAD]  }
0x2c: {  	s7 =	sld [smem:$0x3FAE]  }
0x2d: {  	s3 =	simm.s32 $0x108;
	s8 =	sld [smem:$0x3FAF]  }
0x2e: {  	s3 =	simm.s32 @!p0 $0x1082;
	s9 =	sld [smem:$0x3FB0]  }
0x2f: {  	lr =	sadd.s32 s0, s3;
	s0 =	sld [smem:$0x3FA7]  }
0x30: {  	s3 =	sld [smem:$0x3FAA]  }
0x31: {  	[smem:$0x3FB3] =	sst s10  }
0x32: {  	s10 =	sld [smem:$0x3FB1];
	_ =	sdelay $0x3  }
0x33: {  	p0 =	seq.s32 s10, $0x1;
	s10 =	sld [smem:$0x3FB3];
	_ =	sdelay $0x3  }
0x34: {  	[smem:$0x3FB3] =	sst s10  }
0x35: {  	s10 =	sld [smem:$0x3FB2];
	_ =	sdelay $0x3  }
0x36: {  	p1 =	seq.s32 s10, $0x1;
	s10 =	sld [smem:$0x3FB3];
	_ =	sdelay $0x3  }
0x37: {  	[smem:$0x3FB3] =	sst s10  }
0x38: {  	s10 =	sld [smem:$0x3FB4]  }
0x39: {  	_ = 	snop;
	(pc) =	sbr.ind lr, $3  }
0x3a: {  	_ = 	snop  }
0x3b: {  	_ = 	snop  }
0x3c: {  	p2 =	seq.s32 s10, $0x1;
	s10 =	sld [smem:$0x3FB3]  }
0x3d: {  	_ =	shalt  }
0x3e: {  	_ =	shalt  }
0x3f: {  	_ =	shalt  }
0x40: {  	_ =	shalt  }
0x41: {  	_ =	shalt  }
0x42: {  	_ =	shalt  }
0x43: {  	_ =	shalt  }
0x44: {  	_ =	shalt  }
0x45: {  	_ =	shalt  }
0x46: {  	_ =	shalt  }
0x47: {  	_ =	shalt  }
0x48: {  	_ =	shalt  }
0x49: {  	_ =	shalt  }
0x4a: {  	_ =	shalt  }
0x4b: {  	_ =	shalt  }
0x4c: {  	_ =	shalt  }
0x4d: {  	_ =	shalt  }
0x4e: {  	_ =	shalt  }
0x4f: {  	_ =	shalt  }
0x50: {  	_ =	shalt  }
0x51: {  	_ =	shalt  }
0x52: {  	_ =	shalt  }
0x53: {  	_ =	shalt  }
0x54: {  	_ =	shalt  }
0x55: {  	_ =	shalt  }
0x56: {  	_ =	shalt  }
0x57: {  	_ =	shalt  }
0x58: {  	_ =	shalt  }
0x59: {  	_ =	shalt  }
0x5a: {  	_ =	shalt  }
0x5b: {  	_ =	shalt  }
0x5c: {  	_ =	shalt  }
0x5d: {  	_ =	shalt  }
0x5e: {  	_ =	shalt  }
0x5f: {  	_ =	shalt  }
0x60: {  	_ =	shalt  }
0x61: {  	_ =	shalt  }
0x62: {  	_ =	shalt  }
0x63: {  	_ =	shalt  }
0x64: {  	_ =	shalt  }
0x65: {  	_ =	shalt  }
0x66: {  	_ =	shalt  }
0x67: {  	_ =	shalt  }
0x68: {  	_ =	shalt  }
0x69: {  	_ =	shalt  }
0x6a: {  	_ =	shalt  }
0x6b: {  	_ =	shalt  }
0x6c: {  	_ =	shalt  }
0x6d: {  	_ =	shalt  }
0x6e: {  	_ =	shalt  }
0x6f: {  	_ =	shalt  }
0x70: {  	_ =	shalt  }
0x71: {  	_ =	shalt  }
0x72: {  	_ =	shalt  }
0x73: {  	_ =	shalt  }
0x74: {  	_ =	shalt  }
0x75: {  	_ =	shalt  }
0x76: {  	_ =	shalt  }
0x77: {  	_ =	shalt  }
0x78: {  	_ =	shalt  }
0x79: {  	_ =	shalt  }
0x7a: {  	_ =	shalt  }
0x7b: {  	_ =	shalt  }
0x7c: {  	_ =	shalt  }
0x7d: {  	_ =	shalt  }
0x7e: {  	_ =	shalt  }
0x7f: {  	_ =	shalt  }
0x80: {  	_ =	shalt  }
0x81: {  	_ =	shalt  }
0x82: {  	_ =	shalt  }
0x83: {  	_ =	shalt  }
0x84: {  	_ =	shalt  }
0x85: {  	_ =	shalt  }
0x86: {  	_ =	shalt  }
0x87: {  	_ =	shalt  }
.Lfunc_end0:
.L_simem_size_0:
called_computation.2_lowered:
.L_overlay_start_0:
0x88: {  	s2 =	sld [smem:$0x3FD9]  }
0x89: {  	s3 =	sld [smem:$0x3FFE];
	_ =	sdelay $0x1  }
0x8a: {  	s1 =	srdreg.scid  }
0x8b: {  	s0 =	sand.u32 $0x1, s1  }
0x8c: {  	s14 =	sshll.u32 s0, $0xA;
	s2 =	sadd.s32 s3, s2  }
0x8d: {  	s2 =	sadd.s32 s2, s14  }
0x8e: {  	[smem:$0x3FBF] =	sst s2  }
0x8f: {  	_ = 	snop  }
0x90: {  	s2 =	sld [smem:$0x3FD0];
	_ =	sdelay $0x2  }
0x91: {  	s15 =	simm.s32 $0xA;
	s4 =	simm.s32 $0x10  }
0x92: {  	[smem:s4], [sflag:s15] =	dma.local [hbm:s2], $0x1  }
0x93: {  	_ =	swait.eq [sflag:s15], $0x1  }
0x94: {  	[sflag:s15] =	ssyncset.done $0x0  }
0x95: {  	s16 =	sld [smem:$0x10];
	[sflag:s15] =	ssyncadd.s32 $0xFFFFFFFF  }
0x96: {  	s17 =	sld [smem:$0x11];
	(tm) =	ssettm $0x1  }
0x97: {  	s18 =	sld [smem:$0x3FFB];
	_ =	sdelay $0x3  }
0x98: {  	_ =	strace s18  }
0x99: {  	s4 =	sld [smem:$0x3FFC];
	_ =	sdelay $0x3  }
0x9a: {  	_ =	strace s4  }
0x9b: {  	s4 =	sld [smem:$0x3FFD];
	_ =	sdelay $0x3  }
0x9c: {  	_ =	strace s4  }
0x9d: {  	_ =	strace $0x8FFFFFFF  }
0x9e: {  	s19 =	sld [smem:$0x3FDB];
	_ =	sdelay $0x1  }
0x9f: {  	s5 =	simm.s32 $_scs_section_size  }
0xa0: {  	s6 =	simm.s32 $_size__tile_overlayer_lowered;
	s7 =	simm.s32 $_tile_overlayer_lowered  }
0xa1: {  	s22 =	simm.s32 $0x1BFF;
	s21 =	sshll.u32 s7, $0x1;
	s4 =	sadd.s32 s5, s19  }
0xa2: {  	s8 =	simm.s32 $0x0;
	s20 =	sshll.u32 s6, $0x1;
	s6 =	sadd.s32 s21, s4  }
0xa3: {  	[timem:s8], [sflag:s22] =	dma.local [hbm:s6], s20  }
0xa4: {  	_ =	swait.ge [sflag:s22], s20  }
0xa5: {  	s5 =	ssub.s32 $0x0, s20;
	[sflag:s22] =	ssyncset.done $0x0  }
0xa6: {  	[sflag:s22] =	ssyncadd.s32 s5;
	_ =	sdelay $0x1  }
0xa7: {  	s23 =	simm.s32 $0x1B8B  }
0xa8: {  	_ =	swait.ge [sflag:s23], $0x1  }
0xa9: {  	[sflag:s23] =	ssyncset.done $0x0  }
0xaa: {  	s25 =	simm.s32 $0x1B8E;
	s24 =	sld [smem:$0x3FFE];
	[sflag:s23] =	ssyncadd.s32 $0xFFFFFFFF  }
0xab: {  	s26 =	simm.s32 $execute0_lowered;
	[smem:$0x3FD2] =	sst s25  }
0xac: {  	s6 =	sshll.u32 s26, $0x1;
	_ =	strace $0x8000004C;
	[dreg:$0x1] =	wrdreg $0xFFFFFFFF  }
0xad: {  	s28 =	simm.s32 $_size_execute0_lowered;
	s4 =	sadd.s32 s4, s6;
	[dreg:$0x0] =	wrdreg $0x0  }
0xae: {  	s6 =	sshll.u32 s28, $0x1;
	[dreg:$0x2] =	wrdreg s4  }
0xaf: {  	[dreg:$0x3] =	wrdreg s6  }
0xb0: {  	[dreg:$0x4] =	wrdreg $0xC0  }
0xb1: {  	_ =	task [dreg:s8], $0x5FFFF  }
0xb2: {  	[dreg:$0x1] =	wrdreg $0xFFFFFFFF  }
0xb3: {  	[dreg:$0x0] =	wrdreg $0x60  }
0xb4: {  	[dreg:$0x2] =	wrdreg s24  }
0xb5: {  	[dreg:$0x3] =	wrdreg s16  }
0xb6: {  	[dreg:$0x4] =	wrdreg s17  }
0xb7: {  	[dreg:$0x5] =	wrdreg $0x7FA00  }
0xb8: {  	[dreg:$0x6] =	wrdreg $0x58200  }
0xb9: {  	[dreg:$0x7] =	wrdreg $0x9  }
0xba: {  	_ =	task.clear_ibuf [dreg:s8], $0x8FFFF;
	_ =	strace $0x9000004C  }
0xbb: {  	s29 =	simm.s32 $0x9;
	_ =	strace $0x8000004E  }
0xbc: {  	_ =	swait.ge [sflag:s29], $0x1  }
0xbd: {  	[sflag:s29] =	ssyncadd.s32 $0xFFFFFFFF  }
0xbe: {  	_ =	strace $0x9000004E  }
0xbf: {  	_ =	sfence  }
0xc0: {  	s30 =	sld [smem:$0x0];
	_ =	sdelay $0x2  }
0xc1: {  	s31 =	sshll.u32 s1, $0xD;
	s1 =	sshrl.u32 s1, $0x2  }
0xc2: {  	s3 =	sand.u32 $0x4000, s31;
	s1 =	sadd.s32 s1, s30  }
0xc3: {  	s0 =	sor.u32 s3, s0;
	s1 =	sshll.u32 s1, $0x11  }
0xc4: {  	s0 =	sor.u32 s1, s0  }
0xc5: {  	s0 =	sadd.s32 $0x8F2B, s0  }
0xc6: {  	[sflag:s0] =	ssyncadd.remote.s32 $0x1  }
0xc7: {  	_ =	sfence.sel $0xFFFF  }
0xc8: {  	[dreg:$0x0] =	wrdreg $0xFFFFFFFF;
	(pc) =	sbr.abs _section_cstart, $3  }
0xc9: {  	[dreg:$0x1] =	wrdreg $0xFFFFFFFF  }
0xca: {  	_ =	task.clear_ibuf [dreg:s8], $0x2FFFF;
	_ =	strace $0x9FFFFFFF  }
0xcb: {  	(tm) =	ssettm $0x7FFFFFFF  }
tec
execute0_lowered:
.L_overlay_start_1:
0x0: {  	(tag) =	ssettag $0x1  }
0x1: {  	s0 =	rddreg [dreg:$0x0]  }
0x2: {  	s3 =	rddreg [dreg:$0x1]  }
0x3: {  	s6 =	rddreg [dreg:$0x2]  }
0x4: {  	s1 =	rddreg [dreg:$0x3]  }
0x5: {  	s2 =	rddreg [dreg:$0x4]  }
0x6: {  	s4 =	srdreg.scid;
	s12 =	stileid.u32  }
0x7: {  	s28 =	simm.s32 $0x4E20;
	s29 =	simm.s32 $0x9;
	s8 =	smul.u32 $0x9E00, s12  }
0x8: {  	s30 =	simm.s32 $0x2710;
	s31 =	simm.s32 $0x28;
	s7 =	sand.u32 $0x1, s4  }
0x9: {  	s4 =	simm.s32 $0x0;
	s11 =	smul.u32 $0x2780, s12;
	s8 =	sshrl.u32 s8, $0x2  }
0xa: {  	s24 =	smul.u32 $0x278, s12;
	s5 =	sshll.u32 s7, $0x4;
	s8 =	sadd.s32 s8, s1  }
0xb: {  	[smem:$0x7FF] =	sst s4;
	s9 =	ssub.s32 $0x2, s7;
	s25 =	sadd.s32 $0x280, s8  }
0xc: {  	_ =	strace $0x8000004D;
	s26 =	sadd.s32 $0x500, s8;
	[dreg:$0x6] =	wrdreg s25  }
0xd: {  	s7 =	smul.u32 $0x27800, s7;
	s13 =	sadd.s32 $0x780, s8;
	[dreg:$0x7] =	wrdreg s26  }
0xe: {  	s5 =	sor.u32 s12, s5;
	s14 =	sadd.s32 $0xA00, s8;
	[dreg:$0x8] =	wrdreg s13  }
0xf: {  	s10 =	sshrl.u32 s9, $0x1;
	s15 =	sadd.s32 $0xC80, s8;
	[dreg:$0x9] =	wrdreg s14  }
0x10: {  	s12 =	simm.s32 $0x4;
	s16 =	sadd.s32 $0xF00, s8;
	[dreg:$0xa] =	wrdreg s15  }
0x11: {  	s5 =	smul.u32 $0x4E2, s5;
	s17 =	sadd.s32 $0x1180, s8;
	[dreg:$0xb] =	wrdreg s16  }
0x12: {  	s9 =	ssub.s32 s9, s10;
	s18 =	sadd.s32 $0x1400, s8;
	[dreg:$0xc] =	wrdreg s17  }
0x13: {  	s10 =	smin.u32 s24, $0x2498;
	s19 =	sadd.s32 $0x1680, s8;
	[dreg:$0xd] =	wrdreg s18  }
0x14: {  	s7 =	sadd.s32 s11, s7;
	s20 =	sadd.s32 $0x1900, s8;
	[dreg:$0xe] =	wrdreg s19  }
0x15: {  	s21 =	sadd.s32 $0x1B80, s8;
	s22 =	sadd.s32 $0x1E00, s8;
	[dreg:$0xf] =	wrdreg s20  }
0x16: {  	s23 =	sshll.u32 s10, $0x1;
	s24 =	sadd.s32 $0x2080, s8;
	[dreg:$0x10] =	wrdreg s21  }
0x17: {  	s0 =	sadd.s32 s5, s0;
	s5 =	sadd.s32 s11, s1;
	[dreg:$0x11] =	wrdreg s22  }
0x18: {  	s3 =	sadd.s32 s3, s23;
	[dreg:$0x13] =	wrdreg s24;
	s25 =	sshrl.u32 s7, $0x3  }
0x19: {  	s21 =	sadd.s32 $0x2300, s8;
	s26 =	sshll.u32 s10, $0x4;
	s22 =	sadd.s32 $0x2580, s8  }
0x1a: {  	s7 =	simm.s32 $0x55A0;
	s8 =	simm.s32 $0x2;
	s10 =	simm.s32 $0x3  }
0x1b: {  	s11 =	simm.s32 $0x6;
	s13 =	simm.s32 $0x7;
	s14 =	simm.s32 $0x8  }
0x1c: {  	s15 =	simm.s32 $0x0;
	[dreg:$0x12] =	wrdreg s3;
	s20 =	sadd.s32 s6, s25  }
0x1d: {  	s3 =	sadd.s32 s26, s2;
	s23 =	sadd.s32 $0xC600, s0;
	s24 =	sadd.s32 $0x2800, s0  }
0x1e: {  	s25 =	smax.u32 s9, $0x1;
	s0 =	simm.s32 $0x50A0;
	s6 =	simm.s32 $0x1  }
0x1f: {  	v0 =	vimm.f32 $0.0e+00;
	s9 =	simm.s32 $0x5;
	s26 =	sshrl.u32 s3, $0x3;
	s3 =	simm.s32 $0x5320  }
.LBB2_1:
0x20: {  	[tilespmem:$0x4E20] =	vst v0  }
0x21: {  	[tilespmem:$0x4E30] =	vst v0  }
0x22: {  	[tilespmem:$0x4E40] =	vst v0  }
0x23: {  	[tilespmem:$0x4E50] =	vst v0  }
0x24: {  	[tilespmem:$0x4E60] =	vst v0  }
0x25: {  	[tilespmem:$0x4E70] =	vst v0  }
0x26: {  	[tilespmem:$0x4E80] =	vst v0  }
0x27: {  	[tilespmem:$0x4E90] =	vst v0  }
0x28: {  	[tilespmem:$0x4EA0] =	vst v0  }
0x29: {  	[tilespmem:$0x4EB0] =	vst v0  }
0x2a: {  	[tilespmem:$0x4EC0] =	vst v0  }
0x2b: {  	[tilespmem:$0x4ED0] =	vst v0  }
0x2c: {  	[tilespmem:$0x4EE0] =	vst v0  }
0x2d: {  	[tilespmem:$0x4EF0] =	vst v0  }
0x2e: {  	[tilespmem:$0x4F00] =	vst v0  }
0x2f: {  	[tilespmem:$0x4F10] =	vst v0  }
0x30: {  	[tilespmem:$0x4F20] =	vst v0  }
0x31: {  	[tilespmem:$0x4F30] =	vst v0  }
0x32: {  	[tilespmem:$0x4F40] =	vst v0  }
0x33: {  	[tilespmem:$0x4F50] =	vst v0  }
0x34: {  	[tilespmem:$0x4F60] =	vst v0  }
0x35: {  	[tilespmem:$0x4F70] =	vst v0  }
0x36: {  	[tilespmem:$0x4F80] =	vst v0  }
0x37: {  	[tilespmem:$0x4F90] =	vst v0  }
0x38: {  	[tilespmem:$0x4FA0] =	vst v0  }
0x39: {  	[tilespmem:$0x4FB0] =	vst v0  }
0x3a: {  	[tilespmem:$0x4FC0] =	vst v0  }
0x3b: {  	[tilespmem:$0x4FD0] =	vst v0  }
0x3c: {  	[tilespmem:$0x4FE0] =	vst v0  }
0x3d: {  	[tilespmem:$0x4FF0] =	vst v0  }
0x3e: {  	[tilespmem:$0x5000] =	vst v0  }
0x3f: {  	[tilespmem:$0x5010] =	vst v0  }
0x40: {  	[tilespmem:$0x5020] =	vst v0  }
0x41: {  	[tilespmem:$0x5030] =	vst v0  }
0x42: {  	[tilespmem:$0x5040] =	vst v0  }
0x43: {  	[tilespmem:$0x5050] =	vst v0  }
0x44: {  	[tilespmem:$0x5060] =	vst v0  }
0x45: {  	[tilespmem:$0x5070] =	vst v0  }
0x46: {  	[tilespmem:$0x5080] =	vst v0  }
0x47: {  	[tilespmem:$0x5090] =	vst v0  }
0x48: {  	[spmem:s5] =	stream.linear.scatter [tilespmem:s28], [sflag:$0x9], $0x280, $0x38;
	[tilespmem:$0xA720] =	vst v63  }
0x49: {  	_ =	swait.ge [sflag:s29], $0x280  }
0x4a: {  	[sflag:s29] =	ssyncset.done $0x0  }
0x4b: {  	s16 =	rddreg [dreg:$0x6];
	[sflag:s29] =	ssyncadd.s32 $0xFFFFFD80  }
0x4c: {  	[spmem:s16] =	stream.linear.scatter [tilespmem:s28], [sflag:$0x9], $0x280, $0x38;
	[tilespmem:$0xA720] =	vst v63  }
0x4d: {  	_ =	swait.ge [sflag:s29], $0x280  }
0x4e: {  	[sflag:s29] =	ssyncset.done $0x0  }
0x4f: {  	s17 =	rddreg [dreg:$0x7];
	[sflag:s29] =	ssyncadd.s32 $0xFFFFFD80  }
0x50: {  	[spmem:s17] =	stream.linear.scatter [tilespmem:s28], [sflag:$0x9], $0x280, $0x38;
	[tilespmem:$0xA720] =	vst v63  }
0x51: {  	_ =	swait.ge [sflag:s29], $0x280  }
0x52: {  	[sflag:s29] =	ssyncset.done $0x0  }
0x53: {  	s18 =	rddreg [dreg:$0x8];
	[sflag:s29] =	ssyncadd.s32 $0xFFFFFD80  }
0x54: {  	[spmem:s18] =	stream.linear.scatter [tilespmem:s28], [sflag:$0x9], $0x280, $0x38;
	[tilespmem:$0xA720] =	vst v63  }
0x55: {  	_ =	swait.ge [sflag:s29], $0x280  }
0x56: {  	[sflag:s29] =	ssyncset.done $0x0  }
0x57: {  	s19 =	rddreg [dreg:$0x9];
	[sflag:s29] =	ssyncadd.s32 $0xFFFFFD80  }
0x58: {  	[spmem:s19] =	stream.linear.scatter [tilespmem:s28], [sflag:$0x9], $0x280, $0x38;
	[tilespmem:$0xA720] =	vst v63  }
0x59: {  	_ =	swait.ge [sflag:s29], $0x280  }
0x5a: {  	[sflag:s29] =	ssyncset.done $0x0  }
0x5b: {  	s17 =	rddreg [dreg:$0xa];
	[sflag:s29] =	ssyncadd.s32 $0xFFFFFD80  }
0x5c: {  	[spmem:s17] =	stream.linear.scatter [tilespmem:s28], [sflag:$0x9], $0x280, $0x38;
	[tilespmem:$0xA720] =	vst v63  }
0x5d: {  	_ =	swait.ge [sflag:s29], $0x280  }
0x5e: {  	[sflag:s29] =	ssyncset.done $0x0  }
0x5f: {  	s18 =	rddreg [dreg:$0xb];
	[sflag:s29] =	ssyncadd.s32 $0xFFFFFD80  }
0x60: {  	[spmem:s18] =	stream.linear.scatter [tilespmem:s28], [sflag:$0x9], $0x280, $0x38;
	[tilespmem:$0xA720] =	vst v63  }
0x61: {  	_ =	swait.ge [sflag:s29], $0x280  }
0x62: {  	[sflag:s29] =	ssyncset.done $0x0  }
0x63: {  	s19 =	rddreg [dreg:$0xc];
	[sflag:s29] =	ssyncadd.s32 $0xFFFFFD80  }
0x64: {  	[spmem:s19] =	stream.linear.scatter [tilespmem:s28], [sflag:$0x9], $0x280, $0x38;
	[tilespmem:$0xA720] =	vst v63  }
0x65: {  	_ =	swait.ge [sflag:s29], $0x280  }
0x66: {  	[sflag:s29] =	ssyncset.done $0x0  }
0x67: {  	s17 =	rddreg [dreg:$0xd];
	[sflag:s29] =	ssyncadd.s32 $0xFFFFFD80  }
0x68: {  	[spmem:s17] =	stream.linear.scatter [tilespmem:s28], [sflag:$0x9], $0x280, $0x38;
	[tilespmem:$0xA720] =	vst v63  }
0x69: {  	_ =	swait.ge [sflag:s29], $0x280  }
0x6a: {  	[sflag:s29] =	ssyncset.done $0x0  }
0x6b: {  	s18 =	rddreg [dreg:$0xe];
	[sflag:s29] =	ssyncadd.s32 $0xFFFFFD80  }
0x6c: {  	[spmem:s18] =	stream.linear.scatter [tilespmem:s28], [sflag:$0x9], $0x280, $0x38;
	[tilespmem:$0xA720] =	vst v63  }
0x6d: {  	_ =	swait.ge [sflag:s29], $0x280  }
0x6e: {  	[sflag:s29] =	ssyncset.done $0x0  }
0x6f: {  	s19 =	rddreg [dreg:$0xf];
	[sflag:s29] =	ssyncadd.s32 $0xFFFFFD80  }
0x70: {  	[spmem:s19] =	stream.linear.scatter [tilespmem:s28], [sflag:$0x9], $0x280, $0x38;
	[tilespmem:$0xA720] =	vst v63  }
0x71: {  	_ =	swait.ge [sflag:s29], $0x280  }
0x72: {  	[sflag:s29] =	ssyncset.done $0x0  }
0x73: {  	s17 =	rddreg [dreg:$0x10];
	[sflag:s29] =	ssyncadd.s32 $0xFFFFFD80  }
0x74: {  	[spmem:s17] =	stream.linear.scatter [tilespmem:s28], [sflag:$0x9], $0x280, $0x38;
	[tilespmem:$0xA720] =	vst v63  }
0x75: {  	_ =	swait.ge [sflag:s29], $0x280  }
0x76: {  	[sflag:s29] =	ssyncset.done $0x0  }
0x77: {  	s18 =	rddreg [dreg:$0x11];
	[sflag:s29] =	ssyncadd.s32 $0xFFFFFD80  }
0x78: {  	[spmem:s18] =	stream.linear.scatter [tilespmem:s28], [sflag:$0x9], $0x280, $0x38;
	[tilespmem:$0xA720] =	vst v63  }
0x79: {  	_ =	swait.ge [sflag:s29], $0x280  }
0x7a: {  	[sflag:s29] =	ssyncset.done $0x0  }
0x7b: {  	s19 =	rddreg [dreg:$0x13];
	[sflag:s29] =	ssyncadd.s32 $0xFFFFFD80  }
0x7c: {  	[spmem:s19] =	stream.linear.scatter [tilespmem:s28], [sflag:$0x9], $0x280, $0x38;
	[tilespmem:$0xA720] =	vst v63  }
0x7d: {  	_ =	swait.ge [sflag:s29], $0x280  }
0x7e: {  	[sflag:s29] =	ssyncset.done $0x0  }
0x7f: {  	[sflag:s29] =	ssyncadd.s32 $0xFFFFFD80  }
0x80: {  	[spmem:s21] =	stream.linear.scatter [tilespmem:s28], [sflag:$0x9], $0x280, $0x38;
	[tilespmem:$0xA720] =	vst v63  }
0x81: {  	_ =	swait.ge [sflag:s29], $0x280  }
0x82: {  	[sflag:s29] =	ssyncset.done $0x0  }
0x83: {  	[sflag:s29] =	ssyncadd.s32 $0xFFFFFD80  }
0x84: {  	[spmem:s22] =	stream.linear.scatter [tilespmem:s28], [sflag:$0x9], $0x200, $0x38;
	[tilespmem:$0xA720] =	vst v63  }
0x85: {  	_ =	swait.ge [sflag:s29], $0x200  }
0x86: {  	[sflag:s29] =	ssyncset.done $0x0  }
0x87: {  	[sflag:s29] =	ssyncadd.s32 $0xFFFFFE00  }
0x88: {  	[tilespmem:s4], [sflag:$0x9] =	stream.linear.gather [hbm4b:s23+s4], $0x2710, $0x38;
	[tilespmem:$0xA720] =	vst v63  }
0x89: {  	_ =	swait.ge [sflag:s29], $0x2710  }
0x8a: {  	[sflag:s29] =	ssyncset.done $0x0  }
0x8b: {  	[sflag:s29] =	ssyncadd.s32 $0xFFFFD8F0  }
0x8c: {  	[tilespmem:s30], [sflag:$0x9] =	stream.linear.gather [hbm4b:s24+s4], $0x2710, $0x38;
	[tilespmem:$0xA720] =	vst v63  }
0x8d: {  	s17 =	stileid.u32;
	_ =	swait.ge [sflag:s29], $0x2710  }
0x8e: {  	s16 =	sshll.u32 s17, $0x6;
	[sflag:s29] =	ssyncset.done $0x0  }
0x8f: {  	s16 =	sor.u32 $0x1C09, s16;
	s17 =	rddreg [dreg:$0x12];
	[sflag:s29] =	ssyncadd.s32 $0xFFFFD8F0  }
0x90: {  	[spmem:s26], [sflag:s16] =	dma.local [hbm:s17], $0x4F0  }
0x91: {  	_ =	swait.ge [sflag:s29], $0x4F0  }
0x92: {  	[sflag:s29] =	ssyncset.done $0x0  }
0x93: {  	[sflag:s29] =	ssyncadd.s32 $0xFFFFFB10  }
0x94: {  	[bflag:$0x0] =	sbarrier.arrive $0xFFFF  }
0x95: {  	[tilespmem:s28], [sflag:$0x1] =	stream.indirect.gather [spmem:s2], $0x10, s4, s31, $0xb8;
	[tilespmem:$0xA720] =	vst v63  }
0x96: {  	_ = 	snop  }
0x97: {  	[tilespmem:s0], [sflag:$0x2] =	stream.indirect.gather [spmem:s2], $0x10, s31, s31, $0xb8;
	[tilespmem:$0xA720] =	vst v63  }
0x98: {  	s18 =	simm.s32 $0x50  }
0x99: {  	[tilespmem:s3], [sflag:$0x3] =	stream.indirect.gather [spmem:s2], $0x10, s18, s31, $0xb8;
	[tilespmem:$0xA720] =	vst v63  }
0x9a: {  	_ =	swait.ge [sflag:s6], $0x280  }
0x9b: {  	[sflag:s6] =	ssyncset.done $0x0  }
0x9c: {  	[sflag:s6] =	ssyncadd.s32 $0xFFFFFD80  }
0x9d: {  	[spmem:s1] =	stream.indirect.scatter.add.f32 [tilespmem:s28], [sflag:$0x5], $0x10, s30, s31, $0xb8;
	[tilespmem:$0xA720] =	vst v63  }
0x9e: {  	s19 =	simm.s32 $0x78  }
0x9f: {  	[tilespmem:s7], [sflag:$0x4] =	stream.indirect.gather [spmem:s2], $0x10, s19, s31, $0xb8;
	[tilespmem:$0xA720] =	vst v63  }
0xa0: {  	_ =	swait.ge [sflag:s8], $0x280  }
0xa1: {  	[sflag:s8] =	ssyncset.done $0x0  }
0xa2: {  	s18 =	simm.s32 $0x2738;
	[sflag:s8] =	ssyncadd.s32 $0xFFFFFD80  }
0xa3: {  	[spmem:s1] =	stream.indirect.scatter.add.f32 [tilespmem:s0], [sflag:$0x6], $0x10, s18, s31, $0xb8;
	[tilespmem:$0xA720] =	vst v63  }
0xa4: {  	_ =	swait.ge [sflag:s9], $0x280  }
0xa5: {  	[sflag:s9] =	ssyncset.done $0x0  }
0xa6: {  	s19 =	simm.s32 $0xA0;
	[sflag:s9] =	ssyncadd.s32 $0xFFFFFD80  }
0xa7: {  	[tilespmem:s28], [sflag:$0x1] =	stream.indirect.gather [spmem:s2], $0x10, s19, s31, $0xb8;
	[tilespmem:$0xA720] =	vst v63  }
0xa8: {  	_ =	swait.ge [sflag:s10], $0x280  }
0xa9: {  	[sflag:s10] =	ssyncset.done $0x0  }
0xaa: {  	s18 =	simm.s32 $0x2760;
	[sflag:s10] =	ssyncadd.s32 $0xFFFFFD80  }
0xab: {  	[spmem:s1] =	stream.indirect.scatter.add.f32 [tilespmem:s3], [sflag:$0x7], $0x10, s18, s31, $0xb8;
	[tilespmem:$0xA720] =	vst v63  }
0xac: {  	_ =	swait.ge [sflag:s11], $0x280  }
0xad: {  	[sflag:s11] =	ssyncset.done $0x0  }
0xae: {  	s19 =	simm.s32 $0xC8;
	[sflag:s11] =	ssyncadd.s32 $0xFFFFFD80  }
0xaf: {  	[tilespmem:s0], [sflag:$0x2] =	stream.indirect.gather [spmem:s2], $0x10, s19, s31, $0xb8;
	[tilespmem:$0xA720] =	vst v63  }
0xb0: {  	_ =	swait.ge [sflag:s12], $0x280  }
0xb1: {  	[sflag:s12] =	ssyncset.done $0x0  }
0xb2: {  	s18 =	simm.s32 $0x2788;
	[sflag:s12] =	ssyncadd.s32 $0xFFFFFD80  }
0xb3: {  	[spmem:s1] =	stream.indirect.scatter.add.f32 [tilespmem:s7], [sflag:$0x8], $0x10, s18, s31, $0xb8;
	[tilespmem:$0xA720] =	vst v63  }
0xb4: {  	_ =	swait.ge [sflag:s13], $0x280  }
0xb5: {  	[sflag:s13] =	ssyncset.done $0x0  }
0xb6: {  	s19 =	simm.s32 $0xF0;
	[sflag:s13] =	ssyncadd.s32 $0xFFFFFD80  }
0xb7: {  	[tilespmem:s3], [sflag:$0x3] =	stream.indirect.gather [spmem:s2], $0x10, s19, s31, $0xb8;
	[tilespmem:$0xA720] =	vst v63  }
0xb8: {  	_ =	swait.ge [sflag:s6], $0x280  }
0xb9: {  	[sflag:s6] =	ssyncset.done $0x0  }
0xba: {  	s18 =	simm.s32 $0x27B0;
	[sflag:s6] =	ssyncadd.s32 $0xFFFFFD80  }
0xbb: {  	[spmem:s1] =	stream.indirect.scatter.add.f32 [tilespmem:s28], [sflag:$0x5], $0x10, s18, s31, $0xb8;
	[tilespmem:$0xA720] =	vst v63  }
0xbc: {  	_ =	swait.ge [sflag:s14], $0x280  }
0xbd: {  	[sflag:s14] =	ssyncset.done $0x0  }
0xbe: {  	s19 =	simm.s32 $0x118;
	[sflag:s14] =	ssyncadd.s32 $0xFFFFFD80  }
0xbf: {  	[tilespmem:s7], [sflag:$0x4] =	stream.indirect.gather [spmem:s2], $0x10, s19, s31, $0xb8;
	[tilespmem:$0xA720] =	vst v63  }
0xc0: {  	_ =	swait.ge [sflag:s8], $0x280  }
0xc1: {  	[sflag:s8] =	ssyncset.done $0x0  }
0xc2: {  	s17 =	simm.s32 $0x280;
	s18 =	simm.s32 $0x27D8;
	[sflag:s8] =	ssyncadd.s32 $0xFFFFFD80  }
.LBB2_2:
0xc3: {  	[spmem:s1] =	stream.indirect.scatter.add.f32 [tilespmem:s0], [sflag:$0x6], $0x10, s18, s31, $0xb8;
	[tilespmem:$0xA720] =	vst v63  }
0xc4: {  	s18 =	smov.u32 s17;
	s17 =	sadd.s32 $0x280, s17;
	_ =	swait.ge [sflag:s9], $0x280  }
0xc5: {  	s18 =	sshra.s32 s18, $0x2;
	p0 =	sne.s32 s17, $0x9880;
	[sflag:s9] =	ssyncset.done $0x0  }
0xc6: {  	s19 =	sadd.s32 $0xA0, s18;
	[sflag:s9] =	ssyncadd.s32 $0xFFFFFD80  }
0xc7: {  	[tilespmem:s28], [sflag:$0x1] =	stream.indirect.gather [spmem:s2], $0x10, s19, s31, $0xb8;
	[tilespmem:$0xA720] =	vst v63  }
0xc8: {  	_ =	swait.ge [sflag:s10], $0x280  }
0xc9: {  	[sflag:s10] =	ssyncset.done $0x0  }
0xca: {  	s19 =	sadd.s32 $0x2760, s18;
	[sflag:s10] =	ssyncadd.s32 $0xFFFFFD80  }
0xcb: {  	[spmem:s1] =	stream.indirect.scatter.add.f32 [tilespmem:s3], [sflag:$0x7], $0x10, s19, s31, $0xb8;
	[tilespmem:$0xA720] =	vst v63  }
0xcc: {  	_ =	swait.ge [sflag:s11], $0x280  }
0xcd: {  	[sflag:s11] =	ssyncset.done $0x0  }
0xce: {  	s19 =	sadd.s32 $0xC8, s18;
	[sflag:s11] =	ssyncadd.s32 $0xFFFFFD80  }
0xcf: {  	[tilespmem:s0], [sflag:$0x2] =	stream.indirect.gather [spmem:s2], $0x10, s19, s31, $0xb8;
	[tilespmem:$0xA720] =	vst v63  }
0xd0: {  	_ =	swait.ge [sflag:s12], $0x280  }
0xd1: {  	[sflag:s12] =	ssyncset.done $0x0  }
0xd2: {  	s19 =	sadd.s32 $0x2788, s18;
	[sflag:s12] =	ssyncadd.s32 $0xFFFFFD80  }
0xd3: {  	[spmem:s1] =	stream.indirect.scatter.add.f32 [tilespmem:s7], [sflag:$0x8], $0x10, s19, s31, $0xb8;
	[tilespmem:$0xA720] =	vst v63  }
0xd4: {  	_ =	swait.ge [sflag:s13], $0x280  }
0xd5: {  	[sflag:s13] =	ssyncset.done $0x0  }
0xd6: {  	s19 =	sadd.s32 $0xF0, s18;
	[sflag:s13] =	ssyncadd.s32 $0xFFFFFD80  }
0xd7: {  	[tilespmem:s3], [sflag:$0x3] =	stream.indirect.gather [spmem:s2], $0x10, s19, s31, $0xb8;
	[tilespmem:$0xA720] =	vst v63  }
0xd8: {  	_ =	swait.ge [sflag:s6], $0x280  }
0xd9: {  	[sflag:s6] =	ssyncset.done $0x0  }
0xda: {  	s19 =	sadd.s32 $0x27B0, s18;
	[sflag:s6] =	ssyncadd.s32 $0xFFFFFD80  }
0xdb: {  	[spmem:s1] =	stream.indirect.scatter.add.f32 [tilespmem:s28], [sflag:$0x5], $0x10, s19, s31, $0xb8;
	[tilespmem:$0xA720] =	vst v63  }
0xdc: {  	_ =	swait.ge [sflag:s14], $0x280  }
0xdd: {  	[sflag:s14] =	ssyncset.done $0x0  }
.Ltmp0:
0xde: {  	s19 =	sadd.s32 $0x118, s18;
	[sflag:s14] =	ssyncadd.s32 $0xFFFFFD80;
	(pc) =	sbr.rel @p0 .LBB2_2-.Ltmp0, $4  }
0xdf: {  	[tilespmem:s7], [sflag:$0x4] =	stream.indirect.gather [spmem:s2], $0x10, s19, s31, $0xb8;
	[tilespmem:$0xA720] =	vst v63  }
0xe0: {  	_ =	swait.ge [sflag:s8], $0x280  }
0xe1: {  	[sflag:s8] =	ssyncset.done $0x0  }
0xe2: {  	s18 =	sadd.s32 $0x27D8, s18;
	[sflag:s8] =	ssyncadd.s32 $0xFFFFFD80  }
0xe3: {  	[spmem:s1] =	stream.indirect.scatter.add.f32 [tilespmem:s0], [sflag:$0x6], $0x10, s18, s31, $0xb8;
	[tilespmem:$0xA720] =	vst v63  }
0xe4: {  	_ =	swait.ge [sflag:s9], $0x280  }
0xe5: {  	s17 =	sshra.s32 s17, $0x2;
	[sflag:s9] =	ssyncset.done $0x0  }
0xe6: {  	s19 =	sadd.s32 $0xA0, s17;
	[sflag:s9] =	ssyncadd.s32 $0xFFFFFD80  }
0xe7: {  	[tilespmem:s28], [sflag:$0x1] =	stream.indirect.gather [spmem:s2], $0x10, s19, s31, $0xb8;
	[tilespmem:$0xA720] =	vst v63  }
0xe8: {  	_ =	swait.ge [sflag:s10], $0x280  }
0xe9: {  	[sflag:s10] =	ssyncset.done $0x0  }
0xea: {  	s19 =	sadd.s32 $0x2760, s17;
	[sflag:s10] =	ssyncadd.s32 $0xFFFFFD80  }
0xeb: {  	[spmem:s1] =	stream.indirect.scatter.add.f32 [tilespmem:s3], [sflag:$0x7], $0x10, s19, s31, $0xb8;
	[tilespmem:$0xA720] =	vst v63  }
0xec: {  	_ =	swait.ge [sflag:s11], $0x280  }
0xed: {  	[sflag:s11] =	ssyncset.done $0x0  }
0xee: {  	s19 =	simm.s32 $0x26E8;
	[sflag:s11] =	ssyncadd.s32 $0xFFFFFD80  }
0xef: {  	[tilespmem:s0], [sflag:$0x2] =	stream.indirect.gather [spmem:s2], $0x10, s19, s31, $0xb8;
	[tilespmem:$0xA720] =	vst v63  }
0xf0: {  	_ =	swait.ge [sflag:s12], $0x280  }
0xf1: {  	[sflag:s12] =	ssyncset.done $0x0  }
0xf2: {  	s19 =	sadd.s32 $0x2788, s17;
	[sflag:s12] =	ssyncadd.s32 $0xFFFFFD80  }
0xf3: {  	[spmem:s1] =	stream.indirect.scatter.add.f32 [tilespmem:s7], [sflag:$0x8], $0x10, s19, s31, $0xb8;
	[tilespmem:$0xA720] =	vst v63  }
0xf4: {  	_ =	swait.ge [sflag:s6], $0x280  }
0xf5: {  	[sflag:s6] =	ssyncset.done $0x0  }
0xf6: {  	s17 =	sadd.s32 $0x27B0, s17;
	[sflag:s6] =	ssyncadd.s32 $0xFFFFFD80  }
0xf7: {  	[spmem:s1] =	stream.indirect.scatter.add.f32 [tilespmem:s28], [sflag:$0x5], $0x10, s17, s31, $0xb8;
	[tilespmem:$0xA720] =	vst v63  }
0xf8: {  	_ =	swait.ge [sflag:s8], $0x280  }
0xf9: {  	[sflag:s8] =	ssyncset.done $0x0  }
0xfa: {  	s18 =	simm.s32 $0x4DF8;
	[sflag:s8] =	ssyncadd.s32 $0xFFFFFD80  }
0xfb: {  	[spmem:s1] =	stream.indirect.scatter.add.f32 [tilespmem:s0], [sflag:$0x6], $0x10, s18, s31, $0xb8;
	[tilespmem:$0xA720] =	vst v63  }
0xfc: {  	_ =	swait.ge [sflag:s13], $0x280  }
0xfd: {  	[sflag:s13] =	ssyncset.done $0x0  }
0xfe: {  	[sflag:s13] =	ssyncadd.s32 $0xFFFFFD80  }
0xff: {  	_ =	swait.ge [sflag:s14], $0x280  }
0x100: {  	[sflag:s14] =	ssyncset.done $0x0  }
0x101: {  	[sflag:s14] =	ssyncadd.s32 $0xFFFFFD80  }
0x102: {  	_ =	swait.ge [sflag:s9], $0x280  }
0x103: {  	[sflag:s9] =	ssyncset.done $0x0  }
0x104: {  	[sflag:s9] =	ssyncadd.s32 $0xFFFFFD80  }
0x105: {  	_ =	swait.ge [sflag:s11], $0x280  }
0x106: {  	s15 =	sadd.s32 $0x1, s15;
	[sflag:s11] =	ssyncset.done $0x0  }
0x107: {  	p0 =	sne.s32 s15, s25;
	[sflag:s11] =	ssyncadd.s32 $0xFFFFFD80  }
.Ltmp1:
0x108: {  	s19 =	sshrl.u32 s5, $0x3;
	[bflag:$0x0] =	sbarrier.arrive $0xFFFF;
	(pc) =	sbr.rel @p0 .LBB2_1-.Ltmp1, $4  }
0x109: {  	[hbm:s20], [sflag:s16] =	dma.local [spmem:s19], $0x4F0  }
0x10a: {  	_ =	swait.ge [sflag:s29], $0x4F0  }
0x10b: {  	[sflag:s29] =	ssyncset.done $0x0  }
0x10c: {  	[sflag:s29] =	ssyncadd.s32 $0xFFFFFB10  }
0x10d: {  	_ =	sfence.sel $0x180000  }
0x10e: {  	[bflag:$0x0] =	sbarrier.arrive $0xFFFF  }
0x10f: {  	_ =	strace $0x9000004D  }
0x110: {  	s0 =	stileid.u32;
	[bflag:$0x2] =	sbarrier.arrive $0xFFFF  }
0x111: {  	p0 =	sne.s32 s0, $0x0;
	s0 =	rddreg [dreg:$0x5]  }
0x112: {  	s0 =	sadd.s32 @!p0 $0x100000, s0  }
0x113: {  	[sflag:s0] =	ssyncadd.tile.s32 @!p0 $0x1;
	_ =	shalt  }
.Lfunc_end2:
_tile_overlayer_lowered:
.L_overlay_start_2:
0x114: {  	(tag) =	ssettag $0x2  }
0x115: {  	s0 =	rddreg [dreg:$0x0];
	s2 =	stileid.u32  }
0x116: {  	s1 =	rddreg [dreg:$0x1];
	p0 =	sne.s32 s2, $0x0  }
0x117: {  	s3 =	rddreg [dreg:$0x2];
	[bflag:$0x3] =	sbarrier.arrive $0xFFFF;
	s2 =	simm.s32 @!p0 $0x1C09  }
0x118: {  	[timem:s3], [sflag:s2] =	dma.local @!p0 [hbm:s0], s1  }
0x119: {  	s0 =	simm.s32 @!p0 $0x9  }
0x11a: {  	_ =	swait.ge @!p0 [sflag:s0], s1  }
0x11b: {  	s1 =	ssub.s32 @!p0 $0x0, s1;
	[sflag:s0] =	ssyncset.done @!p0 $0x0  }
0x11c: {  	[sflag:s0] =	ssyncadd.s32 @!p0 s1  }
0x11d: {  	[bflag:$0x3] =	sbarrier.arrive $0xFFFF  }
0x11e: {  	_ =	shalt  }

// kernel: kernel.9.cloned.1.call-start
scs
__scs_entry_jumppad:
0x0: {  	(pc) =	sbr.rel $0x88, $3  }
0x1: {  	(tag) =	ssettag $0x0;
	lr =	simm.s32 $0x1  }
0x2: {  	[smem:$0x3F98] =	sst lr;
	_ =	strace $0xD0000000  }
0x3: {  	_ = 	snop  }
0x4: {  	_ = 	snop  }
0x5: {  	_ = 	snop  }
0x6: {  	_ = 	snop  }
0x7: {  	_ = 	snop  }
__scs_overlays_trampoline_lowered:
0x8: {  	[smem:$0x3FA7] =	sst s0  }
0x9: {  	[smem:$0x3FA8] =	sst s1  }
0xa: {  	[smem:$0x3FA9] =	sst s2  }
0xb: {  	[smem:$0x3FAA] =	sst s3  }
0xc: {  	[smem:$0x3FAB] =	sst s4  }
0xd: {  	[smem:$0x3FAC] =	sst s5  }
0xe: {  	[smem:$0x3FAD] =	sst s6  }
0xf: {  	[smem:$0x3FAE] =	sst s7  }
0x10: {  	[smem:$0x3FAF] =	sst s8  }
0x11: {  	[smem:$0x3FB0] =	sst s9;
	s0 =	simm.s32 @!p0 $0x0  }
0x12: {  	s1 =	sld [smem:$0x3F96];
	s0 =	simm.s32 @p0 $0x1  }
0x13: {  	[smem:$0x3FB1] =	sst s0;
	s0 =	simm.s32 @!p1 $0x0  }
0x14: {  	s2 =	sld [smem:$0x3F95];
	s0 =	simm.s32 @p1 $0x1  }
0x15: {  	[smem:$0x3FB2] =	sst s0;
	s0 =	simm.s32 @!p2 $0x0  }
0x16: {  	s3 =	sld [smem:$0x3FDB];
	s0 =	simm.s32 @p2 $0x1  }
0x17: {  	s4 =	simm.s32 $0x1BF5;
	[smem:$0x3FB4] =	sst s0  }
0x18: {  	s0 =	sld [smem:$0x3F97];
	_ =	swait.ge [sflag:s4], $0x0  }
0x19: {  	s7 =	sld [smem:$0x3F98]  }
0x1a: {  	s8 =	sadd.s32 $0xFFFFE003, lr  }
0x1b: {  	s9 =	sadd.s32 $0xFFFFFEF7, lr;
	s5 =	simm.s32 $0xFFFFFFFF;
	p2 =	slt.u32 s8, $0xFFFFF086  }
0x1c: {  	p1 =	slt.u32 s9, $0xF7A;
	s5 =	simm.s32 @!p2 $0x0  }
0x1d: {  	s5 =	simm.s32 @p1 $0x1;
	p0 =	seq.s32 s7, s2  }
0x1e: {  	s7 =	smul.u32 @!p0 $0xF7A, s2;
	p2 =	seq.s32 @!p0 s5, $0x0  }
0x1f: {  	s9 =	smul.u32 $0xF7A, s1;
	s8 =	simm.s32 @!p0 $0x1BF5;
	p2 =	por !p2, p0  }
0x20: {  	[sflag:s8] =	ssyncset.s32 @!p0 $0xFFFFF086;
	s6 =	sadd.s32 @!p0 s3, s7;
	s7 =	simm.s32 @!p0 $0x108  }
0x21: {  	s3 =	sadd.s32 s3, s9;
	s6 =	sadd.s32 @!p0 $0x88, s6;
	s7 =	simm.s32 @p2 $0x1082  }
0x22: {  	[simem:s7], [sflag:s8] =	dma.local @!p0 [hbm:s6], $0xF7A  }
0x23: {  	s9 =	sor.u32 $0xD0000000, s2;
	s6 =	simm.s32 $0x108;
	_ =	swait.ge @!p0 [sflag:s8], $0x0  }
0x24: {  	s3 =	sadd.s32 $0x88, s3;
	s6 =	simm.s32 @!p1 $0x1082;
	[sflag:s4] =	ssyncset.s32 $0xFFFFF086  }
0x25: {  	[simem:s6], [sflag:s4] =	dma.local [hbm:s3], $0xF7A  }
0x26: {  	[smem:$0x3F98] =	sst s1;
	(tag) =	ssettag s2;
	_ =	strace s9  }
0x27: {  	s1 =	sld [smem:$0x3FA8]  }
0x28: {  	s2 =	sld [smem:$0x3FA9]  }
0x29: {  	s4 =	sld [smem:$0x3FAB]  }
0x2a: {  	p0 =	seq.s32 s5, $0x0;
	s5 =	sld [smem:$0x3FAC]  }
0x2b: {  	s6 =	sld [smem:$0x3FAD]  }
0x2c: {  	s7 =	sld [smem:$0x3FAE]  }
0x2d: {  	s3 =	simm.s32 $0x108;
	s8 =	sld [smem:$0x3FAF]  }
0x2e: {  	s3 =	simm.s32 @!p0 $0x1082;
	s9 =	sld [smem:$0x3FB0]  }
0x2f: {  	lr =	sadd.s32 s0, s3;
	s0 =	sld [smem:$0x3FA7]  }
0x30: {  	s3 =	sld [smem:$0x3FAA]  }
0x31: {  	[smem:$0x3FB3] =	sst s10  }
0x32: {  	s10 =	sld [smem:$0x3FB1];
	_ =	sdelay $0x3  }
0x33: {  	p0 =	seq.s32 s10, $0x1;
	s10 =	sld [smem:$0x3FB3];
	_ =	sdelay $0x3  }
0x34: {  	[smem:$0x3FB3] =	sst s10  }
0x35: {  	s10 =	sld [smem:$0x3FB2];
	_ =	sdelay $0x3  }
0x36: {  	p1 =	seq.s32 s10, $0x1;
	s10 =	sld [smem:$0x3FB3];
	_ =	sdelay $0x3  }
0x37: {  	[smem:$0x3FB3] =	sst s10  }
0x38: {  	s10 =	sld [smem:$0x3FB4]  }
0x39: {  	_ = 	snop;
	(pc) =	sbr.ind lr, $3  }
0x3a: {  	_ = 	snop  }
0x3b: {  	_ = 	snop  }
0x3c: {  	p2 =	seq.s32 s10, $0x1;
	s10 =	sld [smem:$0x3FB3]  }
0x3d: {  	_ =	shalt  }
0x3e: {  	_ =	shalt  }
0x3f: {  	_ =	shalt  }
0x40: {  	_ =	shalt  }
0x41: {  	_ =	shalt  }
0x42: {  	_ =	shalt  }
0x43: {  	_ =	shalt  }
0x44: {  	_ =	shalt  }
0x45: {  	_ =	shalt  }
0x46: {  	_ =	shalt  }
0x47: {  	_ =	shalt  }
0x48: {  	_ =	shalt  }
0x49: {  	_ =	shalt  }
0x4a: {  	_ =	shalt  }
0x4b: {  	_ =	shalt  }
0x4c: {  	_ =	shalt  }
0x4d: {  	_ =	shalt  }
0x4e: {  	_ =	shalt  }
0x4f: {  	_ =	shalt  }
0x50: {  	_ =	shalt  }
0x51: {  	_ =	shalt  }
0x52: {  	_ =	shalt  }
0x53: {  	_ =	shalt  }
0x54: {  	_ =	shalt  }
0x55: {  	_ =	shalt  }
0x56: {  	_ =	shalt  }
0x57: {  	_ =	shalt  }
0x58: {  	_ =	shalt  }
0x59: {  	_ =	shalt  }
0x5a: {  	_ =	shalt  }
0x5b: {  	_ =	shalt  }
0x5c: {  	_ =	shalt  }
0x5d: {  	_ =	shalt  }
0x5e: {  	_ =	shalt  }
0x5f: {  	_ =	shalt  }
0x60: {  	_ =	shalt  }
0x61: {  	_ =	shalt  }
0x62: {  	_ =	shalt  }
0x63: {  	_ =	shalt  }
0x64: {  	_ =	shalt  }
0x65: {  	_ =	shalt  }
0x66: {  	_ =	shalt  }
0x67: {  	_ =	shalt  }
0x68: {  	_ =	shalt  }
0x69: {  	_ =	shalt  }
0x6a: {  	_ =	shalt  }
0x6b: {  	_ =	shalt  }
0x6c: {  	_ =	shalt  }
0x6d: {  	_ =	shalt  }
0x6e: {  	_ =	shalt  }
0x6f: {  	_ =	shalt  }
0x70: {  	_ =	shalt  }
0x71: {  	_ =	shalt  }
0x72: {  	_ =	shalt  }
0x73: {  	_ =	shalt  }
0x74: {  	_ =	shalt  }
0x75: {  	_ =	shalt  }
0x76: {  	_ =	shalt  }
0x77: {  	_ =	shalt  }
0x78: {  	_ =	shalt  }
0x79: {  	_ =	shalt  }
0x7a: {  	_ =	shalt  }
0x7b: {  	_ =	shalt  }
0x7c: {  	_ =	shalt  }
0x7d: {  	_ =	shalt  }
0x7e: {  	_ =	shalt  }
0x7f: {  	_ =	shalt  }
0x80: {  	_ =	shalt  }
0x81: {  	_ =	shalt  }
0x82: {  	_ =	shalt  }
0x83: {  	_ =	shalt  }
0x84: {  	_ =	shalt  }
0x85: {  	_ =	shalt  }
0x86: {  	_ =	shalt  }
0x87: {  	_ =	shalt  }
.Lfunc_end0:
.L_simem_size_0:
called_computation_lowered:
.L_overlay_start_0:
0x88: {  	s2 =	sld [smem:$0x3FD9]  }
0x89: {  	s3 =	sld [smem:$0x3FFE];
	_ =	sdelay $0x1  }
0x8a: {  	s1 =	srdreg.scid  }
0x8b: {  	s0 =	sand.u32 $0x1, s1  }
0x8c: {  	s14 =	sshll.u32 s0, $0xA;
	s2 =	sadd.s32 s3, s2  }
0x8d: {  	s2 =	sadd.s32 s2, s14  }
0x8e: {  	[smem:$0x3FBF] =	sst s2  }
0x8f: {  	_ = 	snop  }
0x90: {  	s2 =	sld [smem:$0x3FD0];
	_ =	sdelay $0x2  }
0x91: {  	s15 =	simm.s32 $0xA;
	s4 =	simm.s32 $0x10  }
0x92: {  	[smem:s4], [sflag:s15] =	dma.local [hbm:s2], $0x1  }
0x93: {  	_ =	swait.eq [sflag:s15], $0x1  }
0x94: {  	[sflag:s15] =	ssyncset.done $0x0  }
0x95: {  	[sflag:s15] =	ssyncadd.s32 $0xFFFFFFFF  }
0x96: {  	s16 =	sld [smem:$0x11];
	(tm) =	ssettm $0x1  }
0x97: {  	s17 =	sld [smem:$0x3FFB];
	_ =	sdelay $0x3  }
0x98: {  	_ =	strace s17  }
0x99: {  	s3 =	sld [smem:$0x3FFC];
	_ =	sdelay $0x3  }
0x9a: {  	_ =	strace s3  }
0x9b: {  	s3 =	sld [smem:$0x3FFD];
	_ =	sdelay $0x3  }
0x9c: {  	_ =	strace s3  }
0x9d: {  	_ =	strace $0x8FFFFFFF  }
0x9e: {  	s18 =	sld [smem:$0x3FDB];
	_ =	sdelay $0x1  }
0x9f: {  	s19 =	simm.s32 $_scs_section_size  }
0xa0: {  	s5 =	simm.s32 $_size__tile_overlayer_lowered;
	s6 =	simm.s32 $_tile_overlayer_lowered  }
0xa1: {  	s22 =	simm.s32 $0x1BFF;
	s21 =	sshll.u32 s6, $0x1;
	s3 =	sadd.s32 s19, s18  }
0xa2: {  	s7 =	simm.s32 $0x0;
	s20 =	sshll.u32 s5, $0x1;
	s5 =	sadd.s32 s21, s3  }
0xa3: {  	[timem:s7], [sflag:s22] =	dma.local [hbm:s5], s20  }
0xa4: {  	_ =	swait.ge [sflag:s22], s20  }
0xa5: {  	s4 =	ssub.s32 $0x0, s20;
	[sflag:s22] =	ssyncset.done $0x0  }
0xa6: {  	[sflag:s22] =	ssyncadd.s32 s4;
	_ =	sdelay $0x1  }
0xa7: {  	s23 =	simm.s32 $0x1B8B  }
0xa8: {  	_ =	swait.ge [sflag:s23], $0x1  }
0xa9: {  	[sflag:s23] =	ssyncset.done $0x0  }
0xaa: {  	s25 =	simm.s32 $0x1B8E;
	s24 =	sld [smem:$0x3FFE];
	[sflag:s23] =	ssyncadd.s32 $0xFFFFFFFF  }
0xab: {  	s26 =	simm.s32 $execute0_lowered;
	[smem:$0x3FD2] =	sst s25  }
0xac: {  	s5 =	sshll.u32 s26, $0x1;
	_ =	strace $0x80000046;
	[dreg:$0x1] =	wrdreg $0xFFFFFFFF  }
0xad: {  	s28 =	simm.s32 $_size_execute0_lowered;
	s3 =	sadd.s32 s3, s5;
	[dreg:$0x0] =	wrdreg $0x0  }
0xae: {  	s5 =	sshll.u32 s28, $0x1;
	[dreg:$0x2] =	wrdreg s3  }
0xaf: {  	[dreg:$0x3] =	wrdreg s5  }
0xb0: {  	[dreg:$0x4] =	wrdreg $0xC0  }
0xb1: {  	_ =	task [dreg:s7], $0x5FFFF  }
0xb2: {  	[dreg:$0x1] =	wrdreg $0xFFFFFFFF  }
0xb3: {  	[dreg:$0x0] =	wrdreg $0x60  }
0xb4: {  	[dreg:$0x2] =	wrdreg s24  }
0xb5: {  	[dreg:$0x3] =	wrdreg s16  }
0xb6: {  	[dreg:$0x4] =	wrdreg $0x2C100  }
0xb7: {  	[dreg:$0x5] =	wrdreg $0x9  }
0xb8: {  	_ =	task.clear_ibuf [dreg:s7], $0x6FFFF;
	_ =	strace $0x90000046  }
0xb9: {  	s29 =	simm.s32 $0x9;
	_ =	strace $0x80000048  }
0xba: {  	_ =	swait.ge [sflag:s29], $0x1  }
0xbb: {  	[sflag:s29] =	ssyncadd.s32 $0xFFFFFFFF  }
0xbc: {  	_ =	strace $0x90000048  }
0xbd: {  	_ =	sfence  }
0xbe: {  	s30 =	sld [smem:$0x0];
	_ =	sdelay $0x2  }
0xbf: {  	s31 =	sshll.u32 s1, $0xD;
	s1 =	sshrl.u32 s1, $0x2  }
0xc0: {  	s3 =	sand.u32 $0x4000, s31;
	s1 =	sadd.s32 s1, s30  }
0xc1: {  	s0 =	sor.u32 s3, s0;
	s1 =	sshll.u32 s1, $0x11  }
0xc2: {  	s0 =	sor.u32 s1, s0  }
0xc3: {  	s0 =	sadd.s32 $0x8F2B, s0  }
0xc4: {  	[sflag:s0] =	ssyncadd.remote.s32 $0x1  }
0xc5: {  	_ =	sfence.sel $0xFFFF  }
0xc6: {  	[dreg:$0x0] =	wrdreg $0xFFFFFFFF;
	(pc) =	sbr.abs _section_cstart, $3  }
0xc7: {  	[dreg:$0x1] =	wrdreg $0xFFFFFFFF  }
0xc8: {  	_ =	task.clear_ibuf [dreg:s7], $0x2FFFF;
	_ =	strace $0x9FFFFFFF  }
0xc9: {  	(tm) =	ssettm $0x7FFFFFFF  }
tec
execute0_lowered:
.L_overlay_start_1:
0x0: {  	(tag) =	ssettag $0x1  }
0x1: {  	s4 =	rddreg [dreg:$0x0]  }
0x2: {  	s13 =	rddreg [dreg:$0x1]  }
0x3: {  	s1 =	rddreg [dreg:$0x2]  }
0x4: {  	s2 =	srdreg.scid;
	s0 =	rddreg [dreg:$0x3];
	s3 =	simm.s32 $0x0  }
0x5: {  	s17 =	simm.s32 $0x50;
	s6 =	sand.u32 $0x1, s2;
	s2 =	stileid.u32  }
0x6: {  	s18 =	simm.s32 $0x1;
	[smem:$0x7FF] =	sst s3;
	s7 =	smul.u32 $0x9E00, s2  }
0x7: {  	s5 =	sshll.u32 s6, $0x4;
	_ =	strace $0x80000047;
	s11 =	smul.u32 $0x2780, s2  }
0x8: {  	s8 =	ssub.s32 $0x2, s6;
	s16 =	smul.u32 $0x27800, s6;
	s19 =	sshll.u32 s2, $0x6  }
0x9: {  	s5 =	sor.u32 s2, s5;
	s9 =	sshrl.u32 s8, $0x1;
	s19 =	sor.u32 $0x1C02, s19  }
0xa: {  	s5 =	smul.u32 $0x4E2, s5;
	s7 =	sshrl.u32 s7, $0x2;
	s16 =	sadd.s32 s11, s16  }
0xb: {  	s14 =	ssub.s32 s8, s9;
	s15 =	sadd.s32 s7, s1;
	s31 =	sshrl.u32 s16, $0x3  }
0xc: {  	s14 =	smax.u32 s14, $0x1;
	s16 =	simm.s32 $0x2;
	s12 =	sadd.s32 s5, s4  }
0xd: {  	s4 =	sadd.s32 s11, s1;
	s5 =	sadd.s32 $0x500, s15;
	s6 =	sadd.s32 $0xA00, s15  }
0xe: {  	s7 =	sadd.s32 $0xF00, s15;
	s8 =	sadd.s32 $0x1400, s15;
	s9 =	sadd.s32 $0x1900, s15  }
0xf: {  	s10 =	sadd.s32 $0x1E00, s15;
	s11 =	sadd.s32 $0x2300, s15;
	s13 =	sadd.s32 s13, s31  }
0x10: {  	v0 =	vimm.f32 $0.0e+00;
	v1 =	vimm.f32 $1.000000000e+00;
	s15 =	simm.s32 $0x2710;
	s12 =	sadd.s32 $0x2800, s12;
	s20 =	sshrl.u32 s4, $0x3  }
.LBB2_1:
0x11: {  	s21 =	simm.s32 $0x40;
	s22 =	simm.s32 $0x0  }
.LBB2_2:
0x12: {  	p0 =	sne.s32 s21, $0x13C0;
	[tilespmem:s22+$0x2710] =	vst v0;
	s22 =	smov.u32 s21;
	s21 =	sadd.s32 $0x40, s21  }
.Ltmp0:
0x13: {  	(pc) =	sbr.rel @p0 .LBB2_2-.Ltmp0, $2  }
0x14: {  	_ =	sdelay $0x2  }
0x15: {  	s22 =	sshra.s32 s22, $0x2  }
0x16: {  	[tilespmem:s22+$0x2710] =	vst v0  }
0x17: {  	[spmem:s4] =	stream.linear.scatter [tilespmem:s15], [sflag:$0x2], $0x500, $0x38;
	[tilespmem:$0x5390] =	vst v63  }
0x18: {  	_ =	swait.ge [sflag:s16], $0x500  }
0x19: {  	[sflag:s16] =	ssyncset.done $0x0  }
0x1a: {  	[sflag:s16] =	ssyncadd.s32 $0xFFFFFB00  }
0x1b: {  	[spmem:s5] =	stream.linear.scatter [tilespmem:s15], [sflag:$0x2], $0x500, $0x38;
	[tilespmem:$0x5390] =	vst v63  }
0x1c: {  	_ =	swait.ge [sflag:s16], $0x500  }
0x1d: {  	[sflag:s16] =	ssyncset.done $0x0  }
0x1e: {  	[sflag:s16] =	ssyncadd.s32 $0xFFFFFB00  }
0x1f: {  	[spmem:s6] =	stream.linear.scatter [tilespmem:s15], [sflag:$0x2], $0x500, $0x38;
	[tilespmem:$0x5390] =	vst v63  }
0x20: {  	_ =	swait.ge [sflag:s16], $0x500  }
0x21: {  	[sflag:s16] =	ssyncset.done $0x0  }
0x22: {  	[sflag:s16] =	ssyncadd.s32 $0xFFFFFB00  }
0x23: {  	[spmem:s7] =	stream.linear.scatter [tilespmem:s15], [sflag:$0x2], $0x500, $0x38;
	[tilespmem:$0x5390] =	vst v63  }
0x24: {  	_ =	swait.ge [sflag:s16], $0x500  }
0x25: {  	[sflag:s16] =	ssyncset.done $0x0  }
0x26: {  	[sflag:s16] =	ssyncadd.s32 $0xFFFFFB00  }
0x27: {  	[spmem:s8] =	stream.linear.scatter [tilespmem:s15], [sflag:$0x2], $0x500, $0x38;
	[tilespmem:$0x5390] =	vst v63  }
0x28: {  	_ =	swait.ge [sflag:s16], $0x500  }
0x29: {  	[sflag:s16] =	ssyncset.done $0x0  }
0x2a: {  	[sflag:s16] =	ssyncadd.s32 $0xFFFFFB00  }
0x2b: {  	[spmem:s9] =	stream.linear.scatter [tilespmem:s15], [sflag:$0x2], $0x500, $0x38;
	[tilespmem:$0x5390] =	vst v63  }
0x2c: {  	_ =	swait.ge [sflag:s16], $0x500  }
0x2d: {  	[sflag:s16] =	ssyncset.done $0x0  }
0x2e: {  	[sflag:s16] =	ssyncadd.s32 $0xFFFFFB00  }
0x2f: {  	[spmem:s10] =	stream.linear.scatter [tilespmem:s15], [sflag:$0x2], $0x500, $0x38;
	[tilespmem:$0x5390] =	vst v63  }
0x30: {  	_ =	swait.ge [sflag:s16], $0x500  }
0x31: {  	[sflag:s16] =	ssyncset.done $0x0  }
0x32: {  	[sflag:s16] =	ssyncadd.s32 $0xFFFFFB00  }
0x33: {  	[spmem:s11] =	stream.linear.scatter [tilespmem:s15], [sflag:$0x2], $0x480, $0x38;
	[tilespmem:$0x5390] =	vst v63  }
0x34: {  	_ =	swait.ge [sflag:s16], $0x480  }
0x35: {  	[sflag:s16] =	ssyncset.done $0x0  }
0x36: {  	s21 =	simm.s32 $0x40;
	s22 =	simm.s32 $0x0;
	[sflag:s16] =	ssyncadd.s32 $0xFFFFFB80  }
.LBB2_4:
0x37: {  	p0 =	sne.s32 s21, $0x13C0;
	[tilespmem:s22+$0x2710] =	vst v1;
	s22 =	smov.u32 s21;
	s21 =	sadd.s32 $0x40, s21  }
.Ltmp1:
0x38: {  	(pc) =	sbr.rel @p0 .LBB2_4-.Ltmp1, $2  }
0x39: {  	_ =	sdelay $0x2  }
0x3a: {  	s22 =	sshra.s32 s22, $0x2  }
0x3b: {  	[tilespmem:s22+$0x2710] =	vst v1;
	s21 =	simm.s32 $0x0  }
0x3c: {  	[tilespmem:s21], [sflag:$0x2] =	stream.linear.gather [hbm4b:s12+s21], $0x2710, $0x38;
	[tilespmem:$0x5390] =	vst v63  }
0x3d: {  	_ =	swait.ge [sflag:s16], $0x2710  }
0x3e: {  	[sflag:s16] =	ssyncset.done $0x0  }
0x3f: {  	[sflag:s16] =	ssyncadd.s32 $0xFFFFD8F0  }
0x40: {  	[bflag:$0x0] =	sbarrier.arrive $0xFFFF  }
.LBB2_6:
0x41: {  	p0 =	sne.s32 s21, $0x9B00  }
.Ltmp2:
0x42: {  	_ = 	snop;
	(pc) =	sbr.rel @p0 .LBB2_6-.Ltmp2, $3  }
0x43: {  	_ =	sdelay $0x1  }
0x44: {  	s22 =	sshra.s32 s21, $0x2;
	s21 =	sadd.s32 $0x140, s21  }
0x45: {  	[spmem:s1] =	stream.indirect.scatter.add.f32 [tilespmem:s15], [sflag:$0x1], $0x10, s22, s17, $0xb8;
	[tilespmem:$0x5390] =	vst v63  }
0x46: {  	_ =	swait.ge [sflag:s18], $0x500  }
0x47: {  	s21 =	simm.s32 $0x7C;
	[sflag:s18] =	ssyncset.done $0x0  }
.LBB2_8:
0x48: {  	p0 =	sne.s32 s21, $0x1;
	s21 =	sadd.s32 $0xFFFFFFFF, s21;
	[sflag:s18] =	ssyncadd.s32 $0xFFFFFB00  }
.Ltmp3:
0x49: {  	(pc) =	sbr.rel @p0 .LBB2_8-.Ltmp3, $3  }
0x4a: {  	_ =	sdelay $0x1  }
0x4b: {  	_ =	swait.ge [sflag:s18], $0x500  }
0x4c: {  	[sflag:s18] =	ssyncset.done $0x0  }
0x4d: {  	s3 =	sadd.s32 $0x1, s3  }
0x4e: {  	[sflag:s18] =	ssyncadd.s32 $0xFFFFFB00;
	p0 =	sne.s32 s3, s14  }
.Ltmp4:
0x4f: {  	[bflag:$0x0] =	sbarrier.arrive $0xFFFF;
	(pc) =	sbr.rel @p0 .LBB2_1-.Ltmp4, $4  }
0x50: {  	[hbm:s13], [sflag:s19] =	dma.local [spmem:s20], $0x4F0  }
0x51: {  	_ =	swait.ge [sflag:s16], $0x4F0  }
0x52: {  	[sflag:s16] =	ssyncset.done $0x0  }
0x53: {  	[sflag:s16] =	ssyncadd.s32 $0xFFFFFB10  }
0x54: {  	_ =	sfence.sel $0x180000  }
0x55: {  	[bflag:$0x0] =	sbarrier.arrive $0xFFFF  }
0x56: {  	p0 =	sne.s32 s2, $0x0;
	_ =	strace $0x90000047  }
0x57: {  	s0 =	sadd.s32 @!p0 $0x100000, s0;
	[bflag:$0x2] =	sbarrier.arrive $0xFFFF  }
0x58: {  	[sflag:s0] =	ssyncadd.tile.s32 @!p0 $0x1;
	_ =	shalt  }
.Lfunc_end2:
_tile_overlayer_lowered:
.L_overlay_start_2:
0x59: {  	(tag) =	ssettag $0x2  }
0x5a: {  	s0 =	rddreg [dreg:$0x0];
	s2 =	stileid.u32  }
0x5b: {  	s1 =	rddreg [dreg:$0x1];
	p0 =	sne.s32 s2, $0x0  }
0x5c: {  	s3 =	rddreg [dreg:$0x2];
	[bflag:$0x3] =	sbarrier.arrive $0xFFFF;
	s2 =	simm.s32 @!p0 $0x1C02  }
0x5d: {  	[timem:s3], [sflag:s2] =	dma.local @!p0 [hbm:s0], s1  }
0x5e: {  	s0 =	simm.s32 @!p0 $0x2  }
0x5f: {  	_ =	swait.ge @!p0 [sflag:s0], s1  }
0x60: {  	s1 =	ssub.s32 @!p0 $0x0, s1;
	[sflag:s0] =	ssyncset.done @!p0 $0x0  }
0x61: {  	[sflag:s0] =	ssyncadd.s32 @!p0 s1  }
0x62: {  	[bflag:$0x3] =	sbarrier.arrive $0xFFFF  }
0x63: {  	_ =	shalt  }

</sc_bundles>
